<compile_context>
chip_gen: v7x
topology: tpu7x:2x2x1
jax: 0.10.2.dev20260603
libtpu: 0.0.44.dev20260713+nightly
codegen_flags: <defaults>
</compile_context>

<pallas_src>
import functools

import jax
import jax.numpy as jnp
from jax import lax
from jax.experimental import pallas as pl
from jax.experimental.pallas import tpu as pltpu
from jax.experimental.pallas import tpu_sc as plsc

_EPS = 1e-14

_NC = 2
_NS = 16
_CH = 128


_NB = 6
_AH = 4


def _make_sc_segsum(N_pad, B, K0, K1, rem):
    mesh = plsc.VectorSubcoreMesh(core_axis_name="c", subcore_axis_name="s")
    rows_per = N_pad // _NS
    Kmax = max(K0, K1)

    def body(hv_hbm, ei_hbm, zero_hbm, out_hbm,
             ei_v, rows_v, acc_sh, hv_sh, gsem, ssem):
        cid = lax.axis_index("c")
        sid = lax.axis_index("s")
        pltpu.sync_copy(zero_hbm, acc_sh.at[pl.ds(sid * rows_per, rows_per)])
        stage_rows = hv_hbm.shape[0] // _NS
        pltpu.sync_copy(hv_hbm.at[pl.ds(sid * stage_rows, stage_rows)],
                        hv_sh.at[pl.ds(sid * stage_rows, stage_rows)])

        def gather(j, b):
            pltpu.async_copy(hv_sh.at[ei_v.at[j, 0]], rows_v.at[b], gsem.at[b])

        def run(Kc, chunk_base, extra):
            pltpu.sync_copy(ei_hbm.at[pl.ds(chunk_base, Kc)],
                            ei_v.at[pl.ds(0, Kc)])
            if extra and rem:
                @pl.when(sid < rem)
                def _():
                    pltpu.sync_copy(ei_hbm.at[pl.ds(_NS * (K0 + K1) + sid, 1)],
                                    ei_v.at[pl.ds(Kc, 1)])
            plsc.subcore_barrier()

            for a in range(_AH):
                gather(a, a)

            def group(g, carry):
                for b in range(_NB):
                    j = g * _NB + b
                    pltpu.make_async_copy(hv_sh.at[ei_v.at[j, 0]],
                                          rows_v.at[b], gsem.at[b]).wait()
                    pltpu.async_copy(rows_v.at[b], acc_sh.at[ei_v.at[j, 1]],
                                     ssem.at[b], add=True)
                    jn = j + _AH
                    bn = (b + _AH) % _NB

                    @pl.when(jn < Kc)
                    def _():
                        @pl.when(jn >= _NB)
                        def _():
                            pltpu.make_async_copy(
                                rows_v.at[bn],
                                acc_sh.at[ei_v.at[jn - _NB, 1]],
                                ssem.at[bn]).wait()
                        gather(jn, bn)
                return carry

            lax.fori_loop(0, Kc // _NB, group, 0)
            for b in range(_NB):
                pltpu.make_async_copy(rows_v.at[b],
                                      acc_sh.at[ei_v.at[Kc - _NB + b, 1]],
                                      ssem.at[b]).wait()
            if extra and rem:
                @pl.when(sid < rem)
                def _():
                    pltpu.async_copy(hv_sh.at[ei_v.at[Kc, 0]], rows_v.at[0],
                                     gsem.at[0]).wait()
                    pltpu.sync_copy(rows_v.at[0], acc_sh.at[ei_v.at[Kc, 1]],
                                    add=True)

        @pl.when(cid == 0)
        def _():
            run(K0, sid * (K0 + K1), True)

        @pl.when(cid == 1)
        def _():
            run(K1, sid * (K0 + K1) + K0, False)

        plsc.subcore_barrier()
        pltpu.sync_copy(acc_sh.at[pl.ds(sid * rows_per, rows_per)],
                        out_hbm.at[cid].at[pl.ds(sid * rows_per, rows_per)])

    return pl.kernel(
        body,
        out_type=jax.ShapeDtypeStruct((_NC, N_pad, B), jnp.float32),
        mesh=mesh,
        scratch_types=[
            pltpu.VMEM((Kmax + 1, 2, _CH), jnp.int32),
            pltpu.VMEM((_NB, _CH, B), jnp.float32),
            pltpu.VMEM_SHARED((N_pad, B), jnp.float32),
            pltpu.VMEM_SHARED((N_pad, B), jnp.float32),
            pltpu.SemaphoreType.DMA((_NB,)),
            pltpu.SemaphoreType.DMA((_NB,)),
        ],
        compiler_params=pltpu.CompilerParams(use_tc_tiling_on_sc=False),
    )


def _clip_norm(v):
    v = jnp.where(v < _EPS, 0.0, v)
    denom = jnp.maximum(_EPS, jnp.sum(v, axis=-1, keepdims=True))
    return v / denom


def _tc_body(N, he_ref, pe_ref, ee_ref, parts_ref, oemb_ref, ovec_ref):
    z = he_ref[...] + pe_ref[...]
    ee = ee_ref[...]
    score = lax.dot_general(z, ee, (((1,), (1,)), ((), ())),
                            preferred_element_type=jnp.float32)
    m = jnp.max(score, axis=-1, keepdims=True)
    p = jnp.exp(score - m)
    neural = p / jnp.sum(p, axis=-1, keepdims=True)

    sym_t = parts_ref[0] + parts_ref[1]
    sym = sym_t.T[:, :N]
    sym = _clip_norm(sym)

    out_vec = _clip_norm(_clip_norm(sym + neural))
    ovec_ref[...] = out_vec
    oemb_ref[...] = lax.dot_general(out_vec, ee, (((1,), (0,)), ((), ())),
                                    preferred_element_type=jnp.float32)


def kernel(head_vector, head_emb, pred_emb, entity_embedding, edge_index):
    B, N = head_vector.shape
    d = head_emb.shape[1]
    E = edge_index.shape[1]
    n_chunks = E // _CH
    KT = n_chunks // _NS
    rem = n_chunks - KT * _NS
    K0 = (int(round(KT * 0.5)) // _NB) * _NB
    K1 = KT - K0
    N_pad = -(-N // 128) * 128

    hv_t = head_vector.T
    ei = edge_index.reshape(2, n_chunks, _CH).transpose(1, 0, 2)
    zeros = jnp.zeros((N_pad // _NS, B), jnp.float32)

    parts = _make_sc_segsum(N_pad, B, K0, K1, rem)(hv_t, ei, zeros)

    oemb, ovec = pl.pallas_call(
        functools.partial(_tc_body, N),
        out_shape=(jax.ShapeDtypeStruct((B, d), jnp.float32),
                   jax.ShapeDtypeStruct((B, N), jnp.float32)),
    )(head_emb, pred_emb, entity_embedding, parts)
    return (oemb, ovec)

# --- scband reference (transcript-rebuilt; emitter-appended) ---
"""Pipeline reference for scband-neural-symbolic-mpwithout-dynamic-pruning-layer-58067957842561 (READ-ONLY COPY).

The authoritative reference and input builder live on the scoring server;
editing this copy changes nothing except your own understanding.
"""

import jax, jax.numpy as jnp
import numpy as np

_EPS = 1e-14

def _clip_norm(v):
    # masked_fill(v < 1e-14, 0) then normalize by max(eps, sum)
    v = jnp.where(v < _EPS, 0.0, v)
    denom = jnp.maximum(_EPS, jnp.sum(v, axis=-1, keepdims=True))
    return v / denom


def setup_inputs(seed: int = 0) -> dict:
    key = jax.random.key(seed)
    k1, k2, k3, k4, k5 = jax.random.split(key, 5)
    B, N, d, E = 32, 10000, 128, 320000
    head_vector = jax.random.uniform(k1, (B, N), dtype=jnp.float32)  # fuzzy entity-membership vector
    head_emb = jax.random.normal(k2, (B, d), dtype=jnp.float32)
    pred_emb = jax.random.normal(k3, (B, d), dtype=jnp.float32)
    entity_embedding = jax.random.normal(k4, (N, d), dtype=jnp.float32)
    # COO indices of the (transposed) sparse relation adjacency matrix: row 0 = src, row 1 = dst
    edge_index = jax.random.randint(k5, (2, E), 0, N, dtype=jnp.int32)
    return {"head_vector": head_vector, "head_emb": head_emb, "pred_emb": pred_emb,
            "entity_embedding": entity_embedding, "edge_index": edge_index}


def reference(head_vector, head_emb, pred_emb, entity_embedding, edge_index):
    # One message-passing step for an atomic r(x, f) with free tail variable f.
    src = edge_index[0]
    dst = edge_index[1]
    N = entity_embedding.shape[0]

    # --- symbolic path: batched sparse.mm(mat[rel].T, head_vector) ---
    gathered = head_vector[:, src]                                   # [B, E] gather
    symbolic_tail = jax.ops.segment_sum(gathered.T, dst, num_segments=N).T  # [B, N] scatter-add
    symbolic_tail = _clip_norm(symbolic_tail)

    # --- neural path: estimate_tail_emb (TransE-style) + kge_similarity + softmax ---
    neural_tail_emb = head_emb + pred_emb                            # [B, d]
    score = neural_tail_emb @ entity_embedding.T                     # [B, N]
    neural_vector = jax.nn.softmax(score, axis=-1)

    # --- neural-enhanced symbolic reasoning ---
    enhanced = _clip_norm(symbolic_tail + neural_vector)

    # product_conjunction over the (single-element) collected list
    out_vector = _clip_norm(enhanced)                                # [B, N]

    # fuzzy_vector_to_embedding
    out_emb = out_vector @ entity_embedding                          # [B, d]
    return (out_emb, out_vector)

if __name__ == "__main__":
    import jax
    _d = setup_inputs()
    print(jax.jit(kernel)(*tuple(_d.values())))

</pallas_src>

<mosaic_0001>
#map = affine_map<(d0, d1) -> (0, 0)>
#map1 = affine_map<(d0, d1) -> (0, 0, 0)>
module attributes {stable_mosaic.version = 14 : i64} {
  func.func @body(%arg0: i32, %arg1: i32, %arg2: memref<10000x32xf32, #tpu.memory_space<hbm>>, %arg3: memref<2500x2x128xi32, #tpu.memory_space<hbm>>, %arg4: memref<632x32xf32, #tpu.memory_space<hbm>>, %arg5: memref<2x10112x32xf32, #tpu.memory_space<hbm>>, %arg6: memref<79x2x128xi32, #tpu.memory_space<vmem>>, %arg7: memref<6x128x32xf32, #tpu.memory_space<vmem>>, %arg8: memref<10112x32xf32, #tpu.memory_space<vmem_shared>>, %arg9: memref<10112x32xf32, #tpu.memory_space<vmem_shared>>, %arg10: memref<6x!tpu.dma_semaphore, #tpu.memory_space<semaphore_mem>>, %arg11: memref<6x!tpu.dma_semaphore, #tpu.memory_space<semaphore_mem>>) attributes {dimension_semantics = [#tpu.dimension_semantics<core_parallel>, #tpu.dimension_semantics<subcore_parallel>], iteration_bounds = array<i64: 2, 16>, scalar_prefetch = 0 : i64, scratch_operands = 6 : i64, tpu.core_type = #tpu.core_type<sc_vector_subcore>, window_params = [{transform_indices = #map}, {transform_indices = #map1}, {transform_indices = #map}, {transform_indices = #map1}]} {
    %mul3A = arith.constant 632 : i32
    %mul3A_0 = arith.muli %arg1, %mul3A : i32
    "tpu.region"() ({
      %run_scoped3A = tpu.sem_alloc : memref<!tpu.dma_semaphore, #tpu.memory_space<semaphore_mem>>
      %dma_start3A = arith.constant 0 : i32
      %dma_start3A_16 = tpu.memref_slice %arg8[%mul3A_0, %dma_start3A] : memref<10112x32xf32, #tpu.memory_space<vmem_shared>> -> memref<632x32xf32, #tpu.memory_space<vmem_shared>>
      tpu.enqueue_dma source(%arg4 : memref<632x32xf32, #tpu.memory_space<hbm>>) target(%dma_start3A_16 : memref<632x32xf32, #tpu.memory_space<vmem_shared>>) target_semaphore(%run_scoped3A : memref<!tpu.dma_semaphore, #tpu.memory_space<semaphore_mem>>)
      %dma_wait3A = arith.constant 0 : i32
      %dma_wait3A_17 = tpu.memref_slice %arg8[%mul3A_0, %dma_wait3A] : memref<10112x32xf32, #tpu.memory_space<vmem_shared>> -> memref<632x32xf32, #tpu.memory_space<vmem_shared>>
      tpu.wait_dma2 semaphore(%run_scoped3A : memref<!tpu.dma_semaphore, #tpu.memory_space<semaphore_mem>>) src(%arg4 : memref<632x32xf32, #tpu.memory_space<hbm>>) dst(%dma_wait3A_17 : memref<632x32xf32, #tpu.memory_space<vmem_shared>>)
      tpu.yield
    }) : () -> ()
    %mul3A_1 = arith.constant 625 : i32
    %mul3A_2 = arith.muli %arg1, %mul3A_1 : i32
    %mul3A_3 = arith.constant 625 : i32
    %mul3A_4 = arith.muli %arg1, %mul3A_3 : i32
    "tpu.region"() ({
      %run_scoped3A = tpu.sem_alloc : memref<!tpu.dma_semaphore, #tpu.memory_space<semaphore_mem>>
      %dma_start3A = arith.constant 0 : i32
      %dma_start3A_16 = tpu.memref_slice %arg9[%mul3A_4, %dma_start3A] : memref<10112x32xf32, #tpu.memory_space<vmem_shared>> -> memref<625x32xf32, #tpu.memory_space<vmem_shared>>
      %dma_start3A_17 = arith.constant 0 : i32
      %dma_start3A_18 = tpu.memref_slice %arg2[%mul3A_2, %dma_start3A_17] : memref<10000x32xf32, #tpu.memory_space<hbm>> -> memref<625x32xf32, #tpu.memory_space<hbm>>
      tpu.enqueue_dma source(%dma_start3A_18 : memref<625x32xf32, #tpu.memory_space<hbm>>) target(%dma_start3A_16 : memref<625x32xf32, #tpu.memory_space<vmem_shared>>) target_semaphore(%run_scoped3A : memref<!tpu.dma_semaphore, #tpu.memory_space<semaphore_mem>>)
      %dma_wait3A = arith.constant 0 : i32
      %dma_wait3A_19 = tpu.memref_slice %arg9[%mul3A_4, %dma_wait3A] : memref<10112x32xf32, #tpu.memory_space<vmem_shared>> -> memref<625x32xf32, #tpu.memory_space<vmem_shared>>
      %dma_wait3A_20 = arith.constant 0 : i32
      %dma_wait3A_21 = tpu.memref_slice %arg2[%mul3A_2, %dma_wait3A_20] : memref<10000x32xf32, #tpu.memory_space<hbm>> -> memref<625x32xf32, #tpu.memory_space<hbm>>
      tpu.wait_dma2 semaphore(%run_scoped3A : memref<!tpu.dma_semaphore, #tpu.memory_space<semaphore_mem>>) src(%dma_wait3A_21 : memref<625x32xf32, #tpu.memory_space<hbm>>) dst(%dma_wait3A_19 : memref<625x32xf32, #tpu.memory_space<vmem_shared>>)
      tpu.yield
    }) : () -> ()
    %eq3A = arith.constant 0 : i32
    %eq3A_5 = arith.cmpi eq, %arg0, %eq3A : i32
    %convert_element_type3A = arith.extui %eq3A_5 : i1 to i32
    %cond3A = arith.constant 0 : i32
    %cond3A_6 = arith.cmpi ne, %convert_element_type3A, %cond3A : i32
    scf.if %cond3A_6 {
      %mul3A_16 = arith.constant 156 : i32
      %mul3A_17 = arith.muli %arg1, %mul3A_16 : i32
      "tpu.region"() ({
        %run_scoped3A = tpu.sem_alloc : memref<!tpu.dma_semaphore, #tpu.memory_space<semaphore_mem>>
        %dma_start3A_191 = arith.constant 0 : i32
        %dma_start3A_192 = arith.constant 0 : i32
        %dma_start3A_193 = arith.constant 0 : i32
        %dma_start3A_194 = tpu.memref_slice %arg6[%dma_start3A_191, %dma_start3A_192, %dma_start3A_193] : memref<79x2x128xi32, #tpu.memory_space<vmem>> -> memref<78x2x128xi32, #tpu.memory_space<vmem>>
        %dma_start3A_195 = arith.constant 0 : i32
        %dma_start3A_196 = arith.constant 0 : i32
        %dma_start3A_197 = tpu.memref_slice %arg3[%mul3A_17, %dma_start3A_195, %dma_start3A_196] : memref<2500x2x128xi32, #tpu.memory_space<hbm>> -> memref<78x2x128xi32, #tpu.memory_space<hbm>>
        %dma_start3A_198 = arith.constant 0 : i32
        %dma_start3A_199 = arith.constant 0 : i32
        %dma_start3A_200 = arith.constant 0 : i32
        %dma_start3A_201 = tpu.memref_slice %arg6[%dma_start3A_198, %dma_start3A_199, %dma_start3A_200] : memref<79x2x128xi32, #tpu.memory_space<vmem>> -> memref<78x2x128xi32, #tpu.memory_space<vmem>>
        %dma_start3A_202 = arith.constant 0 : i32
        %dma_start3A_203 = arith.constant 0 : i32
        %dma_start3A_204 = tpu.memref_slice %arg3[%mul3A_17, %dma_start3A_202, %dma_start3A_203] : memref<2500x2x128xi32, #tpu.memory_space<hbm>> -> memref<78x2x128xi32, #tpu.memory_space<hbm>>
        tpu.enqueue_dma source(%dma_start3A_204 : memref<78x2x128xi32, #tpu.memory_space<hbm>>) target(%dma_start3A_201 : memref<78x2x128xi32, #tpu.memory_space<vmem>>) target_semaphore(%run_scoped3A : memref<!tpu.dma_semaphore, #tpu.memory_space<semaphore_mem>>)
        %dma_wait3A_205 = arith.constant 0 : i32
        %dma_wait3A_206 = arith.constant 0 : i32
        %dma_wait3A_207 = arith.constant 0 : i32
        %dma_wait3A_208 = tpu.memref_slice %arg6[%dma_wait3A_205, %dma_wait3A_206, %dma_wait3A_207] : memref<79x2x128xi32, #tpu.memory_space<vmem>> -> memref<78x2x128xi32, #tpu.memory_space<vmem>>
        %dma_wait3A_209 = arith.constant 0 : i32
        %dma_wait3A_210 = arith.constant 0 : i32
        %dma_wait3A_211 = tpu.memref_slice %arg3[%mul3A_17, %dma_wait3A_209, %dma_wait3A_210] : memref<2500x2x128xi32, #tpu.memory_space<hbm>> -> memref<78x2x128xi32, #tpu.memory_space<hbm>>
        %dma_wait3A_212 = arith.constant 0 : i32
        %dma_wait3A_213 = arith.constant 0 : i32
        %dma_wait3A_214 = arith.constant 0 : i32
        %dma_wait3A_215 = tpu.memref_slice %arg6[%dma_wait3A_212, %dma_wait3A_213, %dma_wait3A_214] : memref<79x2x128xi32, #tpu.memory_space<vmem>> -> memref<78x2x128xi32, #tpu.memory_space<vmem>>
        %dma_wait3A_216 = arith.constant 0 : i32
        %dma_wait3A_217 = arith.constant 0 : i32
        %dma_wait3A_218 = tpu.memref_slice %arg3[%mul3A_17, %dma_wait3A_216, %dma_wait3A_217] : memref<2500x2x128xi32, #tpu.memory_space<hbm>> -> memref<78x2x128xi32, #tpu.memory_space<hbm>>
        tpu.wait_dma2 semaphore(%run_scoped3A : memref<!tpu.dma_semaphore, #tpu.memory_space<semaphore_mem>>) src(%dma_wait3A_218 : memref<78x2x128xi32, #tpu.memory_space<hbm>>) dst(%dma_wait3A_215 : memref<78x2x128xi32, #tpu.memory_space<vmem>>)
        tpu.yield
      }) : () -> ()
      %lt3A = arith.constant 4 : i32
      %lt3A_18 = arith.cmpi slt, %arg1, %lt3A : i32
      %convert_element_type3A_19 = arith.extui %lt3A_18 : i1 to i32
      %cond3A_20 = arith.constant 0 : i32
      %cond3A_21 = arith.cmpi ne, %convert_element_type3A_19, %cond3A_20 : i32
      scf.if %cond3A_21 {
        %add3A = arith.constant 2496 : i32
        %add3A_191 = arith.addi %add3A, %arg1 : i32
        "tpu.region"() ({
          %run_scoped3A = tpu.sem_alloc : memref<!tpu.dma_semaphore, #tpu.memory_space<semaphore_mem>>
          %dma_start3A_192 = arith.constant 78 : i32
          %dma_start3A_193 = arith.constant 0 : i32
          %dma_start3A_194 = arith.constant 0 : i32
          %dma_start3A_195 = tpu.memref_slice %arg6[%dma_start3A_192, %dma_start3A_193, %dma_start3A_194] : memref<79x2x128xi32, #tpu.memory_space<vmem>> -> memref<1x2x128xi32, #tpu.memory_space<vmem>>
          %dma_start3A_196 = arith.constant 0 : i32
          %dma_start3A_197 = arith.constant 0 : i32
          %dma_start3A_198 = tpu.memref_slice %arg3[%add3A_191, %dma_start3A_196, %dma_start3A_197] : memref<2500x2x128xi32, #tpu.memory_space<hbm>> -> memref<1x2x128xi32, #tpu.memory_space<hbm>>
          %dma_start3A_199 = arith.constant 78 : i32
          %dma_start3A_200 = arith.constant 0 : i32
          %dma_start3A_201 = arith.constant 0 : i32
          %dma_start3A_202 = tpu.memref_slice %arg6[%dma_start3A_199, %dma_start3A_200, %dma_start3A_201] : memref<79x2x128xi32, #tpu.memory_space<vmem>> -> memref<1x2x128xi32, #tpu.memory_space<vmem>>
          %dma_start3A_203 = arith.constant 0 : i32
          %dma_start3A_204 = arith.constant 0 : i32
          %dma_start3A_205 = tpu.memref_slice %arg3[%add3A_191, %dma_start3A_203, %dma_start3A_204] : memref<2500x2x128xi32, #tpu.memory_space<hbm>> -> memref<1x2x128xi32, #tpu.memory_space<hbm>>
          tpu.enqueue_dma source(%dma_start3A_205 : memref<1x2x128xi32, #tpu.memory_space<hbm>>) target(%dma_start3A_202 : memref<1x2x128xi32, #tpu.memory_space<vmem>>) target_semaphore(%run_scoped3A : memref<!tpu.dma_semaphore, #tpu.memory_space<semaphore_mem>>)
          %dma_wait3A_206 = arith.constant 78 : i32
          %dma_wait3A_207 = arith.constant 0 : i32
          %dma_wait3A_208 = arith.constant 0 : i32
          %dma_wait3A_209 = tpu.memref_slice %arg6[%dma_wait3A_206, %dma_wait3A_207, %dma_wait3A_208] : memref<79x2x128xi32, #tpu.memory_space<vmem>> -> memref<1x2x128xi32, #tpu.memory_space<vmem>>
          %dma_wait3A_210 = arith.constant 0 : i32
          %dma_wait3A_211 = arith.constant 0 : i32
          %dma_wait3A_212 = tpu.memref_slice %arg3[%add3A_191, %dma_wait3A_210, %dma_wait3A_211] : memref<2500x2x128xi32, #tpu.memory_space<hbm>> -> memref<1x2x128xi32, #tpu.memory_space<hbm>>
          %dma_wait3A_213 = arith.constant 78 : i32
          %dma_wait3A_214 = arith.constant 0 : i32
          %dma_wait3A_215 = arith.constant 0 : i32
          %dma_wait3A_216 = tpu.memref_slice %arg6[%dma_wait3A_213, %dma_wait3A_214, %dma_wait3A_215] : memref<79x2x128xi32, #tpu.memory_space<vmem>> -> memref<1x2x128xi32, #tpu.memory_space<vmem>>
          %dma_wait3A_217 = arith.constant 0 : i32
          %dma_wait3A_218 = arith.constant 0 : i32
          %dma_wait3A_219 = tpu.memref_slice %arg3[%add3A_191, %dma_wait3A_217, %dma_wait3A_218] : memref<2500x2x128xi32, #tpu.memory_space<hbm>> -> memref<1x2x128xi32, #tpu.memory_space<hbm>>
          tpu.wait_dma2 semaphore(%run_scoped3A : memref<!tpu.dma_semaphore, #tpu.memory_space<semaphore_mem>>) src(%dma_wait3A_219 : memref<1x2x128xi32, #tpu.memory_space<hbm>>) dst(%dma_wait3A_216 : memref<1x2x128xi32, #tpu.memory_space<vmem>>)
          tpu.yield
        }) : () -> ()
      } else {
      }
      %barrier3A_22 = arith.constant 0 : index
      tpu.barrier barrier_id(%barrier3A_22)
      %dma_start3A = arith.constant 0 : i32
      %dma_start3A_23 = arith.constant 0 : i32
      %dma_start3A_24 = arith.constant 0 : i32
      %dma_start3A_25 = arith.constant 0 : i32
      %dma_start3A_26 = arith.constant 0 : i32
      %dma_start3A_27 = arith.constant 0 : i32
      %dma_start3A_28 = tpu.memref_slice %arg7[%dma_start3A_24, %dma_start3A_26, %dma_start3A_27] : memref<6x128x32xf32, #tpu.memory_space<vmem>> -> memref<1x128x32xf32, #tpu.memory_space<vmem>>
      %dma_start3A_29 = tpu.memref_squeeze %dma_start3A_28 : memref<1x128x32xf32, #tpu.memory_space<vmem>> -> memref<128x32xf32, #tpu.memory_space<vmem>>
      %dma_start3A_30 = arith.constant 0 : i32
      %dma_start3A_31 = tpu.memref_slice %arg6[%dma_start3A, %dma_start3A_23, %dma_start3A_30] : memref<79x2x128xi32, #tpu.memory_space<vmem>> -> memref<1x1x128xi32, #tpu.memory_space<vmem>>
      %dma_start3A_32 = tpu.memref_squeeze %dma_start3A_31 : memref<1x1x128xi32, #tpu.memory_space<vmem>> -> memref<128xi32, #tpu.memory_space<vmem>>
      %dma_start3A_33 = arith.constant 0 : i32
      %dma_start3A_34 = arith.constant 0 : i32
      %dma_start3A_35 = tpu.memref_slice %arg9[%dma_start3A_33, %dma_start3A_34] : memref<10112x32xf32, #tpu.memory_space<vmem_shared>> -> memref<10112x32xf32, #tpu.memory_space<vmem_shared>>
      %dma_start3A_36 = tpu.memref_slice %arg10[%dma_start3A_25] : memref<6x!tpu.dma_semaphore, #tpu.memory_space<semaphore_mem>> -> memref<1x!tpu.dma_semaphore, #tpu.memory_space<semaphore_mem>>
      %dma_start3A_37 = tpu.memref_squeeze %dma_start3A_36 : memref<1x!tpu.dma_semaphore, #tpu.memory_space<semaphore_mem>> -> memref<!tpu.dma_semaphore, #tpu.memory_space<semaphore_mem>>
      tpu.enqueue_indirect_dma source(%dma_start3A_35 : memref<10112x32xf32, #tpu.memory_space<vmem_shared>>) target(%dma_start3A_29 : memref<128x32xf32, #tpu.memory_space<vmem>>) offsets(%dma_start3A_32 : memref<128xi32, #tpu.memory_space<vmem>>) semaphore(%dma_start3A_37 : memref<!tpu.dma_semaphore, #tpu.memory_space<semaphore_mem>>)
      %dma_start3A_38 = arith.constant 1 : i32
      %dma_start3A_39 = arith.constant 0 : i32
      %dma_start3A_40 = arith.constant 1 : i32
      %dma_start3A_41 = arith.constant 1 : i32
      %dma_start3A_42 = arith.constant 0 : i32
      %dma_start3A_43 = arith.constant 0 : i32
      %dma_start3A_44 = tpu.memref_slice %arg7[%dma_start3A_40, %dma_start3A_42, %dma_start3A_43] : memref<6x128x32xf32, #tpu.memory_space<vmem>> -> memref<1x128x32xf32, #tpu.memory_space<vmem>>
      %dma_start3A_45 = tpu.memref_squeeze %dma_start3A_44 : memref<1x128x32xf32, #tpu.memory_space<vmem>> -> memref<128x32xf32, #tpu.memory_space<vmem>>
      %dma_start3A_46 = arith.constant 0 : i32
      %dma_start3A_47 = tpu.memref_slice %arg6[%dma_start3A_38, %dma_start3A_39, %dma_start3A_46] : memref<79x2x128xi32, #tpu.memory_space<vmem>> -> memref<1x1x128xi32, #tpu.memory_space<vmem>>
      %dma_start3A_48 = tpu.memref_squeeze %dma_start3A_47 : memref<1x1x128xi32, #tpu.memory_space<vmem>> -> memref<128xi32, #tpu.memory_space<vmem>>
      %dma_start3A_49 = arith.constant 0 : i32
      %dma_start3A_50 = arith.constant 0 : i32
      %dma_start3A_51 = tpu.memref_slice %arg9[%dma_start3A_49, %dma_start3A_50] : memref<10112x32xf32, #tpu.memory_space<vmem_shared>> -> memref<10112x32xf32, #tpu.memory_space<vmem_shared>>
      %dma_start3A_52 = tpu.memref_slice %arg10[%dma_start3A_41] : memref<6x!tpu.dma_semaphore, #tpu.memory_space<semaphore_mem>> -> memref<1x!tpu.dma_semaphore, #tpu.memory_space<semaphore_mem>>
      %dma_start3A_53 = tpu.memref_squeeze %dma_start3A_52 : memref<1x!tpu.dma_semaphore, #tpu.memory_space<semaphore_mem>> -> memref<!tpu.dma_semaphore, #tpu.memory_space<semaphore_mem>>
      tpu.enqueue_indirect_dma source(%dma_start3A_51 : memref<10112x32xf32, #tpu.memory_space<vmem_shared>>) target(%dma_start3A_45 : memref<128x32xf32, #tpu.memory_space<vmem>>) offsets(%dma_start3A_48 : memref<128xi32, #tpu.memory_space<vmem>>) semaphore(%dma_start3A_53 : memref<!tpu.dma_semaphore, #tpu.memory_space<semaphore_mem>>)
      %dma_start3A_54 = arith.constant 2 : i32
      %dma_start3A_55 = arith.constant 0 : i32
      %dma_start3A_56 = arith.constant 2 : i32
      %dma_start3A_57 = arith.constant 2 : i32
      %dma_start3A_58 = arith.constant 0 : i32
      %dma_start3A_59 = arith.constant 0 : i32
      %dma_start3A_60 = tpu.memref_slice %arg7[%dma_start3A_56, %dma_start3A_58, %dma_start3A_59] : memref<6x128x32xf32, #tpu.memory_space<vmem>> -> memref<1x128x32xf32, #tpu.memory_space<vmem>>
      %dma_start3A_61 = tpu.memref_squeeze %dma_start3A_60 : memref<1x128x32xf32, #tpu.memory_space<vmem>> -> memref<128x32xf32, #tpu.memory_space<vmem>>
      %dma_start3A_62 = arith.constant 0 : i32
      %dma_start3A_63 = tpu.memref_slice %arg6[%dma_start3A_54, %dma_start3A_55, %dma_start3A_62] : memref<79x2x128xi32, #tpu.memory_space<vmem>> -> memref<1x1x128xi32, #tpu.memory_space<vmem>>
      %dma_start3A_64 = tpu.memref_squeeze %dma_start3A_63 : memref<1x1x128xi32, #tpu.memory_space<vmem>> -> memref<128xi32, #tpu.memory_space<vmem>>
      %dma_start3A_65 = arith.constant 0 : i32
      %dma_start3A_66 = arith.constant 0 : i32
      %dma_start3A_67 = tpu.memref_slice %arg9[%dma_start3A_65, %dma_start3A_66] : memref<10112x32xf32, #tpu.memory_space<vmem_shared>> -> memref<10112x32xf32, #tpu.memory_space<vmem_shared>>
      %dma_start3A_68 = tpu.memref_slice %arg10[%dma_start3A_57] : memref<6x!tpu.dma_semaphore, #tpu.memory_space<semaphore_mem>> -> memref<1x!tpu.dma_semaphore, #tpu.memory_space<semaphore_mem>>
      %dma_start3A_69 = tpu.memref_squeeze %dma_start3A_68 : memref<1x!tpu.dma_semaphore, #tpu.memory_space<semaphore_mem>> -> memref<!tpu.dma_semaphore, #tpu.memory_space<semaphore_mem>>
      tpu.enqueue_indirect_dma source(%dma_start3A_67 : memref<10112x32xf32, #tpu.memory_space<vmem_shared>>) target(%dma_start3A_61 : memref<128x32xf32, #tpu.memory_space<vmem>>) offsets(%dma_start3A_64 : memref<128xi32, #tpu.memory_space<vmem>>) semaphore(%dma_start3A_69 : memref<!tpu.dma_semaphore, #tpu.memory_space<semaphore_mem>>)
      %dma_start3A_70 = arith.constant 3 : i32
      %dma_start3A_71 = arith.constant 0 : i32
      %dma_start3A_72 = arith.constant 3 : i32
      %dma_start3A_73 = arith.constant 3 : i32
      %dma_start3A_74 = arith.constant 0 : i32
      %dma_start3A_75 = arith.constant 0 : i32
      %dma_start3A_76 = tpu.memref_slice %arg7[%dma_start3A_72, %dma_start3A_74, %dma_start3A_75] : memref<6x128x32xf32, #tpu.memory_space<vmem>> -> memref<1x128x32xf32, #tpu.memory_space<vmem>>
      %dma_start3A_77 = tpu.memref_squeeze %dma_start3A_76 : memref<1x128x32xf32, #tpu.memory_space<vmem>> -> memref<128x32xf32, #tpu.memory_space<vmem>>
      %dma_start3A_78 = arith.constant 0 : i32
      %dma_start3A_79 = tpu.memref_slice %arg6[%dma_start3A_70, %dma_start3A_71, %dma_start3A_78] : memref<79x2x128xi32, #tpu.memory_space<vmem>> -> memref<1x1x128xi32, #tpu.memory_space<vmem>>
      %dma_start3A_80 = tpu.memref_squeeze %dma_start3A_79 : memref<1x1x128xi32, #tpu.memory_space<vmem>> -> memref<128xi32, #tpu.memory_space<vmem>>
      %dma_start3A_81 = arith.constant 0 : i32
      %dma_start3A_82 = arith.constant 0 : i32
      %dma_start3A_83 = tpu.memref_slice %arg9[%dma_start3A_81, %dma_start3A_82] : memref<10112x32xf32, #tpu.memory_space<vmem_shared>> -> memref<10112x32xf32, #tpu.memory_space<vmem_shared>>
      %dma_start3A_84 = tpu.memref_slice %arg10[%dma_start3A_73] : memref<6x!tpu.dma_semaphore, #tpu.memory_space<semaphore_mem>> -> memref<1x!tpu.dma_semaphore, #tpu.memory_space<semaphore_mem>>
      %dma_start3A_85 = tpu.memref_squeeze %dma_start3A_84 : memref<1x!tpu.dma_semaphore, #tpu.memory_space<semaphore_mem>> -> memref<!tpu.dma_semaphore, #tpu.memory_space<semaphore_mem>>
      tpu.enqueue_indirect_dma source(%dma_start3A_83 : memref<10112x32xf32, #tpu.memory_space<vmem_shared>>) target(%dma_start3A_77 : memref<128x32xf32, #tpu.memory_space<vmem>>) offsets(%dma_start3A_80 : memref<128xi32, #tpu.memory_space<vmem>>) semaphore(%dma_start3A_85 : memref<!tpu.dma_semaphore, #tpu.memory_space<semaphore_mem>>)
      %scan3A = arith.constant 0 : i32
      %scan3A_86 = arith.constant 0 : i32
      %scan3A_87 = arith.constant 13 : i32
      %scan3A_88 = arith.addi %scan3A_86, %scan3A_87 : i32
      %scan3A_89 = arith.constant 1 : i32
      scf.for %scan3A_191 = %scan3A_86 to %scan3A_88 step %scan3A_89  : i32 {
        %mul3A_192 = arith.constant 6 : i32
        %mul3A_193 = arith.muli %scan3A_191, %mul3A_192 : i32
        %add3A = arith.constant 0 : i32
        %add3A_194 = arith.addi %mul3A_193, %add3A : i32
        %dma_wait3A_195 = arith.constant 0 : i32
        %dma_wait3A_196 = arith.constant 0 : i32
        %dma_wait3A_197 = arith.constant 0 : i32
        %dma_wait3A_198 = arith.constant 0 : i32
        %dma_wait3A_199 = arith.constant 0 : i32
        %dma_wait3A_200 = tpu.memref_slice %arg7[%dma_wait3A_196, %dma_wait3A_198, %dma_wait3A_199] : memref<6x128x32xf32, #tpu.memory_space<vmem>> -> memref<1x128x32xf32, #tpu.memory_space<vmem>>
        %dma_wait3A_201 = tpu.memref_squeeze %dma_wait3A_200 : memref<1x128x32xf32, #tpu.memory_space<vmem>> -> memref<128x32xf32, #tpu.memory_space<vmem>>
        %dma_wait3A_202 = arith.constant 0 : i32
        %dma_wait3A_203 = tpu.memref_slice %arg6[%add3A_194, %dma_wait3A_195, %dma_wait3A_202] : memref<79x2x128xi32, #tpu.memory_space<vmem>> -> memref<1x1x128xi32, #tpu.memory_space<vmem>>
        %dma_wait3A_204 = tpu.memref_squeeze %dma_wait3A_203 : memref<1x1x128xi32, #tpu.memory_space<vmem>> -> memref<128xi32, #tpu.memory_space<vmem>>
        %dma_wait3A_205 = arith.constant 0 : i32
        %dma_wait3A_206 = arith.constant 0 : i32
        %dma_wait3A_207 = tpu.memref_slice %arg9[%dma_wait3A_205, %dma_wait3A_206] : memref<10112x32xf32, #tpu.memory_space<vmem_shared>> -> memref<10112x32xf32, #tpu.memory_space<vmem_shared>>
        %dma_wait3A_208 = tpu.memref_slice %arg10[%dma_wait3A_197] : memref<6x!tpu.dma_semaphore, #tpu.memory_space<semaphore_mem>> -> memref<1x!tpu.dma_semaphore, #tpu.memory_space<semaphore_mem>>
        %dma_wait3A_209 = tpu.memref_squeeze %dma_wait3A_208 : memref<1x!tpu.dma_semaphore, #tpu.memory_space<semaphore_mem>> -> memref<!tpu.dma_semaphore, #tpu.memory_space<semaphore_mem>>
        tpu.wait_indirect_dma semaphore(%dma_wait3A_209 : memref<!tpu.dma_semaphore, #tpu.memory_space<semaphore_mem>>) src(%dma_wait3A_207 : memref<10112x32xf32, #tpu.memory_space<vmem_shared>>) dst(%dma_wait3A_201 : memref<128x32xf32, #tpu.memory_space<vmem>>)
        %dma_start3A_210 = arith.constant 0 : i32
        %dma_start3A_211 = arith.constant 1 : i32
        %dma_start3A_212 = arith.constant 0 : i32
        %dma_start3A_213 = arith.constant 0 : i32
        %dma_start3A_214 = arith.constant 0 : i32
        %dma_start3A_215 = tpu.memref_slice %arg7[%dma_start3A_210, %dma_start3A_213, %dma_start3A_214] : memref<6x128x32xf32, #tpu.memory_space<vmem>> -> memref<1x128x32xf32, #tpu.memory_space<vmem>>
        %dma_start3A_216 = tpu.memref_squeeze %dma_start3A_215 : memref<1x128x32xf32, #tpu.memory_space<vmem>> -> memref<128x32xf32, #tpu.memory_space<vmem>>
        %dma_start3A_217 = arith.constant 0 : i32
        %dma_start3A_218 = tpu.memref_slice %arg6[%add3A_194, %dma_start3A_211, %dma_start3A_217] : memref<79x2x128xi32, #tpu.memory_space<vmem>> -> memref<1x1x128xi32, #tpu.memory_space<vmem>>
        %dma_start3A_219 = tpu.memref_squeeze %dma_start3A_218 : memref<1x1x128xi32, #tpu.memory_space<vmem>> -> memref<128xi32, #tpu.memory_space<vmem>>
        %dma_start3A_220 = arith.constant 0 : i32
        %dma_start3A_221 = arith.constant 0 : i32
        %dma_start3A_222 = tpu.memref_slice %arg8[%dma_start3A_220, %dma_start3A_221] : memref<10112x32xf32, #tpu.memory_space<vmem_shared>> -> memref<10112x32xf32, #tpu.memory_space<vmem_shared>>
        %dma_start3A_223 = tpu.memref_slice %arg11[%dma_start3A_212] : memref<6x!tpu.dma_semaphore, #tpu.memory_space<semaphore_mem>> -> memref<1x!tpu.dma_semaphore, #tpu.memory_space<semaphore_mem>>
        %dma_start3A_224 = tpu.memref_squeeze %dma_start3A_223 : memref<1x!tpu.dma_semaphore, #tpu.memory_space<semaphore_mem>> -> memref<!tpu.dma_semaphore, #tpu.memory_space<semaphore_mem>>
        tpu.enqueue_indirect_dma source(%dma_start3A_216 : memref<128x32xf32, #tpu.memory_space<vmem>>) target(%dma_start3A_222 : memref<10112x32xf32, #tpu.memory_space<vmem_shared>>) offsets(%dma_start3A_219 : memref<128xi32, #tpu.memory_space<vmem>>) semaphore(%dma_start3A_224 : memref<!tpu.dma_semaphore, #tpu.memory_space<semaphore_mem>>) {add = true}
        %add3A_225 = arith.constant 4 : i32
        %add3A_226 = arith.addi %add3A_194, %add3A_225 : i32
        %lt3A_227 = arith.constant 78 : i32
        %lt3A_228 = arith.cmpi slt, %add3A_226, %lt3A_227 : i32
        %convert_element_type3A_229 = arith.extui %lt3A_228 : i1 to i32
        %cond3A_230 = arith.constant 0 : i32
        %cond3A_231 = arith.cmpi ne, %convert_element_type3A_229, %cond3A_230 : i32
        scf.if %cond3A_231 {
          %ge3A = arith.constant 6 : i32
          %ge3A_437 = arith.cmpi sge, %add3A_226, %ge3A : i32
          %convert_element_type3A_438 = arith.extui %ge3A_437 : i1 to i32
          %cond3A_439 = arith.constant 0 : i32
          %cond3A_440 = arith.cmpi ne, %convert_element_type3A_438, %cond3A_439 : i32
          scf.if %cond3A_440 {
            %sub3A = arith.constant 6 : i32
            %sub3A_456 = arith.subi %add3A_226, %sub3A : i32
            %dma_wait3A_457 = arith.constant 4 : i32
            %dma_wait3A_458 = arith.constant 1 : i32
            %dma_wait3A_459 = arith.constant 4 : i32
            %dma_wait3A_460 = arith.constant 0 : i32
            %dma_wait3A_461 = arith.constant 0 : i32
            %dma_wait3A_462 = tpu.memref_slice %arg7[%dma_wait3A_457, %dma_wait3A_460, %dma_wait3A_461] : memref<6x128x32xf32, #tpu.memory_space<vmem>> -> memref<1x128x32xf32, #tpu.memory_space<vmem>>
            %dma_wait3A_463 = tpu.memref_squeeze %dma_wait3A_462 : memref<1x128x32xf32, #tpu.memory_space<vmem>> -> memref<128x32xf32, #tpu.memory_space<vmem>>
            %dma_wait3A_464 = arith.constant 0 : i32
            %dma_wait3A_465 = tpu.memref_slice %arg6[%sub3A_456, %dma_wait3A_458, %dma_wait3A_464] : memref<79x2x128xi32, #tpu.memory_space<vmem>> -> memref<1x1x128xi32, #tpu.memory_space<vmem>>
            %dma_wait3A_466 = tpu.memref_squeeze %dma_wait3A_465 : memref<1x1x128xi32, #tpu.memory_space<vmem>> -> memref<128xi32, #tpu.memory_space<vmem>>
            %dma_wait3A_467 = arith.constant 0 : i32
            %dma_wait3A_468 = arith.constant 0 : i32
            %dma_wait3A_469 = tpu.memref_slice %arg8[%dma_wait3A_467, %dma_wait3A_468] : memref<10112x32xf32, #tpu.memory_space<vmem_shared>> -> memref<10112x32xf32, #tpu.memory_space<vmem_shared>>
            %dma_wait3A_470 = tpu.memref_slice %arg11[%dma_wait3A_459] : memref<6x!tpu.dma_semaphore, #tpu.memory_space<semaphore_mem>> -> memref<1x!tpu.dma_semaphore, #tpu.memory_space<semaphore_mem>>
            %dma_wait3A_471 = tpu.memref_squeeze %dma_wait3A_470 : memref<1x!tpu.dma_semaphore, #tpu.memory_space<semaphore_mem>> -> memref<!tpu.dma_semaphore, #tpu.memory_space<semaphore_mem>>
            tpu.wait_indirect_dma semaphore(%dma_wait3A_471 : memref<!tpu.dma_semaphore, #tpu.memory_space<semaphore_mem>>) src(%dma_wait3A_463 : memref<128x32xf32, #tpu.memory_space<vmem>>) dst(%dma_wait3A_469 : memref<10112x32xf32, #tpu.memory_space<vmem_shared>>)
          } else {
          }
          %dma_start3A_441 = arith.constant 0 : i32
          %dma_start3A_442 = arith.constant 4 : i32
          %dma_start3A_443 = arith.constant 4 : i32
          %dma_start3A_444 = arith.constant 0 : i32
          %dma_start3A_445 = arith.constant 0 : i32
          %dma_start3A_446 = tpu.memref_slice %arg7[%dma_start3A_442, %dma_start3A_444, %dma_start3A_445] : memref<6x128x32xf32, #tpu.memory_space<vmem>> -> memref<1x128x32xf32, #tpu.memory_space<vmem>>
          %dma_start3A_447 = tpu.memref_squeeze %dma_start3A_446 : memref<1x128x32xf32, #tpu.memory_space<vmem>> -> memref<128x32xf32, #tpu.memory_space<vmem>>
          %dma_start3A_448 = arith.constant 0 : i32
          %dma_start3A_449 = tpu.memref_slice %arg6[%add3A_226, %dma_start3A_441, %dma_start3A_448] : memref<79x2x128xi32, #tpu.memory_space<vmem>> -> memref<1x1x128xi32, #tpu.memory_space<vmem>>
          %dma_start3A_450 = tpu.memref_squeeze %dma_start3A_449 : memref<1x1x128xi32, #tpu.memory_space<vmem>> -> memref<128xi32, #tpu.memory_space<vmem>>
          %dma_start3A_451 = arith.constant 0 : i32
          %dma_start3A_452 = arith.constant 0 : i32
          %dma_start3A_453 = tpu.memref_slice %arg9[%dma_start3A_451, %dma_start3A_452] : memref<10112x32xf32, #tpu.memory_space<vmem_shared>> -> memref<10112x32xf32, #tpu.memory_space<vmem_shared>>
          %dma_start3A_454 = tpu.memref_slice %arg10[%dma_start3A_443] : memref<6x!tpu.dma_semaphore, #tpu.memory_space<semaphore_mem>> -> memref<1x!tpu.dma_semaphore, #tpu.memory_space<semaphore_mem>>
          %dma_start3A_455 = tpu.memref_squeeze %dma_start3A_454 : memref<1x!tpu.dma_semaphore, #tpu.memory_space<semaphore_mem>> -> memref<!tpu.dma_semaphore, #tpu.memory_space<semaphore_mem>>
          tpu.enqueue_indirect_dma source(%dma_start3A_453 : memref<10112x32xf32, #tpu.memory_space<vmem_shared>>) target(%dma_start3A_447 : memref<128x32xf32, #tpu.memory_space<vmem>>) offsets(%dma_start3A_450 : memref<128xi32, #tpu.memory_space<vmem>>) semaphore(%dma_start3A_455 : memref<!tpu.dma_semaphore, #tpu.memory_space<semaphore_mem>>)
        } else {
        }
        %mul3A_232 = arith.constant 6 : i32
        %mul3A_233 = arith.muli %scan3A_191, %mul3A_232 : i32
        %add3A_234 = arith.constant 1 : i32
        %add3A_235 = arith.addi %mul3A_233, %add3A_234 : i32
        %dma_wait3A_236 = arith.constant 0 : i32
        %dma_wait3A_237 = arith.constant 1 : i32
        %dma_wait3A_238 = arith.constant 1 : i32
        %dma_wait3A_239 = arith.constant 0 : i32
        %dma_wait3A_240 = arith.constant 0 : i32
        %dma_wait3A_241 = tpu.memref_slice %arg7[%dma_wait3A_237, %dma_wait3A_239, %dma_wait3A_240] : memref<6x128x32xf32, #tpu.memory_space<vmem>> -> memref<1x128x32xf32, #tpu.memory_space<vmem>>
        %dma_wait3A_242 = tpu.memref_squeeze %dma_wait3A_241 : memref<1x128x32xf32, #tpu.memory_space<vmem>> -> memref<128x32xf32, #tpu.memory_space<vmem>>
        %dma_wait3A_243 = arith.constant 0 : i32
        %dma_wait3A_244 = tpu.memref_slice %arg6[%add3A_235, %dma_wait3A_236, %dma_wait3A_243] : memref<79x2x128xi32, #tpu.memory_space<vmem>> -> memref<1x1x128xi32, #tpu.memory_space<vmem>>
        %dma_wait3A_245 = tpu.memref_squeeze %dma_wait3A_244 : memref<1x1x128xi32, #tpu.memory_space<vmem>> -> memref<128xi32, #tpu.memory_space<vmem>>
        %dma_wait3A_246 = arith.constant 0 : i32
        %dma_wait3A_247 = arith.constant 0 : i32
        %dma_wait3A_248 = tpu.memref_slice %arg9[%dma_wait3A_246, %dma_wait3A_247] : memref<10112x32xf32, #tpu.memory_space<vmem_shared>> -> memref<10112x32xf32, #tpu.memory_space<vmem_shared>>
        %dma_wait3A_249 = tpu.memref_slice %arg10[%dma_wait3A_238] : memref<6x!tpu.dma_semaphore, #tpu.memory_space<semaphore_mem>> -> memref<1x!tpu.dma_semaphore, #tpu.memory_space<semaphore_mem>>
        %dma_wait3A_250 = tpu.memref_squeeze %dma_wait3A_249 : memref<1x!tpu.dma_semaphore, #tpu.memory_space<semaphore_mem>> -> memref<!tpu.dma_semaphore, #tpu.memory_space<semaphore_mem>>
        tpu.wait_indirect_dma semaphore(%dma_wait3A_250 : memref<!tpu.dma_semaphore, #tpu.memory_space<semaphore_mem>>) src(%dma_wait3A_248 : memref<10112x32xf32, #tpu.memory_space<vmem_shared>>) dst(%dma_wait3A_242 : memref<128x32xf32, #tpu.memory_space<vmem>>)
        %dma_start3A_251 = arith.constant 1 : i32
        %dma_start3A_252 = arith.constant 1 : i32
        %dma_start3A_253 = arith.constant 1 : i32
        %dma_start3A_254 = arith.constant 0 : i32
        %dma_start3A_255 = arith.constant 0 : i32
        %dma_start3A_256 = tpu.memref_slice %arg7[%dma_start3A_251, %dma_start3A_254, %dma_start3A_255] : memref<6x128x32xf32, #tpu.memory_space<vmem>> -> memref<1x128x32xf32, #tpu.memory_space<vmem>>
        %dma_start3A_257 = tpu.memref_squeeze %dma_start3A_256 : memref<1x128x32xf32, #tpu.memory_space<vmem>> -> memref<128x32xf32, #tpu.memory_space<vmem>>
        %dma_start3A_258 = arith.constant 0 : i32
        %dma_start3A_259 = tpu.memref_slice %arg6[%add3A_235, %dma_start3A_252, %dma_start3A_258] : memref<79x2x128xi32, #tpu.memory_space<vmem>> -> memref<1x1x128xi32, #tpu.memory_space<vmem>>
        %dma_start3A_260 = tpu.memref_squeeze %dma_start3A_259 : memref<1x1x128xi32, #tpu.memory_space<vmem>> -> memref<128xi32, #tpu.memory_space<vmem>>
        %dma_start3A_261 = arith.constant 0 : i32
        %dma_start3A_262 = arith.constant 0 : i32
        %dma_start3A_263 = tpu.memref_slice %arg8[%dma_start3A_261, %dma_start3A_262] : memref<10112x32xf32, #tpu.memory_space<vmem_shared>> -> memref<10112x32xf32, #tpu.memory_space<vmem_shared>>
        %dma_start3A_264 = tpu.memref_slice %arg11[%dma_start3A_253] : memref<6x!tpu.dma_semaphore, #tpu.memory_space<semaphore_mem>> -> memref<1x!tpu.dma_semaphore, #tpu.memory_space<semaphore_mem>>
        %dma_start3A_265 = tpu.memref_squeeze %dma_start3A_264 : memref<1x!tpu.dma_semaphore, #tpu.memory_space<semaphore_mem>> -> memref<!tpu.dma_semaphore, #tpu.memory_space<semaphore_mem>>
        tpu.enqueue_indirect_dma source(%dma_start3A_257 : memref<128x32xf32, #tpu.memory_space<vmem>>) target(%dma_start3A_263 : memref<10112x32xf32, #tpu.memory_space<vmem_shared>>) offsets(%dma_start3A_260 : memref<128xi32, #tpu.memory_space<vmem>>) semaphore(%dma_start3A_265 : memref<!tpu.dma_semaphore, #tpu.memory_space<semaphore_mem>>) {add = true}
        %add3A_266 = arith.constant 4 : i32
        %add3A_267 = arith.addi %add3A_235, %add3A_266 : i32
        %lt3A_268 = arith.constant 78 : i32
        %lt3A_269 = arith.cmpi slt, %add3A_267, %lt3A_268 : i32
        %convert_element_type3A_270 = arith.extui %lt3A_269 : i1 to i32
        %cond3A_271 = arith.constant 0 : i32
        %cond3A_272 = arith.cmpi ne, %convert_element_type3A_270, %cond3A_271 : i32
        scf.if %cond3A_272 {
          %ge3A = arith.constant 6 : i32
          %ge3A_437 = arith.cmpi sge, %add3A_267, %ge3A : i32
          %convert_element_type3A_438 = arith.extui %ge3A_437 : i1 to i32
          %cond3A_439 = arith.constant 0 : i32
          %cond3A_440 = arith.cmpi ne, %convert_element_type3A_438, %cond3A_439 : i32
          scf.if %cond3A_440 {
            %sub3A = arith.constant 6 : i32
            %sub3A_456 = arith.subi %add3A_267, %sub3A : i32
            %dma_wait3A_457 = arith.constant 5 : i32
            %dma_wait3A_458 = arith.constant 1 : i32
            %dma_wait3A_459 = arith.constant 5 : i32
            %dma_wait3A_460 = arith.constant 0 : i32
            %dma_wait3A_461 = arith.constant 0 : i32
            %dma_wait3A_462 = tpu.memref_slice %arg7[%dma_wait3A_457, %dma_wait3A_460, %dma_wait3A_461] : memref<6x128x32xf32, #tpu.memory_space<vmem>> -> memref<1x128x32xf32, #tpu.memory_space<vmem>>
            %dma_wait3A_463 = tpu.memref_squeeze %dma_wait3A_462 : memref<1x128x32xf32, #tpu.memory_space<vmem>> -> memref<128x32xf32, #tpu.memory_space<vmem>>
            %dma_wait3A_464 = arith.constant 0 : i32
            %dma_wait3A_465 = tpu.memref_slice %arg6[%sub3A_456, %dma_wait3A_458, %dma_wait3A_464] : memref<79x2x128xi32, #tpu.memory_space<vmem>> -> memref<1x1x128xi32, #tpu.memory_space<vmem>>
            %dma_wait3A_466 = tpu.memref_squeeze %dma_wait3A_465 : memref<1x1x128xi32, #tpu.memory_space<vmem>> -> memref<128xi32, #tpu.memory_space<vmem>>
            %dma_wait3A_467 = arith.constant 0 : i32
            %dma_wait3A_468 = arith.constant 0 : i32
            %dma_wait3A_469 = tpu.memref_slice %arg8[%dma_wait3A_467, %dma_wait3A_468] : memref<10112x32xf32, #tpu.memory_space<vmem_shared>> -> memref<10112x32xf32, #tpu.memory_space<vmem_shared>>
            %dma_wait3A_470 = tpu.memref_slice %arg11[%dma_wait3A_459] : memref<6x!tpu.dma_semaphore, #tpu.memory_space<semaphore_mem>> -> memref<1x!tpu.dma_semaphore, #tpu.memory_space<semaphore_mem>>
            %dma_wait3A_471 = tpu.memref_squeeze %dma_wait3A_470 : memref<1x!tpu.dma_semaphore, #tpu.memory_space<semaphore_mem>> -> memref<!tpu.dma_semaphore, #tpu.memory_space<semaphore_mem>>
            tpu.wait_indirect_dma semaphore(%dma_wait3A_471 : memref<!tpu.dma_semaphore, #tpu.memory_space<semaphore_mem>>) src(%dma_wait3A_463 : memref<128x32xf32, #tpu.memory_space<vmem>>) dst(%dma_wait3A_469 : memref<10112x32xf32, #tpu.memory_space<vmem_shared>>)
          } else {
          }
          %dma_start3A_441 = arith.constant 0 : i32
          %dma_start3A_442 = arith.constant 5 : i32
          %dma_start3A_443 = arith.constant 5 : i32
          %dma_start3A_444 = arith.constant 0 : i32
          %dma_start3A_445 = arith.constant 0 : i32
          %dma_start3A_446 = tpu.memref_slice %arg7[%dma_start3A_442, %dma_start3A_444, %dma_start3A_445] : memref<6x128x32xf32, #tpu.memory_space<vmem>> -> memref<1x128x32xf32, #tpu.memory_space<vmem>>
          %dma_start3A_447 = tpu.memref_squeeze %dma_start3A_446 : memref<1x128x32xf32, #tpu.memory_space<vmem>> -> memref<128x32xf32, #tpu.memory_space<vmem>>
          %dma_start3A_448 = arith.constant 0 : i32
          %dma_start3A_449 = tpu.memref_slice %arg6[%add3A_267, %dma_start3A_441, %dma_start3A_448] : memref<79x2x128xi32, #tpu.memory_space<vmem>> -> memref<1x1x128xi32, #tpu.memory_space<vmem>>
          %dma_start3A_450 = tpu.memref_squeeze %dma_start3A_449 : memref<1x1x128xi32, #tpu.memory_space<vmem>> -> memref<128xi32, #tpu.memory_space<vmem>>
          %dma_start3A_451 = arith.constant 0 : i32
          %dma_start3A_452 = arith.constant 0 : i32
          %dma_start3A_453 = tpu.memref_slice %arg9[%dma_start3A_451, %dma_start3A_452] : memref<10112x32xf32, #tpu.memory_space<vmem_shared>> -> memref<10112x32xf32, #tpu.memory_space<vmem_shared>>
          %dma_start3A_454 = tpu.memref_slice %arg10[%dma_start3A_443] : memref<6x!tpu.dma_semaphore, #tpu.memory_space<semaphore_mem>> -> memref<1x!tpu.dma_semaphore, #tpu.memory_space<semaphore_mem>>
          %dma_start3A_455 = tpu.memref_squeeze %dma_start3A_454 : memref<1x!tpu.dma_semaphore, #tpu.memory_space<semaphore_mem>> -> memref<!tpu.dma_semaphore, #tpu.memory_space<semaphore_mem>>
          tpu.enqueue_indirect_dma source(%dma_start3A_453 : memref<10112x32xf32, #tpu.memory_space<vmem_shared>>) target(%dma_start3A_447 : memref<128x32xf32, #tpu.memory_space<vmem>>) offsets(%dma_start3A_450 : memref<128xi32, #tpu.memory_space<vmem>>) semaphore(%dma_start3A_455 : memref<!tpu.dma_semaphore, #tpu.memory_space<semaphore_mem>>)
        } else {
        }
        %mul3A_273 = arith.constant 6 : i32
        %mul3A_274 = arith.muli %scan3A_191, %mul3A_273 : i32
        %add3A_275 = arith.constant 2 : i32
        %add3A_276 = arith.addi %mul3A_274, %add3A_275 : i32
        %dma_wait3A_277 = arith.constant 0 : i32
        %dma_wait3A_278 = arith.constant 2 : i32
        %dma_wait3A_279 = arith.constant 2 : i32
        %dma_wait3A_280 = arith.constant 0 : i32
        %dma_wait3A_281 = arith.constant 0 : i32
        %dma_wait3A_282 = tpu.memref_slice %arg7[%dma_wait3A_278, %dma_wait3A_280, %dma_wait3A_281] : memref<6x128x32xf32, #tpu.memory_space<vmem>> -> memref<1x128x32xf32, #tpu.memory_space<vmem>>
        %dma_wait3A_283 = tpu.memref_squeeze %dma_wait3A_282 : memref<1x128x32xf32, #tpu.memory_space<vmem>> -> memref<128x32xf32, #tpu.memory_space<vmem>>
        %dma_wait3A_284 = arith.constant 0 : i32
        %dma_wait3A_285 = tpu.memref_slice %arg6[%add3A_276, %dma_wait3A_277, %dma_wait3A_284] : memref<79x2x128xi32, #tpu.memory_space<vmem>> -> memref<1x1x128xi32, #tpu.memory_space<vmem>>
        %dma_wait3A_286 = tpu.memref_squeeze %dma_wait3A_285 : memref<1x1x128xi32, #tpu.memory_space<vmem>> -> memref<128xi32, #tpu.memory_space<vmem>>
        %dma_wait3A_287 = arith.constant 0 : i32
        %dma_wait3A_288 = arith.constant 0 : i32
        %dma_wait3A_289 = tpu.memref_slice %arg9[%dma_wait3A_287, %dma_wait3A_288] : memref<10112x32xf32, #tpu.memory_space<vmem_shared>> -> memref<10112x32xf32, #tpu.memory_space<vmem_shared>>
        %dma_wait3A_290 = tpu.memref_slice %arg10[%dma_wait3A_279] : memref<6x!tpu.dma_semaphore, #tpu.memory_space<semaphore_mem>> -> memref<1x!tpu.dma_semaphore, #tpu.memory_space<semaphore_mem>>
        %dma_wait3A_291 = tpu.memref_squeeze %dma_wait3A_290 : memref<1x!tpu.dma_semaphore, #tpu.memory_space<semaphore_mem>> -> memref<!tpu.dma_semaphore, #tpu.memory_space<semaphore_mem>>
        tpu.wait_indirect_dma semaphore(%dma_wait3A_291 : memref<!tpu.dma_semaphore, #tpu.memory_space<semaphore_mem>>) src(%dma_wait3A_289 : memref<10112x32xf32, #tpu.memory_space<vmem_shared>>) dst(%dma_wait3A_283 : memref<128x32xf32, #tpu.memory_space<vmem>>)
        %dma_start3A_292 = arith.constant 2 : i32
        %dma_start3A_293 = arith.constant 1 : i32
        %dma_start3A_294 = arith.constant 2 : i32
        %dma_start3A_295 = arith.constant 0 : i32
        %dma_start3A_296 = arith.constant 0 : i32
        %dma_start3A_297 = tpu.memref_slice %arg7[%dma_start3A_292, %dma_start3A_295, %dma_start3A_296] : memref<6x128x32xf32, #tpu.memory_space<vmem>> -> memref<1x128x32xf32, #tpu.memory_space<vmem>>
        %dma_start3A_298 = tpu.memref_squeeze %dma_start3A_297 : memref<1x128x32xf32, #tpu.memory_space<vmem>> -> memref<128x32xf32, #tpu.memory_space<vmem>>
        %dma_start3A_299 = arith.constant 0 : i32
        %dma_start3A_300 = tpu.memref_slice %arg6[%add3A_276, %dma_start3A_293, %dma_start3A_299] : memref<79x2x128xi32, #tpu.memory_space<vmem>> -> memref<1x1x128xi32, #tpu.memory_space<vmem>>
        %dma_start3A_301 = tpu.memref_squeeze %dma_start3A_300 : memref<1x1x128xi32, #tpu.memory_space<vmem>> -> memref<128xi32, #tpu.memory_space<vmem>>
        %dma_start3A_302 = arith.constant 0 : i32
        %dma_start3A_303 = arith.constant 0 : i32
        %dma_start3A_304 = tpu.memref_slice %arg8[%dma_start3A_302, %dma_start3A_303] : memref<10112x32xf32, #tpu.memory_space<vmem_shared>> -> memref<10112x32xf32, #tpu.memory_space<vmem_shared>>
        %dma_start3A_305 = tpu.memref_slice %arg11[%dma_start3A_294] : memref<6x!tpu.dma_semaphore, #tpu.memory_space<semaphore_mem>> -> memref<1x!tpu.dma_semaphore, #tpu.memory_space<semaphore_mem>>
        %dma_start3A_306 = tpu.memref_squeeze %dma_start3A_305 : memref<1x!tpu.dma_semaphore, #tpu.memory_space<semaphore_mem>> -> memref<!tpu.dma_semaphore, #tpu.memory_space<semaphore_mem>>
        tpu.enqueue_indirect_dma source(%dma_start3A_298 : memref<128x32xf32, #tpu.memory_space<vmem>>) target(%dma_start3A_304 : memref<10112x32xf32, #tpu.memory_space<vmem_shared>>) offsets(%dma_start3A_301 : memref<128xi32, #tpu.memory_space<vmem>>) semaphore(%dma_start3A_306 : memref<!tpu.dma_semaphore, #tpu.memory_space<semaphore_mem>>) {add = true}
        %add3A_307 = arith.constant 4 : i32
        %add3A_308 = arith.addi %add3A_276, %add3A_307 : i32
        %lt3A_309 = arith.constant 78 : i32
        %lt3A_310 = arith.cmpi slt, %add3A_308, %lt3A_309 : i32
        %convert_element_type3A_311 = arith.extui %lt3A_310 : i1 to i32
        %cond3A_312 = arith.constant 0 : i32
        %cond3A_313 = arith.cmpi ne, %convert_element_type3A_311, %cond3A_312 : i32
        scf.if %cond3A_313 {
          %ge3A = arith.constant 6 : i32
          %ge3A_437 = arith.cmpi sge, %add3A_308, %ge3A : i32
          %convert_element_type3A_438 = arith.extui %ge3A_437 : i1 to i32
          %cond3A_439 = arith.constant 0 : i32
          %cond3A_440 = arith.cmpi ne, %convert_element_type3A_438, %cond3A_439 : i32
          scf.if %cond3A_440 {
            %sub3A = arith.constant 6 : i32
            %sub3A_456 = arith.subi %add3A_308, %sub3A : i32
            %dma_wait3A_457 = arith.constant 0 : i32
            %dma_wait3A_458 = arith.constant 1 : i32
            %dma_wait3A_459 = arith.constant 0 : i32
            %dma_wait3A_460 = arith.constant 0 : i32
            %dma_wait3A_461 = arith.constant 0 : i32
            %dma_wait3A_462 = tpu.memref_slice %arg7[%dma_wait3A_457, %dma_wait3A_460, %dma_wait3A_461] : memref<6x128x32xf32, #tpu.memory_space<vmem>> -> memref<1x128x32xf32, #tpu.memory_space<vmem>>
            %dma_wait3A_463 = tpu.memref_squeeze %dma_wait3A_462 : memref<1x128x32xf32, #tpu.memory_space<vmem>> -> memref<128x32xf32, #tpu.memory_space<vmem>>
            %dma_wait3A_464 = arith.constant 0 : i32
            %dma_wait3A_465 = tpu.memref_slice %arg6[%sub3A_456, %dma_wait3A_458, %dma_wait3A_464] : memref<79x2x128xi32, #tpu.memory_space<vmem>> -> memref<1x1x128xi32, #tpu.memory_space<vmem>>
            %dma_wait3A_466 = tpu.memref_squeeze %dma_wait3A_465 : memref<1x1x128xi32, #tpu.memory_space<vmem>> -> memref<128xi32, #tpu.memory_space<vmem>>
            %dma_wait3A_467 = arith.constant 0 : i32
            %dma_wait3A_468 = arith.constant 0 : i32
            %dma_wait3A_469 = tpu.memref_slice %arg8[%dma_wait3A_467, %dma_wait3A_468] : memref<10112x32xf32, #tpu.memory_space<vmem_shared>> -> memref<10112x32xf32, #tpu.memory_space<vmem_shared>>
            %dma_wait3A_470 = tpu.memref_slice %arg11[%dma_wait3A_459] : memref<6x!tpu.dma_semaphore, #tpu.memory_space<semaphore_mem>> -> memref<1x!tpu.dma_semaphore, #tpu.memory_space<semaphore_mem>>
            %dma_wait3A_471 = tpu.memref_squeeze %dma_wait3A_470 : memref<1x!tpu.dma_semaphore, #tpu.memory_space<semaphore_mem>> -> memref<!tpu.dma_semaphore, #tpu.memory_space<semaphore_mem>>
            tpu.wait_indirect_dma semaphore(%dma_wait3A_471 : memref<!tpu.dma_semaphore, #tpu.memory_space<semaphore_mem>>) src(%dma_wait3A_463 : memref<128x32xf32, #tpu.memory_space<vmem>>) dst(%dma_wait3A_469 : memref<10112x32xf32, #tpu.memory_space<vmem_shared>>)
          } else {
          }
          %dma_start3A_441 = arith.constant 0 : i32
          %dma_start3A_442 = arith.constant 0 : i32
          %dma_start3A_443 = arith.constant 0 : i32
          %dma_start3A_444 = arith.constant 0 : i32
          %dma_start3A_445 = arith.constant 0 : i32
          %dma_start3A_446 = tpu.memref_slice %arg7[%dma_start3A_442, %dma_start3A_444, %dma_start3A_445] : memref<6x128x32xf32, #tpu.memory_space<vmem>> -> memref<1x128x32xf32, #tpu.memory_space<vmem>>
          %dma_start3A_447 = tpu.memref_squeeze %dma_start3A_446 : memref<1x128x32xf32, #tpu.memory_space<vmem>> -> memref<128x32xf32, #tpu.memory_space<vmem>>
          %dma_start3A_448 = arith.constant 0 : i32
          %dma_start3A_449 = tpu.memref_slice %arg6[%add3A_308, %dma_start3A_441, %dma_start3A_448] : memref<79x2x128xi32, #tpu.memory_space<vmem>> -> memref<1x1x128xi32, #tpu.memory_space<vmem>>
          %dma_start3A_450 = tpu.memref_squeeze %dma_start3A_449 : memref<1x1x128xi32, #tpu.memory_space<vmem>> -> memref<128xi32, #tpu.memory_space<vmem>>
          %dma_start3A_451 = arith.constant 0 : i32
          %dma_start3A_452 = arith.constant 0 : i32
          %dma_start3A_453 = tpu.memref_slice %arg9[%dma_start3A_451, %dma_start3A_452] : memref<10112x32xf32, #tpu.memory_space<vmem_shared>> -> memref<10112x32xf32, #tpu.memory_space<vmem_shared>>
          %dma_start3A_454 = tpu.memref_slice %arg10[%dma_start3A_443] : memref<6x!tpu.dma_semaphore, #tpu.memory_space<semaphore_mem>> -> memref<1x!tpu.dma_semaphore, #tpu.memory_space<semaphore_mem>>
          %dma_start3A_455 = tpu.memref_squeeze %dma_start3A_454 : memref<1x!tpu.dma_semaphore, #tpu.memory_space<semaphore_mem>> -> memref<!tpu.dma_semaphore, #tpu.memory_space<semaphore_mem>>
          tpu.enqueue_indirect_dma source(%dma_start3A_453 : memref<10112x32xf32, #tpu.memory_space<vmem_shared>>) target(%dma_start3A_447 : memref<128x32xf32, #tpu.memory_space<vmem>>) offsets(%dma_start3A_450 : memref<128xi32, #tpu.memory_space<vmem>>) semaphore(%dma_start3A_455 : memref<!tpu.dma_semaphore, #tpu.memory_space<semaphore_mem>>)
        } else {
        }
        %mul3A_314 = arith.constant 6 : i32
        %mul3A_315 = arith.muli %scan3A_191, %mul3A_314 : i32
        %add3A_316 = arith.constant 3 : i32
        %add3A_317 = arith.addi %mul3A_315, %add3A_316 : i32
        %dma_wait3A_318 = arith.constant 0 : i32
        %dma_wait3A_319 = arith.constant 3 : i32
        %dma_wait3A_320 = arith.constant 3 : i32
        %dma_wait3A_321 = arith.constant 0 : i32
        %dma_wait3A_322 = arith.constant 0 : i32
        %dma_wait3A_323 = tpu.memref_slice %arg7[%dma_wait3A_319, %dma_wait3A_321, %dma_wait3A_322] : memref<6x128x32xf32, #tpu.memory_space<vmem>> -> memref<1x128x32xf32, #tpu.memory_space<vmem>>
        %dma_wait3A_324 = tpu.memref_squeeze %dma_wait3A_323 : memref<1x128x32xf32, #tpu.memory_space<vmem>> -> memref<128x32xf32, #tpu.memory_space<vmem>>
        %dma_wait3A_325 = arith.constant 0 : i32
        %dma_wait3A_326 = tpu.memref_slice %arg6[%add3A_317, %dma_wait3A_318, %dma_wait3A_325] : memref<79x2x128xi32, #tpu.memory_space<vmem>> -> memref<1x1x128xi32, #tpu.memory_space<vmem>>
        %dma_wait3A_327 = tpu.memref_squeeze %dma_wait3A_326 : memref<1x1x128xi32, #tpu.memory_space<vmem>> -> memref<128xi32, #tpu.memory_space<vmem>>
        %dma_wait3A_328 = arith.constant 0 : i32
        %dma_wait3A_329 = arith.constant 0 : i32
        %dma_wait3A_330 = tpu.memref_slice %arg9[%dma_wait3A_328, %dma_wait3A_329] : memref<10112x32xf32, #tpu.memory_space<vmem_shared>> -> memref<10112x32xf32, #tpu.memory_space<vmem_shared>>
        %dma_wait3A_331 = tpu.memref_slice %arg10[%dma_wait3A_320] : memref<6x!tpu.dma_semaphore, #tpu.memory_space<semaphore_mem>> -> memref<1x!tpu.dma_semaphore, #tpu.memory_space<semaphore_mem>>
        %dma_wait3A_332 = tpu.memref_squeeze %dma_wait3A_331 : memref<1x!tpu.dma_semaphore, #tpu.memory_space<semaphore_mem>> -> memref<!tpu.dma_semaphore, #tpu.memory_space<semaphore_mem>>
        tpu.wait_indirect_dma semaphore(%dma_wait3A_332 : memref<!tpu.dma_semaphore, #tpu.memory_space<semaphore_mem>>) src(%dma_wait3A_330 : memref<10112x32xf32, #tpu.memory_space<vmem_shared>>) dst(%dma_wait3A_324 : memref<128x32xf32, #tpu.memory_space<vmem>>)
        %dma_start3A_333 = arith.constant 3 : i32
        %dma_start3A_334 = arith.constant 1 : i32
        %dma_start3A_335 = arith.constant 3 : i32
        %dma_start3A_336 = arith.constant 0 : i32
        %dma_start3A_337 = arith.constant 0 : i32
        %dma_start3A_338 = tpu.memref_slice %arg7[%dma_start3A_333, %dma_start3A_336, %dma_start3A_337] : memref<6x128x32xf32, #tpu.memory_space<vmem>> -> memref<1x128x32xf32, #tpu.memory_space<vmem>>
        %dma_start3A_339 = tpu.memref_squeeze %dma_start3A_338 : memref<1x128x32xf32, #tpu.memory_space<vmem>> -> memref<128x32xf32, #tpu.memory_space<vmem>>
        %dma_start3A_340 = arith.constant 0 : i32
        %dma_start3A_341 = tpu.memref_slice %arg6[%add3A_317, %dma_start3A_334, %dma_start3A_340] : memref<79x2x128xi32, #tpu.memory_space<vmem>> -> memref<1x1x128xi32, #tpu.memory_space<vmem>>
        %dma_start3A_342 = tpu.memref_squeeze %dma_start3A_341 : memref<1x1x128xi32, #tpu.memory_space<vmem>> -> memref<128xi32, #tpu.memory_space<vmem>>
        %dma_start3A_343 = arith.constant 0 : i32
        %dma_start3A_344 = arith.constant 0 : i32
        %dma_start3A_345 = tpu.memref_slice %arg8[%dma_start3A_343, %dma_start3A_344] : memref<10112x32xf32, #tpu.memory_space<vmem_shared>> -> memref<10112x32xf32, #tpu.memory_space<vmem_shared>>
        %dma_start3A_346 = tpu.memref_slice %arg11[%dma_start3A_335] : memref<6x!tpu.dma_semaphore, #tpu.memory_space<semaphore_mem>> -> memref<1x!tpu.dma_semaphore, #tpu.memory_space<semaphore_mem>>
        %dma_start3A_347 = tpu.memref_squeeze %dma_start3A_346 : memref<1x!tpu.dma_semaphore, #tpu.memory_space<semaphore_mem>> -> memref<!tpu.dma_semaphore, #tpu.memory_space<semaphore_mem>>
        tpu.enqueue_indirect_dma source(%dma_start3A_339 : memref<128x32xf32, #tpu.memory_space<vmem>>) target(%dma_start3A_345 : memref<10112x32xf32, #tpu.memory_space<vmem_shared>>) offsets(%dma_start3A_342 : memref<128xi32, #tpu.memory_space<vmem>>) semaphore(%dma_start3A_347 : memref<!tpu.dma_semaphore, #tpu.memory_space<semaphore_mem>>) {add = true}
        %add3A_348 = arith.constant 4 : i32
        %add3A_349 = arith.addi %add3A_317, %add3A_348 : i32
        %lt3A_350 = arith.constant 78 : i32
        %lt3A_351 = arith.cmpi slt, %add3A_349, %lt3A_350 : i32
        %convert_element_type3A_352 = arith.extui %lt3A_351 : i1 to i32
        %cond3A_353 = arith.constant 0 : i32
        %cond3A_354 = arith.cmpi ne, %convert_element_type3A_352, %cond3A_353 : i32
        scf.if %cond3A_354 {
          %ge3A = arith.constant 6 : i32
          %ge3A_437 = arith.cmpi sge, %add3A_349, %ge3A : i32
          %convert_element_type3A_438 = arith.extui %ge3A_437 : i1 to i32
          %cond3A_439 = arith.constant 0 : i32
          %cond3A_440 = arith.cmpi ne, %convert_element_type3A_438, %cond3A_439 : i32
          scf.if %cond3A_440 {
            %sub3A = arith.constant 6 : i32
            %sub3A_456 = arith.subi %add3A_349, %sub3A : i32
            %dma_wait3A_457 = arith.constant 1 : i32
            %dma_wait3A_458 = arith.constant 1 : i32
            %dma_wait3A_459 = arith.constant 1 : i32
            %dma_wait3A_460 = arith.constant 0 : i32
            %dma_wait3A_461 = arith.constant 0 : i32
            %dma_wait3A_462 = tpu.memref_slice %arg7[%dma_wait3A_457, %dma_wait3A_460, %dma_wait3A_461] : memref<6x128x32xf32, #tpu.memory_space<vmem>> -> memref<1x128x32xf32, #tpu.memory_space<vmem>>
            %dma_wait3A_463 = tpu.memref_squeeze %dma_wait3A_462 : memref<1x128x32xf32, #tpu.memory_space<vmem>> -> memref<128x32xf32, #tpu.memory_space<vmem>>
            %dma_wait3A_464 = arith.constant 0 : i32
            %dma_wait3A_465 = tpu.memref_slice %arg6[%sub3A_456, %dma_wait3A_458, %dma_wait3A_464] : memref<79x2x128xi32, #tpu.memory_space<vmem>> -> memref<1x1x128xi32, #tpu.memory_space<vmem>>
            %dma_wait3A_466 = tpu.memref_squeeze %dma_wait3A_465 : memref<1x1x128xi32, #tpu.memory_space<vmem>> -> memref<128xi32, #tpu.memory_space<vmem>>
            %dma_wait3A_467 = arith.constant 0 : i32
            %dma_wait3A_468 = arith.constant 0 : i32
            %dma_wait3A_469 = tpu.memref_slice %arg8[%dma_wait3A_467, %dma_wait3A_468] : memref<10112x32xf32, #tpu.memory_space<vmem_shared>> -> memref<10112x32xf32, #tpu.memory_space<vmem_shared>>
            %dma_wait3A_470 = tpu.memref_slice %arg11[%dma_wait3A_459] : memref<6x!tpu.dma_semaphore, #tpu.memory_space<semaphore_mem>> -> memref<1x!tpu.dma_semaphore, #tpu.memory_space<semaphore_mem>>
            %dma_wait3A_471 = tpu.memref_squeeze %dma_wait3A_470 : memref<1x!tpu.dma_semaphore, #tpu.memory_space<semaphore_mem>> -> memref<!tpu.dma_semaphore, #tpu.memory_space<semaphore_mem>>
            tpu.wait_indirect_dma semaphore(%dma_wait3A_471 : memref<!tpu.dma_semaphore, #tpu.memory_space<semaphore_mem>>) src(%dma_wait3A_463 : memref<128x32xf32, #tpu.memory_space<vmem>>) dst(%dma_wait3A_469 : memref<10112x32xf32, #tpu.memory_space<vmem_shared>>)
          } else {
          }
          %dma_start3A_441 = arith.constant 0 : i32
          %dma_start3A_442 = arith.constant 1 : i32
          %dma_start3A_443 = arith.constant 1 : i32
          %dma_start3A_444 = arith.constant 0 : i32
          %dma_start3A_445 = arith.constant 0 : i32
          %dma_start3A_446 = tpu.memref_slice %arg7[%dma_start3A_442, %dma_start3A_444, %dma_start3A_445] : memref<6x128x32xf32, #tpu.memory_space<vmem>> -> memref<1x128x32xf32, #tpu.memory_space<vmem>>
          %dma_start3A_447 = tpu.memref_squeeze %dma_start3A_446 : memref<1x128x32xf32, #tpu.memory_space<vmem>> -> memref<128x32xf32, #tpu.memory_space<vmem>>
          %dma_start3A_448 = arith.constant 0 : i32
          %dma_start3A_449 = tpu.memref_slice %arg6[%add3A_349, %dma_start3A_441, %dma_start3A_448] : memref<79x2x128xi32, #tpu.memory_space<vmem>> -> memref<1x1x128xi32, #tpu.memory_space<vmem>>
          %dma_start3A_450 = tpu.memref_squeeze %dma_start3A_449 : memref<1x1x128xi32, #tpu.memory_space<vmem>> -> memref<128xi32, #tpu.memory_space<vmem>>
          %dma_start3A_451 = arith.constant 0 : i32
          %dma_start3A_452 = arith.constant 0 : i32
          %dma_start3A_453 = tpu.memref_slice %arg9[%dma_start3A_451, %dma_start3A_452] : memref<10112x32xf32, #tpu.memory_space<vmem_shared>> -> memref<10112x32xf32, #tpu.memory_space<vmem_shared>>
          %dma_start3A_454 = tpu.memref_slice %arg10[%dma_start3A_443] : memref<6x!tpu.dma_semaphore, #tpu.memory_space<semaphore_mem>> -> memref<1x!tpu.dma_semaphore, #tpu.memory_space<semaphore_mem>>
          %dma_start3A_455 = tpu.memref_squeeze %dma_start3A_454 : memref<1x!tpu.dma_semaphore, #tpu.memory_space<semaphore_mem>> -> memref<!tpu.dma_semaphore, #tpu.memory_space<semaphore_mem>>
          tpu.enqueue_indirect_dma source(%dma_start3A_453 : memref<10112x32xf32, #tpu.memory_space<vmem_shared>>) target(%dma_start3A_447 : memref<128x32xf32, #tpu.memory_space<vmem>>) offsets(%dma_start3A_450 : memref<128xi32, #tpu.memory_space<vmem>>) semaphore(%dma_start3A_455 : memref<!tpu.dma_semaphore, #tpu.memory_space<semaphore_mem>>)
        } else {
        }
        %mul3A_355 = arith.constant 6 : i32
        %mul3A_356 = arith.muli %scan3A_191, %mul3A_355 : i32
        %add3A_357 = arith.constant 4 : i32
        %add3A_358 = arith.addi %mul3A_356, %add3A_357 : i32
        %dma_wait3A_359 = arith.constant 0 : i32
        %dma_wait3A_360 = arith.constant 4 : i32
        %dma_wait3A_361 = arith.constant 4 : i32
        %dma_wait3A_362 = arith.constant 0 : i32
        %dma_wait3A_363 = arith.constant 0 : i32
        %dma_wait3A_364 = tpu.memref_slice %arg7[%dma_wait3A_360, %dma_wait3A_362, %dma_wait3A_363] : memref<6x128x32xf32, #tpu.memory_space<vmem>> -> memref<1x128x32xf32, #tpu.memory_space<vmem>>
        %dma_wait3A_365 = tpu.memref_squeeze %dma_wait3A_364 : memref<1x128x32xf32, #tpu.memory_space<vmem>> -> memref<128x32xf32, #tpu.memory_space<vmem>>
        %dma_wait3A_366 = arith.constant 0 : i32
        %dma_wait3A_367 = tpu.memref_slice %arg6[%add3A_358, %dma_wait3A_359, %dma_wait3A_366] : memref<79x2x128xi32, #tpu.memory_space<vmem>> -> memref<1x1x128xi32, #tpu.memory_space<vmem>>
        %dma_wait3A_368 = tpu.memref_squeeze %dma_wait3A_367 : memref<1x1x128xi32, #tpu.memory_space<vmem>> -> memref<128xi32, #tpu.memory_space<vmem>>
        %dma_wait3A_369 = arith.constant 0 : i32
        %dma_wait3A_370 = arith.constant 0 : i32
        %dma_wait3A_371 = tpu.memref_slice %arg9[%dma_wait3A_369, %dma_wait3A_370] : memref<10112x32xf32, #tpu.memory_space<vmem_shared>> -> memref<10112x32xf32, #tpu.memory_space<vmem_shared>>
        %dma_wait3A_372 = tpu.memref_slice %arg10[%dma_wait3A_361] : memref<6x!tpu.dma_semaphore, #tpu.memory_space<semaphore_mem>> -> memref<1x!tpu.dma_semaphore, #tpu.memory_space<semaphore_mem>>
        %dma_wait3A_373 = tpu.memref_squeeze %dma_wait3A_372 : memref<1x!tpu.dma_semaphore, #tpu.memory_space<semaphore_mem>> -> memref<!tpu.dma_semaphore, #tpu.memory_space<semaphore_mem>>
        tpu.wait_indirect_dma semaphore(%dma_wait3A_373 : memref<!tpu.dma_semaphore, #tpu.memory_space<semaphore_mem>>) src(%dma_wait3A_371 : memref<10112x32xf32, #tpu.memory_space<vmem_shared>>) dst(%dma_wait3A_365 : memref<128x32xf32, #tpu.memory_space<vmem>>)
        %dma_start3A_374 = arith.constant 4 : i32
        %dma_start3A_375 = arith.constant 1 : i32
        %dma_start3A_376 = arith.constant 4 : i32
        %dma_start3A_377 = arith.constant 0 : i32
        %dma_start3A_378 = arith.constant 0 : i32
        %dma_start3A_379 = tpu.memref_slice %arg7[%dma_start3A_374, %dma_start3A_377, %dma_start3A_378] : memref<6x128x32xf32, #tpu.memory_space<vmem>> -> memref<1x128x32xf32, #tpu.memory_space<vmem>>
        %dma_start3A_380 = tpu.memref_squeeze %dma_start3A_379 : memref<1x128x32xf32, #tpu.memory_space<vmem>> -> memref<128x32xf32, #tpu.memory_space<vmem>>
        %dma_start3A_381 = arith.constant 0 : i32
        %dma_start3A_382 = tpu.memref_slice %arg6[%add3A_358, %dma_start3A_375, %dma_start3A_381] : memref<79x2x128xi32, #tpu.memory_space<vmem>> -> memref<1x1x128xi32, #tpu.memory_space<vmem>>
        %dma_start3A_383 = tpu.memref_squeeze %dma_start3A_382 : memref<1x1x128xi32, #tpu.memory_space<vmem>> -> memref<128xi32, #tpu.memory_space<vmem>>
        %dma_start3A_384 = arith.constant 0 : i32
        %dma_start3A_385 = arith.constant 0 : i32
        %dma_start3A_386 = tpu.memref_slice %arg8[%dma_start3A_384, %dma_start3A_385] : memref<10112x32xf32, #tpu.memory_space<vmem_shared>> -> memref<10112x32xf32, #tpu.memory_space<vmem_shared>>
        %dma_start3A_387 = tpu.memref_slice %arg11[%dma_start3A_376] : memref<6x!tpu.dma_semaphore, #tpu.memory_space<semaphore_mem>> -> memref<1x!tpu.dma_semaphore, #tpu.memory_space<semaphore_mem>>
        %dma_start3A_388 = tpu.memref_squeeze %dma_start3A_387 : memref<1x!tpu.dma_semaphore, #tpu.memory_space<semaphore_mem>> -> memref<!tpu.dma_semaphore, #tpu.memory_space<semaphore_mem>>
        tpu.enqueue_indirect_dma source(%dma_start3A_380 : memref<128x32xf32, #tpu.memory_space<vmem>>) target(%dma_start3A_386 : memref<10112x32xf32, #tpu.memory_space<vmem_shared>>) offsets(%dma_start3A_383 : memref<128xi32, #tpu.memory_space<vmem>>) semaphore(%dma_start3A_388 : memref<!tpu.dma_semaphore, #tpu.memory_space<semaphore_mem>>) {add = true}
        %add3A_389 = arith.constant 4 : i32
        %add3A_390 = arith.addi %add3A_358, %add3A_389 : i32
        %lt3A_391 = arith.constant 78 : i32
        %lt3A_392 = arith.cmpi slt, %add3A_390, %lt3A_391 : i32
        %convert_element_type3A_393 = arith.extui %lt3A_392 : i1 to i32
        %cond3A_394 = arith.constant 0 : i32
        %cond3A_395 = arith.cmpi ne, %convert_element_type3A_393, %cond3A_394 : i32
        scf.if %cond3A_395 {
          %ge3A = arith.constant 6 : i32
          %ge3A_437 = arith.cmpi sge, %add3A_390, %ge3A : i32
          %convert_element_type3A_438 = arith.extui %ge3A_437 : i1 to i32
          %cond3A_439 = arith.constant 0 : i32
          %cond3A_440 = arith.cmpi ne, %convert_element_type3A_438, %cond3A_439 : i32
          scf.if %cond3A_440 {
            %sub3A = arith.constant 6 : i32
            %sub3A_456 = arith.subi %add3A_390, %sub3A : i32
            %dma_wait3A_457 = arith.constant 2 : i32
            %dma_wait3A_458 = arith.constant 1 : i32
            %dma_wait3A_459 = arith.constant 2 : i32
            %dma_wait3A_460 = arith.constant 0 : i32
            %dma_wait3A_461 = arith.constant 0 : i32
            %dma_wait3A_462 = tpu.memref_slice %arg7[%dma_wait3A_457, %dma_wait3A_460, %dma_wait3A_461] : memref<6x128x32xf32, #tpu.memory_space<vmem>> -> memref<1x128x32xf32, #tpu.memory_space<vmem>>
            %dma_wait3A_463 = tpu.memref_squeeze %dma_wait3A_462 : memref<1x128x32xf32, #tpu.memory_space<vmem>> -> memref<128x32xf32, #tpu.memory_space<vmem>>
            %dma_wait3A_464 = arith.constant 0 : i32
            %dma_wait3A_465 = tpu.memref_slice %arg6[%sub3A_456, %dma_wait3A_458, %dma_wait3A_464] : memref<79x2x128xi32, #tpu.memory_space<vmem>> -> memref<1x1x128xi32, #tpu.memory_space<vmem>>
            %dma_wait3A_466 = tpu.memref_squeeze %dma_wait3A_465 : memref<1x1x128xi32, #tpu.memory_space<vmem>> -> memref<128xi32, #tpu.memory_space<vmem>>
            %dma_wait3A_467 = arith.constant 0 : i32
            %dma_wait3A_468 = arith.constant 0 : i32
            %dma_wait3A_469 = tpu.memref_slice %arg8[%dma_wait3A_467, %dma_wait3A_468] : memref<10112x32xf32, #tpu.memory_space<vmem_shared>> -> memref<10112x32xf32, #tpu.memory_space<vmem_shared>>
            %dma_wait3A_470 = tpu.memref_slice %arg11[%dma_wait3A_459] : memref<6x!tpu.dma_semaphore, #tpu.memory_space<semaphore_mem>> -> memref<1x!tpu.dma_semaphore, #tpu.memory_space<semaphore_mem>>
            %dma_wait3A_471 = tpu.memref_squeeze %dma_wait3A_470 : memref<1x!tpu.dma_semaphore, #tpu.memory_space<semaphore_mem>> -> memref<!tpu.dma_semaphore, #tpu.memory_space<semaphore_mem>>
            tpu.wait_indirect_dma semaphore(%dma_wait3A_471 : memref<!tpu.dma_semaphore, #tpu.memory_space<semaphore_mem>>) src(%dma_wait3A_463 : memref<128x32xf32, #tpu.memory_space<vmem>>) dst(%dma_wait3A_469 : memref<10112x32xf32, #tpu.memory_space<vmem_shared>>)
          } else {
          }
          %dma_start3A_441 = arith.constant 0 : i32
          %dma_start3A_442 = arith.constant 2 : i32
          %dma_start3A_443 = arith.constant 2 : i32
          %dma_start3A_444 = arith.constant 0 : i32
          %dma_start3A_445 = arith.constant 0 : i32
          %dma_start3A_446 = tpu.memref_slice %arg7[%dma_start3A_442, %dma_start3A_444, %dma_start3A_445] : memref<6x128x32xf32, #tpu.memory_space<vmem>> -> memref<1x128x32xf32, #tpu.memory_space<vmem>>
          %dma_start3A_447 = tpu.memref_squeeze %dma_start3A_446 : memref<1x128x32xf32, #tpu.memory_space<vmem>> -> memref<128x32xf32, #tpu.memory_space<vmem>>
          %dma_start3A_448 = arith.constant 0 : i32
          %dma_start3A_449 = tpu.memref_slice %arg6[%add3A_390, %dma_start3A_441, %dma_start3A_448] : memref<79x2x128xi32, #tpu.memory_space<vmem>> -> memref<1x1x128xi32, #tpu.memory_space<vmem>>
          %dma_start3A_450 = tpu.memref_squeeze %dma_start3A_449 : memref<1x1x128xi32, #tpu.memory_space<vmem>> -> memref<128xi32, #tpu.memory_space<vmem>>
          %dma_start3A_451 = arith.constant 0 : i32
          %dma_start3A_452 = arith.constant 0 : i32
          %dma_start3A_453 = tpu.memref_slice %arg9[%dma_start3A_451, %dma_start3A_452] : memref<10112x32xf32, #tpu.memory_space<vmem_shared>> -> memref<10112x32xf32, #tpu.memory_space<vmem_shared>>
          %dma_start3A_454 = tpu.memref_slice %arg10[%dma_start3A_443] : memref<6x!tpu.dma_semaphore, #tpu.memory_space<semaphore_mem>> -> memref<1x!tpu.dma_semaphore, #tpu.memory_space<semaphore_mem>>
          %dma_start3A_455 = tpu.memref_squeeze %dma_start3A_454 : memref<1x!tpu.dma_semaphore, #tpu.memory_space<semaphore_mem>> -> memref<!tpu.dma_semaphore, #tpu.memory_space<semaphore_mem>>
          tpu.enqueue_indirect_dma source(%dma_start3A_453 : memref<10112x32xf32, #tpu.memory_space<vmem_shared>>) target(%dma_start3A_447 : memref<128x32xf32, #tpu.memory_space<vmem>>) offsets(%dma_start3A_450 : memref<128xi32, #tpu.memory_space<vmem>>) semaphore(%dma_start3A_455 : memref<!tpu.dma_semaphore, #tpu.memory_space<semaphore_mem>>)
        } else {
        }
        %mul3A_396 = arith.constant 6 : i32
        %mul3A_397 = arith.muli %scan3A_191, %mul3A_396 : i32
        %add3A_398 = arith.constant 5 : i32
        %add3A_399 = arith.addi %mul3A_397, %add3A_398 : i32
        %dma_wait3A_400 = arith.constant 0 : i32
        %dma_wait3A_401 = arith.constant 5 : i32
        %dma_wait3A_402 = arith.constant 5 : i32
        %dma_wait3A_403 = arith.constant 0 : i32
        %dma_wait3A_404 = arith.constant 0 : i32
        %dma_wait3A_405 = tpu.memref_slice %arg7[%dma_wait3A_401, %dma_wait3A_403, %dma_wait3A_404] : memref<6x128x32xf32, #tpu.memory_space<vmem>> -> memref<1x128x32xf32, #tpu.memory_space<vmem>>
        %dma_wait3A_406 = tpu.memref_squeeze %dma_wait3A_405 : memref<1x128x32xf32, #tpu.memory_space<vmem>> -> memref<128x32xf32, #tpu.memory_space<vmem>>
        %dma_wait3A_407 = arith.constant 0 : i32
        %dma_wait3A_408 = tpu.memref_slice %arg6[%add3A_399, %dma_wait3A_400, %dma_wait3A_407] : memref<79x2x128xi32, #tpu.memory_space<vmem>> -> memref<1x1x128xi32, #tpu.memory_space<vmem>>
        %dma_wait3A_409 = tpu.memref_squeeze %dma_wait3A_408 : memref<1x1x128xi32, #tpu.memory_space<vmem>> -> memref<128xi32, #tpu.memory_space<vmem>>
        %dma_wait3A_410 = arith.constant 0 : i32
        %dma_wait3A_411 = arith.constant 0 : i32
        %dma_wait3A_412 = tpu.memref_slice %arg9[%dma_wait3A_410, %dma_wait3A_411] : memref<10112x32xf32, #tpu.memory_space<vmem_shared>> -> memref<10112x32xf32, #tpu.memory_space<vmem_shared>>
        %dma_wait3A_413 = tpu.memref_slice %arg10[%dma_wait3A_402] : memref<6x!tpu.dma_semaphore, #tpu.memory_space<semaphore_mem>> -> memref<1x!tpu.dma_semaphore, #tpu.memory_space<semaphore_mem>>
        %dma_wait3A_414 = tpu.memref_squeeze %dma_wait3A_413 : memref<1x!tpu.dma_semaphore, #tpu.memory_space<semaphore_mem>> -> memref<!tpu.dma_semaphore, #tpu.memory_space<semaphore_mem>>
        tpu.wait_indirect_dma semaphore(%dma_wait3A_414 : memref<!tpu.dma_semaphore, #tpu.memory_space<semaphore_mem>>) src(%dma_wait3A_412 : memref<10112x32xf32, #tpu.memory_space<vmem_shared>>) dst(%dma_wait3A_406 : memref<128x32xf32, #tpu.memory_space<vmem>>)
        %dma_start3A_415 = arith.constant 5 : i32
        %dma_start3A_416 = arith.constant 1 : i32
        %dma_start3A_417 = arith.constant 5 : i32
        %dma_start3A_418 = arith.constant 0 : i32
        %dma_start3A_419 = arith.constant 0 : i32
        %dma_start3A_420 = tpu.memref_slice %arg7[%dma_start3A_415, %dma_start3A_418, %dma_start3A_419] : memref<6x128x32xf32, #tpu.memory_space<vmem>> -> memref<1x128x32xf32, #tpu.memory_space<vmem>>
        %dma_start3A_421 = tpu.memref_squeeze %dma_start3A_420 : memref<1x128x32xf32, #tpu.memory_space<vmem>> -> memref<128x32xf32, #tpu.memory_space<vmem>>
        %dma_start3A_422 = arith.constant 0 : i32
        %dma_start3A_423 = tpu.memref_slice %arg6[%add3A_399, %dma_start3A_416, %dma_start3A_422] : memref<79x2x128xi32, #tpu.memory_space<vmem>> -> memref<1x1x128xi32, #tpu.memory_space<vmem>>
        %dma_start3A_424 = tpu.memref_squeeze %dma_start3A_423 : memref<1x1x128xi32, #tpu.memory_space<vmem>> -> memref<128xi32, #tpu.memory_space<vmem>>
        %dma_start3A_425 = arith.constant 0 : i32
        %dma_start3A_426 = arith.constant 0 : i32
        %dma_start3A_427 = tpu.memref_slice %arg8[%dma_start3A_425, %dma_start3A_426] : memref<10112x32xf32, #tpu.memory_space<vmem_shared>> -> memref<10112x32xf32, #tpu.memory_space<vmem_shared>>
        %dma_start3A_428 = tpu.memref_slice %arg11[%dma_start3A_417] : memref<6x!tpu.dma_semaphore, #tpu.memory_space<semaphore_mem>> -> memref<1x!tpu.dma_semaphore, #tpu.memory_space<semaphore_mem>>
        %dma_start3A_429 = tpu.memref_squeeze %dma_start3A_428 : memref<1x!tpu.dma_semaphore, #tpu.memory_space<semaphore_mem>> -> memref<!tpu.dma_semaphore, #tpu.memory_space<semaphore_mem>>
        tpu.enqueue_indirect_dma source(%dma_start3A_421 : memref<128x32xf32, #tpu.memory_space<vmem>>) target(%dma_start3A_427 : memref<10112x32xf32, #tpu.memory_space<vmem_shared>>) offsets(%dma_start3A_424 : memref<128xi32, #tpu.memory_space<vmem>>) semaphore(%dma_start3A_429 : memref<!tpu.dma_semaphore, #tpu.memory_space<semaphore_mem>>) {add = true}
        %add3A_430 = arith.constant 4 : i32
        %add3A_431 = arith.addi %add3A_399, %add3A_430 : i32
        %lt3A_432 = arith.constant 78 : i32
        %lt3A_433 = arith.cmpi slt, %add3A_431, %lt3A_432 : i32
        %convert_element_type3A_434 = arith.extui %lt3A_433 : i1 to i32
        %cond3A_435 = arith.constant 0 : i32
        %cond3A_436 = arith.cmpi ne, %convert_element_type3A_434, %cond3A_435 : i32
        scf.if %cond3A_436 {
          %ge3A = arith.constant 6 : i32
          %ge3A_437 = arith.cmpi sge, %add3A_431, %ge3A : i32
          %convert_element_type3A_438 = arith.extui %ge3A_437 : i1 to i32
          %cond3A_439 = arith.constant 0 : i32
          %cond3A_440 = arith.cmpi ne, %convert_element_type3A_438, %cond3A_439 : i32
          scf.if %cond3A_440 {
            %sub3A = arith.constant 6 : i32
            %sub3A_456 = arith.subi %add3A_431, %sub3A : i32
            %dma_wait3A_457 = arith.constant 3 : i32
            %dma_wait3A_458 = arith.constant 1 : i32
            %dma_wait3A_459 = arith.constant 3 : i32
            %dma_wait3A_460 = arith.constant 0 : i32
            %dma_wait3A_461 = arith.constant 0 : i32
            %dma_wait3A_462 = tpu.memref_slice %arg7[%dma_wait3A_457, %dma_wait3A_460, %dma_wait3A_461] : memref<6x128x32xf32, #tpu.memory_space<vmem>> -> memref<1x128x32xf32, #tpu.memory_space<vmem>>
            %dma_wait3A_463 = tpu.memref_squeeze %dma_wait3A_462 : memref<1x128x32xf32, #tpu.memory_space<vmem>> -> memref<128x32xf32, #tpu.memory_space<vmem>>
            %dma_wait3A_464 = arith.constant 0 : i32
            %dma_wait3A_465 = tpu.memref_slice %arg6[%sub3A_456, %dma_wait3A_458, %dma_wait3A_464] : memref<79x2x128xi32, #tpu.memory_space<vmem>> -> memref<1x1x128xi32, #tpu.memory_space<vmem>>
            %dma_wait3A_466 = tpu.memref_squeeze %dma_wait3A_465 : memref<1x1x128xi32, #tpu.memory_space<vmem>> -> memref<128xi32, #tpu.memory_space<vmem>>
            %dma_wait3A_467 = arith.constant 0 : i32
            %dma_wait3A_468 = arith.constant 0 : i32
            %dma_wait3A_469 = tpu.memref_slice %arg8[%dma_wait3A_467, %dma_wait3A_468] : memref<10112x32xf32, #tpu.memory_space<vmem_shared>> -> memref<10112x32xf32, #tpu.memory_space<vmem_shared>>
            %dma_wait3A_470 = tpu.memref_slice %arg11[%dma_wait3A_459] : memref<6x!tpu.dma_semaphore, #tpu.memory_space<semaphore_mem>> -> memref<1x!tpu.dma_semaphore, #tpu.memory_space<semaphore_mem>>
            %dma_wait3A_471 = tpu.memref_squeeze %dma_wait3A_470 : memref<1x!tpu.dma_semaphore, #tpu.memory_space<semaphore_mem>> -> memref<!tpu.dma_semaphore, #tpu.memory_space<semaphore_mem>>
            tpu.wait_indirect_dma semaphore(%dma_wait3A_471 : memref<!tpu.dma_semaphore, #tpu.memory_space<semaphore_mem>>) src(%dma_wait3A_463 : memref<128x32xf32, #tpu.memory_space<vmem>>) dst(%dma_wait3A_469 : memref<10112x32xf32, #tpu.memory_space<vmem_shared>>)
          } else {
          }
          %dma_start3A_441 = arith.constant 0 : i32
          %dma_start3A_442 = arith.constant 3 : i32
          %dma_start3A_443 = arith.constant 3 : i32
          %dma_start3A_444 = arith.constant 0 : i32
          %dma_start3A_445 = arith.constant 0 : i32
          %dma_start3A_446 = tpu.memref_slice %arg7[%dma_start3A_442, %dma_start3A_444, %dma_start3A_445] : memref<6x128x32xf32, #tpu.memory_space<vmem>> -> memref<1x128x32xf32, #tpu.memory_space<vmem>>
          %dma_start3A_447 = tpu.memref_squeeze %dma_start3A_446 : memref<1x128x32xf32, #tpu.memory_space<vmem>> -> memref<128x32xf32, #tpu.memory_space<vmem>>
          %dma_start3A_448 = arith.constant 0 : i32
          %dma_start3A_449 = tpu.memref_slice %arg6[%add3A_431, %dma_start3A_441, %dma_start3A_448] : memref<79x2x128xi32, #tpu.memory_space<vmem>> -> memref<1x1x128xi32, #tpu.memory_space<vmem>>
          %dma_start3A_450 = tpu.memref_squeeze %dma_start3A_449 : memref<1x1x128xi32, #tpu.memory_space<vmem>> -> memref<128xi32, #tpu.memory_space<vmem>>
          %dma_start3A_451 = arith.constant 0 : i32
          %dma_start3A_452 = arith.constant 0 : i32
          %dma_start3A_453 = tpu.memref_slice %arg9[%dma_start3A_451, %dma_start3A_452] : memref<10112x32xf32, #tpu.memory_space<vmem_shared>> -> memref<10112x32xf32, #tpu.memory_space<vmem_shared>>
          %dma_start3A_454 = tpu.memref_slice %arg10[%dma_start3A_443] : memref<6x!tpu.dma_semaphore, #tpu.memory_space<semaphore_mem>> -> memref<1x!tpu.dma_semaphore, #tpu.memory_space<semaphore_mem>>
          %dma_start3A_455 = tpu.memref_squeeze %dma_start3A_454 : memref<1x!tpu.dma_semaphore, #tpu.memory_space<semaphore_mem>> -> memref<!tpu.dma_semaphore, #tpu.memory_space<semaphore_mem>>
          tpu.enqueue_indirect_dma source(%dma_start3A_453 : memref<10112x32xf32, #tpu.memory_space<vmem_shared>>) target(%dma_start3A_447 : memref<128x32xf32, #tpu.memory_space<vmem>>) offsets(%dma_start3A_450 : memref<128xi32, #tpu.memory_space<vmem>>) semaphore(%dma_start3A_455 : memref<!tpu.dma_semaphore, #tpu.memory_space<semaphore_mem>>)
        } else {
        }
      }
      %scan3A_90 = arith.constant 13 : i32
      %dma_wait3A = arith.constant 0 : i32
      %dma_wait3A_91 = arith.constant 72 : i32
      %dma_wait3A_92 = arith.constant 1 : i32
      %dma_wait3A_93 = arith.constant 0 : i32
      %dma_wait3A_94 = arith.constant 0 : i32
      %dma_wait3A_95 = arith.constant 0 : i32
      %dma_wait3A_96 = tpu.memref_slice %arg7[%dma_wait3A, %dma_wait3A_94, %dma_wait3A_95] : memref<6x128x32xf32, #tpu.memory_space<vmem>> -> memref<1x128x32xf32, #tpu.memory_space<vmem>>
      %dma_wait3A_97 = tpu.memref_squeeze %dma_wait3A_96 : memref<1x128x32xf32, #tpu.memory_space<vmem>> -> memref<128x32xf32, #tpu.memory_space<vmem>>
      %dma_wait3A_98 = arith.constant 0 : i32
      %dma_wait3A_99 = tpu.memref_slice %arg6[%dma_wait3A_91, %dma_wait3A_92, %dma_wait3A_98] : memref<79x2x128xi32, #tpu.memory_space<vmem>> -> memref<1x1x128xi32, #tpu.memory_space<vmem>>
      %dma_wait3A_100 = tpu.memref_squeeze %dma_wait3A_99 : memref<1x1x128xi32, #tpu.memory_space<vmem>> -> memref<128xi32, #tpu.memory_space<vmem>>
      %dma_wait3A_101 = arith.constant 0 : i32
      %dma_wait3A_102 = arith.constant 0 : i32
      %dma_wait3A_103 = tpu.memref_slice %arg8[%dma_wait3A_101, %dma_wait3A_102] : memref<10112x32xf32, #tpu.memory_space<vmem_shared>> -> memref<10112x32xf32, #tpu.memory_space<vmem_shared>>
      %dma_wait3A_104 = tpu.memref_slice %arg11[%dma_wait3A_93] : memref<6x!tpu.dma_semaphore, #tpu.memory_space<semaphore_mem>> -> memref<1x!tpu.dma_semaphore, #tpu.memory_space<semaphore_mem>>
      %dma_wait3A_105 = tpu.memref_squeeze %dma_wait3A_104 : memref<1x!tpu.dma_semaphore, #tpu.memory_space<semaphore_mem>> -> memref<!tpu.dma_semaphore, #tpu.memory_space<semaphore_mem>>
      tpu.wait_indirect_dma semaphore(%dma_wait3A_105 : memref<!tpu.dma_semaphore, #tpu.memory_space<semaphore_mem>>) src(%dma_wait3A_97 : memref<128x32xf32, #tpu.memory_space<vmem>>) dst(%dma_wait3A_103 : memref<10112x32xf32, #tpu.memory_space<vmem_shared>>)
      %dma_wait3A_106 = arith.constant 1 : i32
      %dma_wait3A_107 = arith.constant 73 : i32
      %dma_wait3A_108 = arith.constant 1 : i32
      %dma_wait3A_109 = arith.constant 1 : i32
      %dma_wait3A_110 = arith.constant 0 : i32
      %dma_wait3A_111 = arith.constant 0 : i32
      %dma_wait3A_112 = tpu.memref_slice %arg7[%dma_wait3A_106, %dma_wait3A_110, %dma_wait3A_111] : memref<6x128x32xf32, #tpu.memory_space<vmem>> -> memref<1x128x32xf32, #tpu.memory_space<vmem>>
      %dma_wait3A_113 = tpu.memref_squeeze %dma_wait3A_112 : memref<1x128x32xf32, #tpu.memory_space<vmem>> -> memref<128x32xf32, #tpu.memory_space<vmem>>
      %dma_wait3A_114 = arith.constant 0 : i32
      %dma_wait3A_115 = tpu.memref_slice %arg6[%dma_wait3A_107, %dma_wait3A_108, %dma_wait3A_114] : memref<79x2x128xi32, #tpu.memory_space<vmem>> -> memref<1x1x128xi32, #tpu.memory_space<vmem>>
      %dma_wait3A_116 = tpu.memref_squeeze %dma_wait3A_115 : memref<1x1x128xi32, #tpu.memory_space<vmem>> -> memref<128xi32, #tpu.memory_space<vmem>>
      %dma_wait3A_117 = arith.constant 0 : i32
      %dma_wait3A_118 = arith.constant 0 : i32
      %dma_wait3A_119 = tpu.memref_slice %arg8[%dma_wait3A_117, %dma_wait3A_118] : memref<10112x32xf32, #tpu.memory_space<vmem_shared>> -> memref<10112x32xf32, #tpu.memory_space<vmem_shared>>
      %dma_wait3A_120 = tpu.memref_slice %arg11[%dma_wait3A_109] : memref<6x!tpu.dma_semaphore, #tpu.memory_space<semaphore_mem>> -> memref<1x!tpu.dma_semaphore, #tpu.memory_space<semaphore_mem>>
      %dma_wait3A_121 = tpu.memref_squeeze %dma_wait3A_120 : memref<1x!tpu.dma_semaphore, #tpu.memory_space<semaphore_mem>> -> memref<!tpu.dma_semaphore, #tpu.memory_space<semaphore_mem>>
      tpu.wait_indirect_dma semaphore(%dma_wait3A_121 : memref<!tpu.dma_semaphore, #tpu.memory_space<semaphore_mem>>) src(%dma_wait3A_113 : memref<128x32xf32, #tpu.memory_space<vmem>>) dst(%dma_wait3A_119 : memref<10112x32xf32, #tpu.memory_space<vmem_shared>>)
      %dma_wait3A_122 = arith.constant 2 : i32
      %dma_wait3A_123 = arith.constant 74 : i32
      %dma_wait3A_124 = arith.constant 1 : i32
      %dma_wait3A_125 = arith.constant 2 : i32
      %dma_wait3A_126 = arith.constant 0 : i32
      %dma_wait3A_127 = arith.constant 0 : i32
      %dma_wait3A_128 = tpu.memref_slice %arg7[%dma_wait3A_122, %dma_wait3A_126, %dma_wait3A_127] : memref<6x128x32xf32, #tpu.memory_space<vmem>> -> memref<1x128x32xf32, #tpu.memory_space<vmem>>
      %dma_wait3A_129 = tpu.memref_squeeze %dma_wait3A_128 : memref<1x128x32xf32, #tpu.memory_space<vmem>> -> memref<128x32xf32, #tpu.memory_space<vmem>>
      %dma_wait3A_130 = arith.constant 0 : i32
      %dma_wait3A_131 = tpu.memref_slice %arg6[%dma_wait3A_123, %dma_wait3A_124, %dma_wait3A_130] : memref<79x2x128xi32, #tpu.memory_space<vmem>> -> memref<1x1x128xi32, #tpu.memory_space<vmem>>
      %dma_wait3A_132 = tpu.memref_squeeze %dma_wait3A_131 : memref<1x1x128xi32, #tpu.memory_space<vmem>> -> memref<128xi32, #tpu.memory_space<vmem>>
      %dma_wait3A_133 = arith.constant 0 : i32
      %dma_wait3A_134 = arith.constant 0 : i32
      %dma_wait3A_135 = tpu.memref_slice %arg8[%dma_wait3A_133, %dma_wait3A_134] : memref<10112x32xf32, #tpu.memory_space<vmem_shared>> -> memref<10112x32xf32, #tpu.memory_space<vmem_shared>>
      %dma_wait3A_136 = tpu.memref_slice %arg11[%dma_wait3A_125] : memref<6x!tpu.dma_semaphore, #tpu.memory_space<semaphore_mem>> -> memref<1x!tpu.dma_semaphore, #tpu.memory_space<semaphore_mem>>
      %dma_wait3A_137 = tpu.memref_squeeze %dma_wait3A_136 : memref<1x!tpu.dma_semaphore, #tpu.memory_space<semaphore_mem>> -> memref<!tpu.dma_semaphore, #tpu.memory_space<semaphore_mem>>
      tpu.wait_indirect_dma semaphore(%dma_wait3A_137 : memref<!tpu.dma_semaphore, #tpu.memory_space<semaphore_mem>>) src(%dma_wait3A_129 : memref<128x32xf32, #tpu.memory_space<vmem>>) dst(%dma_wait3A_135 : memref<10112x32xf32, #tpu.memory_space<vmem_shared>>)
      %dma_wait3A_138 = arith.constant 3 : i32
      %dma_wait3A_139 = arith.constant 75 : i32
      %dma_wait3A_140 = arith.constant 1 : i32
      %dma_wait3A_141 = arith.constant 3 : i32
      %dma_wait3A_142 = arith.constant 0 : i32
      %dma_wait3A_143 = arith.constant 0 : i32
      %dma_wait3A_144 = tpu.memref_slice %arg7[%dma_wait3A_138, %dma_wait3A_142, %dma_wait3A_143] : memref<6x128x32xf32, #tpu.memory_space<vmem>> -> memref<1x128x32xf32, #tpu.memory_space<vmem>>
      %dma_wait3A_145 = tpu.memref_squeeze %dma_wait3A_144 : memref<1x128x32xf32, #tpu.memory_space<vmem>> -> memref<128x32xf32, #tpu.memory_space<vmem>>
      %dma_wait3A_146 = arith.constant 0 : i32
      %dma_wait3A_147 = tpu.memref_slice %arg6[%dma_wait3A_139, %dma_wait3A_140, %dma_wait3A_146] : memref<79x2x128xi32, #tpu.memory_space<vmem>> -> memref<1x1x128xi32, #tpu.memory_space<vmem>>
      %dma_wait3A_148 = tpu.memref_squeeze %dma_wait3A_147 : memref<1x1x128xi32, #tpu.memory_space<vmem>> -> memref<128xi32, #tpu.memory_space<vmem>>
      %dma_wait3A_149 = arith.constant 0 : i32
      %dma_wait3A_150 = arith.constant 0 : i32
      %dma_wait3A_151 = tpu.memref_slice %arg8[%dma_wait3A_149, %dma_wait3A_150] : memref<10112x32xf32, #tpu.memory_space<vmem_shared>> -> memref<10112x32xf32, #tpu.memory_space<vmem_shared>>
      %dma_wait3A_152 = tpu.memref_slice %arg11[%dma_wait3A_141] : memref<6x!tpu.dma_semaphore, #tpu.memory_space<semaphore_mem>> -> memref<1x!tpu.dma_semaphore, #tpu.memory_space<semaphore_mem>>
      %dma_wait3A_153 = tpu.memref_squeeze %dma_wait3A_152 : memref<1x!tpu.dma_semaphore, #tpu.memory_space<semaphore_mem>> -> memref<!tpu.dma_semaphore, #tpu.memory_space<semaphore_mem>>
      tpu.wait_indirect_dma semaphore(%dma_wait3A_153 : memref<!tpu.dma_semaphore, #tpu.memory_space<semaphore_mem>>) src(%dma_wait3A_145 : memref<128x32xf32, #tpu.memory_space<vmem>>) dst(%dma_wait3A_151 : memref<10112x32xf32, #tpu.memory_space<vmem_shared>>)
      %dma_wait3A_154 = arith.constant 4 : i32
      %dma_wait3A_155 = arith.constant 76 : i32
      %dma_wait3A_156 = arith.constant 1 : i32
      %dma_wait3A_157 = arith.constant 4 : i32
      %dma_wait3A_158 = arith.constant 0 : i32
      %dma_wait3A_159 = arith.constant 0 : i32
      %dma_wait3A_160 = tpu.memref_slice %arg7[%dma_wait3A_154, %dma_wait3A_158, %dma_wait3A_159] : memref<6x128x32xf32, #tpu.memory_space<vmem>> -> memref<1x128x32xf32, #tpu.memory_space<vmem>>
      %dma_wait3A_161 = tpu.memref_squeeze %dma_wait3A_160 : memref<1x128x32xf32, #tpu.memory_space<vmem>> -> memref<128x32xf32, #tpu.memory_space<vmem>>
      %dma_wait3A_162 = arith.constant 0 : i32
      %dma_wait3A_163 = tpu.memref_slice %arg6[%dma_wait3A_155, %dma_wait3A_156, %dma_wait3A_162] : memref<79x2x128xi32, #tpu.memory_space<vmem>> -> memref<1x1x128xi32, #tpu.memory_space<vmem>>
      %dma_wait3A_164 = tpu.memref_squeeze %dma_wait3A_163 : memref<1x1x128xi32, #tpu.memory_space<vmem>> -> memref<128xi32, #tpu.memory_space<vmem>>
      %dma_wait3A_165 = arith.constant 0 : i32
      %dma_wait3A_166 = arith.constant 0 : i32
      %dma_wait3A_167 = tpu.memref_slice %arg8[%dma_wait3A_165, %dma_wait3A_166] : memref<10112x32xf32, #tpu.memory_space<vmem_shared>> -> memref<10112x32xf32, #tpu.memory_space<vmem_shared>>
      %dma_wait3A_168 = tpu.memref_slice %arg11[%dma_wait3A_157] : memref<6x!tpu.dma_semaphore, #tpu.memory_space<semaphore_mem>> -> memref<1x!tpu.dma_semaphore, #tpu.memory_space<semaphore_mem>>
      %dma_wait3A_169 = tpu.memref_squeeze %dma_wait3A_168 : memref<1x!tpu.dma_semaphore, #tpu.memory_space<semaphore_mem>> -> memref<!tpu.dma_semaphore, #tpu.memory_space<semaphore_mem>>
      tpu.wait_indirect_dma semaphore(%dma_wait3A_169 : memref<!tpu.dma_semaphore, #tpu.memory_space<semaphore_mem>>) src(%dma_wait3A_161 : memref<128x32xf32, #tpu.memory_space<vmem>>) dst(%dma_wait3A_167 : memref<10112x32xf32, #tpu.memory_space<vmem_shared>>)
      %dma_wait3A_170 = arith.constant 5 : i32
      %dma_wait3A_171 = arith.constant 77 : i32
      %dma_wait3A_172 = arith.constant 1 : i32
      %dma_wait3A_173 = arith.constant 5 : i32
      %dma_wait3A_174 = arith.constant 0 : i32
      %dma_wait3A_175 = arith.constant 0 : i32
      %dma_wait3A_176 = tpu.memref_slice %arg7[%dma_wait3A_170, %dma_wait3A_174, %dma_wait3A_175] : memref<6x128x32xf32, #tpu.memory_space<vmem>> -> memref<1x128x32xf32, #tpu.memory_space<vmem>>
      %dma_wait3A_177 = tpu.memref_squeeze %dma_wait3A_176 : memref<1x128x32xf32, #tpu.memory_space<vmem>> -> memref<128x32xf32, #tpu.memory_space<vmem>>
      %dma_wait3A_178 = arith.constant 0 : i32
      %dma_wait3A_179 = tpu.memref_slice %arg6[%dma_wait3A_171, %dma_wait3A_172, %dma_wait3A_178] : memref<79x2x128xi32, #tpu.memory_space<vmem>> -> memref<1x1x128xi32, #tpu.memory_space<vmem>>
      %dma_wait3A_180 = tpu.memref_squeeze %dma_wait3A_179 : memref<1x1x128xi32, #tpu.memory_space<vmem>> -> memref<128xi32, #tpu.memory_space<vmem>>
      %dma_wait3A_181 = arith.constant 0 : i32
      %dma_wait3A_182 = arith.constant 0 : i32
      %dma_wait3A_183 = tpu.memref_slice %arg8[%dma_wait3A_181, %dma_wait3A_182] : memref<10112x32xf32, #tpu.memory_space<vmem_shared>> -> memref<10112x32xf32, #tpu.memory_space<vmem_shared>>
      %dma_wait3A_184 = tpu.memref_slice %arg11[%dma_wait3A_173] : memref<6x!tpu.dma_semaphore, #tpu.memory_space<semaphore_mem>> -> memref<1x!tpu.dma_semaphore, #tpu.memory_space<semaphore_mem>>
      %dma_wait3A_185 = tpu.memref_squeeze %dma_wait3A_184 : memref<1x!tpu.dma_semaphore, #tpu.memory_space<semaphore_mem>> -> memref<!tpu.dma_semaphore, #tpu.memory_space<semaphore_mem>>
      tpu.wait_indirect_dma semaphore(%dma_wait3A_185 : memref<!tpu.dma_semaphore, #tpu.memory_space<semaphore_mem>>) src(%dma_wait3A_177 : memref<128x32xf32, #tpu.memory_space<vmem>>) dst(%dma_wait3A_183 : memref<10112x32xf32, #tpu.memory_space<vmem_shared>>)
      %lt3A_186 = arith.constant 4 : i32
      %lt3A_187 = arith.cmpi slt, %arg1, %lt3A_186 : i32
      %convert_element_type3A_188 = arith.extui %lt3A_187 : i1 to i32
      %cond3A_189 = arith.constant 0 : i32
      %cond3A_190 = arith.cmpi ne, %convert_element_type3A_188, %cond3A_189 : i32
      scf.if %cond3A_190 {
        %dma_start3A_191 = arith.constant 78 : i32
        %dma_start3A_192 = arith.constant 0 : i32
        %dma_start3A_193 = arith.constant 0 : i32
        %dma_start3A_194 = arith.constant 0 : i32
        %dma_start3A_195 = arith.constant 0 : i32
        %dma_start3A_196 = arith.constant 0 : i32
        %dma_start3A_197 = tpu.memref_slice %arg7[%dma_start3A_193, %dma_start3A_195, %dma_start3A_196] : memref<6x128x32xf32, #tpu.memory_space<vmem>> -> memref<1x128x32xf32, #tpu.memory_space<vmem>>
        %dma_start3A_198 = tpu.memref_squeeze %dma_start3A_197 : memref<1x128x32xf32, #tpu.memory_space<vmem>> -> memref<128x32xf32, #tpu.memory_space<vmem>>
        %dma_start3A_199 = arith.constant 0 : i32
        %dma_start3A_200 = tpu.memref_slice %arg6[%dma_start3A_191, %dma_start3A_192, %dma_start3A_199] : memref<79x2x128xi32, #tpu.memory_space<vmem>> -> memref<1x1x128xi32, #tpu.memory_space<vmem>>
        %dma_start3A_201 = tpu.memref_squeeze %dma_start3A_200 : memref<1x1x128xi32, #tpu.memory_space<vmem>> -> memref<128xi32, #tpu.memory_space<vmem>>
        %dma_start3A_202 = arith.constant 0 : i32
        %dma_start3A_203 = arith.constant 0 : i32
        %dma_start3A_204 = tpu.memref_slice %arg9[%dma_start3A_202, %dma_start3A_203] : memref<10112x32xf32, #tpu.memory_space<vmem_shared>> -> memref<10112x32xf32, #tpu.memory_space<vmem_shared>>
        %dma_start3A_205 = tpu.memref_slice %arg10[%dma_start3A_194] : memref<6x!tpu.dma_semaphore, #tpu.memory_space<semaphore_mem>> -> memref<1x!tpu.dma_semaphore, #tpu.memory_space<semaphore_mem>>
        %dma_start3A_206 = tpu.memref_squeeze %dma_start3A_205 : memref<1x!tpu.dma_semaphore, #tpu.memory_space<semaphore_mem>> -> memref<!tpu.dma_semaphore, #tpu.memory_space<semaphore_mem>>
        tpu.enqueue_indirect_dma source(%dma_start3A_204 : memref<10112x32xf32, #tpu.memory_space<vmem_shared>>) target(%dma_start3A_198 : memref<128x32xf32, #tpu.memory_space<vmem>>) offsets(%dma_start3A_201 : memref<128xi32, #tpu.memory_space<vmem>>) semaphore(%dma_start3A_206 : memref<!tpu.dma_semaphore, #tpu.memory_space<semaphore_mem>>)
        %dma_wait3A_207 = arith.constant 78 : i32
        %dma_wait3A_208 = arith.constant 0 : i32
        %dma_wait3A_209 = arith.constant 0 : i32
        %dma_wait3A_210 = arith.constant 0 : i32
        %dma_wait3A_211 = arith.constant 0 : i32
        %dma_wait3A_212 = arith.constant 0 : i32
        %dma_wait3A_213 = tpu.memref_slice %arg7[%dma_wait3A_209, %dma_wait3A_211, %dma_wait3A_212] : memref<6x128x32xf32, #tpu.memory_space<vmem>> -> memref<1x128x32xf32, #tpu.memory_space<vmem>>
        %dma_wait3A_214 = tpu.memref_squeeze %dma_wait3A_213 : memref<1x128x32xf32, #tpu.memory_space<vmem>> -> memref<128x32xf32, #tpu.memory_space<vmem>>
        %dma_wait3A_215 = arith.constant 0 : i32
        %dma_wait3A_216 = tpu.memref_slice %arg6[%dma_wait3A_207, %dma_wait3A_208, %dma_wait3A_215] : memref<79x2x128xi32, #tpu.memory_space<vmem>> -> memref<1x1x128xi32, #tpu.memory_space<vmem>>
        %dma_wait3A_217 = tpu.memref_squeeze %dma_wait3A_216 : memref<1x1x128xi32, #tpu.memory_space<vmem>> -> memref<128xi32, #tpu.memory_space<vmem>>
        %dma_wait3A_218 = arith.constant 0 : i32
        %dma_wait3A_219 = arith.constant 0 : i32
        %dma_wait3A_220 = tpu.memref_slice %arg9[%dma_wait3A_218, %dma_wait3A_219] : memref<10112x32xf32, #tpu.memory_space<vmem_shared>> -> memref<10112x32xf32, #tpu.memory_space<vmem_shared>>
        %dma_wait3A_221 = tpu.memref_slice %arg10[%dma_wait3A_210] : memref<6x!tpu.dma_semaphore, #tpu.memory_space<semaphore_mem>> -> memref<1x!tpu.dma_semaphore, #tpu.memory_space<semaphore_mem>>
        %dma_wait3A_222 = tpu.memref_squeeze %dma_wait3A_221 : memref<1x!tpu.dma_semaphore, #tpu.memory_space<semaphore_mem>> -> memref<!tpu.dma_semaphore, #tpu.memory_space<semaphore_mem>>
        tpu.wait_indirect_dma semaphore(%dma_wait3A_222 : memref<!tpu.dma_semaphore, #tpu.memory_space<semaphore_mem>>) src(%dma_wait3A_220 : memref<10112x32xf32, #tpu.memory_space<vmem_shared>>) dst(%dma_wait3A_214 : memref<128x32xf32, #tpu.memory_space<vmem>>)
        %run_scoped3A = arith.constant 0 : i32
        %run_scoped3A_223 = arith.constant 78 : i32
        %run_scoped3A_224 = arith.constant 1 : i32
        "tpu.region"() ({
          %run_scoped3A_225 = tpu.sem_alloc : memref<!tpu.dma_semaphore, #tpu.memory_space<semaphore_mem>>
          %dma_start3A_226 = arith.constant 0 : i32
          %dma_start3A_227 = arith.constant 0 : i32
          %dma_start3A_228 = tpu.memref_slice %arg7[%run_scoped3A, %dma_start3A_226, %dma_start3A_227] : memref<6x128x32xf32, #tpu.memory_space<vmem>> -> memref<1x128x32xf32, #tpu.memory_space<vmem>>
          %dma_start3A_229 = tpu.memref_squeeze %dma_start3A_228 : memref<1x128x32xf32, #tpu.memory_space<vmem>> -> memref<128x32xf32, #tpu.memory_space<vmem>>
          %dma_start3A_230 = arith.constant 0 : i32
          %dma_start3A_231 = tpu.memref_slice %arg6[%run_scoped3A_223, %run_scoped3A_224, %dma_start3A_230] : memref<79x2x128xi32, #tpu.memory_space<vmem>> -> memref<1x1x128xi32, #tpu.memory_space<vmem>>
          %dma_start3A_232 = tpu.memref_squeeze %dma_start3A_231 : memref<1x1x128xi32, #tpu.memory_space<vmem>> -> memref<128xi32, #tpu.memory_space<vmem>>
          %dma_start3A_233 = arith.constant 0 : i32
          %dma_start3A_234 = arith.constant 0 : i32
          %dma_start3A_235 = tpu.memref_slice %arg8[%dma_start3A_233, %dma_start3A_234] : memref<10112x32xf32, #tpu.memory_space<vmem_shared>> -> memref<10112x32xf32, #tpu.memory_space<vmem_shared>>
          tpu.enqueue_indirect_dma source(%dma_start3A_229 : memref<128x32xf32, #tpu.memory_space<vmem>>) target(%dma_start3A_235 : memref<10112x32xf32, #tpu.memory_space<vmem_shared>>) offsets(%dma_start3A_232 : memref<128xi32, #tpu.memory_space<vmem>>) semaphore(%run_scoped3A_225 : memref<!tpu.dma_semaphore, #tpu.memory_space<semaphore_mem>>) {add = true}
          %dma_wait3A_236 = arith.constant 0 : i32
          %dma_wait3A_237 = arith.constant 0 : i32
          %dma_wait3A_238 = tpu.memref_slice %arg7[%run_scoped3A, %dma_wait3A_236, %dma_wait3A_237] : memref<6x128x32xf32, #tpu.memory_space<vmem>> -> memref<1x128x32xf32, #tpu.memory_space<vmem>>
          %dma_wait3A_239 = tpu.memref_squeeze %dma_wait3A_238 : memref<1x128x32xf32, #tpu.memory_space<vmem>> -> memref<128x32xf32, #tpu.memory_space<vmem>>
          %dma_wait3A_240 = arith.constant 0 : i32
          %dma_wait3A_241 = tpu.memref_slice %arg6[%run_scoped3A_223, %run_scoped3A_224, %dma_wait3A_240] : memref<79x2x128xi32, #tpu.memory_space<vmem>> -> memref<1x1x128xi32, #tpu.memory_space<vmem>>
          %dma_wait3A_242 = tpu.memref_squeeze %dma_wait3A_241 : memref<1x1x128xi32, #tpu.memory_space<vmem>> -> memref<128xi32, #tpu.memory_space<vmem>>
          %dma_wait3A_243 = arith.constant 0 : i32
          %dma_wait3A_244 = arith.constant 0 : i32
          %dma_wait3A_245 = tpu.memref_slice %arg8[%dma_wait3A_243, %dma_wait3A_244] : memref<10112x32xf32, #tpu.memory_space<vmem_shared>> -> memref<10112x32xf32, #tpu.memory_space<vmem_shared>>
          tpu.wait_indirect_dma semaphore(%run_scoped3A_225 : memref<!tpu.dma_semaphore, #tpu.memory_space<semaphore_mem>>) src(%dma_wait3A_239 : memref<128x32xf32, #tpu.memory_space<vmem>>) dst(%dma_wait3A_245 : memref<10112x32xf32, #tpu.memory_space<vmem_shared>>)
          tpu.yield
        }) : () -> ()
      } else {
      }
    } else {
    }
    %eq3A_7 = arith.constant 1 : i32
    %eq3A_8 = arith.cmpi eq, %arg0, %eq3A_7 : i32
    %convert_element_type3A_9 = arith.extui %eq3A_8 : i1 to i32
    %cond3A_10 = arith.constant 0 : i32
    %cond3A_11 = arith.cmpi ne, %convert_element_type3A_9, %cond3A_10 : i32
    scf.if %cond3A_11 {
      %mul3A_16 = arith.constant 156 : i32
      %mul3A_17 = arith.muli %arg1, %mul3A_16 : i32
      %add3A = arith.constant 78 : i32
      %add3A_18 = arith.addi %mul3A_17, %add3A : i32
      "tpu.region"() ({
        %run_scoped3A = tpu.sem_alloc : memref<!tpu.dma_semaphore, #tpu.memory_space<semaphore_mem>>
        %dma_start3A_183 = arith.constant 0 : i32
        %dma_start3A_184 = arith.constant 0 : i32
        %dma_start3A_185 = arith.constant 0 : i32
        %dma_start3A_186 = tpu.memref_slice %arg6[%dma_start3A_183, %dma_start3A_184, %dma_start3A_185] : memref<79x2x128xi32, #tpu.memory_space<vmem>> -> memref<78x2x128xi32, #tpu.memory_space<vmem>>
        %dma_start3A_187 = arith.constant 0 : i32
        %dma_start3A_188 = arith.constant 0 : i32
        %dma_start3A_189 = tpu.memref_slice %arg3[%add3A_18, %dma_start3A_187, %dma_start3A_188] : memref<2500x2x128xi32, #tpu.memory_space<hbm>> -> memref<78x2x128xi32, #tpu.memory_space<hbm>>
        %dma_start3A_190 = arith.constant 0 : i32
        %dma_start3A_191 = arith.constant 0 : i32
        %dma_start3A_192 = arith.constant 0 : i32
        %dma_start3A_193 = tpu.memref_slice %arg6[%dma_start3A_190, %dma_start3A_191, %dma_start3A_192] : memref<79x2x128xi32, #tpu.memory_space<vmem>> -> memref<78x2x128xi32, #tpu.memory_space<vmem>>
        %dma_start3A_194 = arith.constant 0 : i32
        %dma_start3A_195 = arith.constant 0 : i32
        %dma_start3A_196 = tpu.memref_slice %arg3[%add3A_18, %dma_start3A_194, %dma_start3A_195] : memref<2500x2x128xi32, #tpu.memory_space<hbm>> -> memref<78x2x128xi32, #tpu.memory_space<hbm>>
        tpu.enqueue_dma source(%dma_start3A_196 : memref<78x2x128xi32, #tpu.memory_space<hbm>>) target(%dma_start3A_193 : memref<78x2x128xi32, #tpu.memory_space<vmem>>) target_semaphore(%run_scoped3A : memref<!tpu.dma_semaphore, #tpu.memory_space<semaphore_mem>>)
        %dma_wait3A_197 = arith.constant 0 : i32
        %dma_wait3A_198 = arith.constant 0 : i32
        %dma_wait3A_199 = arith.constant 0 : i32
        %dma_wait3A_200 = tpu.memref_slice %arg6[%dma_wait3A_197, %dma_wait3A_198, %dma_wait3A_199] : memref<79x2x128xi32, #tpu.memory_space<vmem>> -> memref<78x2x128xi32, #tpu.memory_space<vmem>>
        %dma_wait3A_201 = arith.constant 0 : i32
        %dma_wait3A_202 = arith.constant 0 : i32
        %dma_wait3A_203 = tpu.memref_slice %arg3[%add3A_18, %dma_wait3A_201, %dma_wait3A_202] : memref<2500x2x128xi32, #tpu.memory_space<hbm>> -> memref<78x2x128xi32, #tpu.memory_space<hbm>>
        %dma_wait3A_204 = arith.constant 0 : i32
        %dma_wait3A_205 = arith.constant 0 : i32
        %dma_wait3A_206 = arith.constant 0 : i32
        %dma_wait3A_207 = tpu.memref_slice %arg6[%dma_wait3A_204, %dma_wait3A_205, %dma_wait3A_206] : memref<79x2x128xi32, #tpu.memory_space<vmem>> -> memref<78x2x128xi32, #tpu.memory_space<vmem>>
        %dma_wait3A_208 = arith.constant 0 : i32
        %dma_wait3A_209 = arith.constant 0 : i32
        %dma_wait3A_210 = tpu.memref_slice %arg3[%add3A_18, %dma_wait3A_208, %dma_wait3A_209] : memref<2500x2x128xi32, #tpu.memory_space<hbm>> -> memref<78x2x128xi32, #tpu.memory_space<hbm>>
        tpu.wait_dma2 semaphore(%run_scoped3A : memref<!tpu.dma_semaphore, #tpu.memory_space<semaphore_mem>>) src(%dma_wait3A_210 : memref<78x2x128xi32, #tpu.memory_space<hbm>>) dst(%dma_wait3A_207 : memref<78x2x128xi32, #tpu.memory_space<vmem>>)
        tpu.yield
      }) : () -> ()
      %barrier3A_19 = arith.constant 0 : index
      tpu.barrier barrier_id(%barrier3A_19)
      %dma_start3A = arith.constant 0 : i32
      %dma_start3A_20 = arith.constant 0 : i32
      %dma_start3A_21 = arith.constant 0 : i32
      %dma_start3A_22 = arith.constant 0 : i32
      %dma_start3A_23 = arith.constant 0 : i32
      %dma_start3A_24 = arith.constant 0 : i32
      %dma_start3A_25 = tpu.memref_slice %arg7[%dma_start3A_21, %dma_start3A_23, %dma_start3A_24] : memref<6x128x32xf32, #tpu.memory_space<vmem>> -> memref<1x128x32xf32, #tpu.memory_space<vmem>>
      %dma_start3A_26 = tpu.memref_squeeze %dma_start3A_25 : memref<1x128x32xf32, #tpu.memory_space<vmem>> -> memref<128x32xf32, #tpu.memory_space<vmem>>
      %dma_start3A_27 = arith.constant 0 : i32
      %dma_start3A_28 = tpu.memref_slice %arg6[%dma_start3A, %dma_start3A_20, %dma_start3A_27] : memref<79x2x128xi32, #tpu.memory_space<vmem>> -> memref<1x1x128xi32, #tpu.memory_space<vmem>>
      %dma_start3A_29 = tpu.memref_squeeze %dma_start3A_28 : memref<1x1x128xi32, #tpu.memory_space<vmem>> -> memref<128xi32, #tpu.memory_space<vmem>>
      %dma_start3A_30 = arith.constant 0 : i32
      %dma_start3A_31 = arith.constant 0 : i32
      %dma_start3A_32 = tpu.memref_slice %arg9[%dma_start3A_30, %dma_start3A_31] : memref<10112x32xf32, #tpu.memory_space<vmem_shared>> -> memref<10112x32xf32, #tpu.memory_space<vmem_shared>>
      %dma_start3A_33 = tpu.memref_slice %arg10[%dma_start3A_22] : memref<6x!tpu.dma_semaphore, #tpu.memory_space<semaphore_mem>> -> memref<1x!tpu.dma_semaphore, #tpu.memory_space<semaphore_mem>>
      %dma_start3A_34 = tpu.memref_squeeze %dma_start3A_33 : memref<1x!tpu.dma_semaphore, #tpu.memory_space<semaphore_mem>> -> memref<!tpu.dma_semaphore, #tpu.memory_space<semaphore_mem>>
      tpu.enqueue_indirect_dma source(%dma_start3A_32 : memref<10112x32xf32, #tpu.memory_space<vmem_shared>>) target(%dma_start3A_26 : memref<128x32xf32, #tpu.memory_space<vmem>>) offsets(%dma_start3A_29 : memref<128xi32, #tpu.memory_space<vmem>>) semaphore(%dma_start3A_34 : memref<!tpu.dma_semaphore, #tpu.memory_space<semaphore_mem>>)
      %dma_start3A_35 = arith.constant 1 : i32
      %dma_start3A_36 = arith.constant 0 : i32
      %dma_start3A_37 = arith.constant 1 : i32
      %dma_start3A_38 = arith.constant 1 : i32
      %dma_start3A_39 = arith.constant 0 : i32
      %dma_start3A_40 = arith.constant 0 : i32
      %dma_start3A_41 = tpu.memref_slice %arg7[%dma_start3A_37, %dma_start3A_39, %dma_start3A_40] : memref<6x128x32xf32, #tpu.memory_space<vmem>> -> memref<1x128x32xf32, #tpu.memory_space<vmem>>
      %dma_start3A_42 = tpu.memref_squeeze %dma_start3A_41 : memref<1x128x32xf32, #tpu.memory_space<vmem>> -> memref<128x32xf32, #tpu.memory_space<vmem>>
      %dma_start3A_43 = arith.constant 0 : i32
      %dma_start3A_44 = tpu.memref_slice %arg6[%dma_start3A_35, %dma_start3A_36, %dma_start3A_43] : memref<79x2x128xi32, #tpu.memory_space<vmem>> -> memref<1x1x128xi32, #tpu.memory_space<vmem>>
      %dma_start3A_45 = tpu.memref_squeeze %dma_start3A_44 : memref<1x1x128xi32, #tpu.memory_space<vmem>> -> memref<128xi32, #tpu.memory_space<vmem>>
      %dma_start3A_46 = arith.constant 0 : i32
      %dma_start3A_47 = arith.constant 0 : i32
      %dma_start3A_48 = tpu.memref_slice %arg9[%dma_start3A_46, %dma_start3A_47] : memref<10112x32xf32, #tpu.memory_space<vmem_shared>> -> memref<10112x32xf32, #tpu.memory_space<vmem_shared>>
      %dma_start3A_49 = tpu.memref_slice %arg10[%dma_start3A_38] : memref<6x!tpu.dma_semaphore, #tpu.memory_space<semaphore_mem>> -> memref<1x!tpu.dma_semaphore, #tpu.memory_space<semaphore_mem>>
      %dma_start3A_50 = tpu.memref_squeeze %dma_start3A_49 : memref<1x!tpu.dma_semaphore, #tpu.memory_space<semaphore_mem>> -> memref<!tpu.dma_semaphore, #tpu.memory_space<semaphore_mem>>
      tpu.enqueue_indirect_dma source(%dma_start3A_48 : memref<10112x32xf32, #tpu.memory_space<vmem_shared>>) target(%dma_start3A_42 : memref<128x32xf32, #tpu.memory_space<vmem>>) offsets(%dma_start3A_45 : memref<128xi32, #tpu.memory_space<vmem>>) semaphore(%dma_start3A_50 : memref<!tpu.dma_semaphore, #tpu.memory_space<semaphore_mem>>)
      %dma_start3A_51 = arith.constant 2 : i32
      %dma_start3A_52 = arith.constant 0 : i32
      %dma_start3A_53 = arith.constant 2 : i32
      %dma_start3A_54 = arith.constant 2 : i32
      %dma_start3A_55 = arith.constant 0 : i32
      %dma_start3A_56 = arith.constant 0 : i32
      %dma_start3A_57 = tpu.memref_slice %arg7[%dma_start3A_53, %dma_start3A_55, %dma_start3A_56] : memref<6x128x32xf32, #tpu.memory_space<vmem>> -> memref<1x128x32xf32, #tpu.memory_space<vmem>>
      %dma_start3A_58 = tpu.memref_squeeze %dma_start3A_57 : memref<1x128x32xf32, #tpu.memory_space<vmem>> -> memref<128x32xf32, #tpu.memory_space<vmem>>
      %dma_start3A_59 = arith.constant 0 : i32
      %dma_start3A_60 = tpu.memref_slice %arg6[%dma_start3A_51, %dma_start3A_52, %dma_start3A_59] : memref<79x2x128xi32, #tpu.memory_space<vmem>> -> memref<1x1x128xi32, #tpu.memory_space<vmem>>
      %dma_start3A_61 = tpu.memref_squeeze %dma_start3A_60 : memref<1x1x128xi32, #tpu.memory_space<vmem>> -> memref<128xi32, #tpu.memory_space<vmem>>
      %dma_start3A_62 = arith.constant 0 : i32
      %dma_start3A_63 = arith.constant 0 : i32
      %dma_start3A_64 = tpu.memref_slice %arg9[%dma_start3A_62, %dma_start3A_63] : memref<10112x32xf32, #tpu.memory_space<vmem_shared>> -> memref<10112x32xf32, #tpu.memory_space<vmem_shared>>
      %dma_start3A_65 = tpu.memref_slice %arg10[%dma_start3A_54] : memref<6x!tpu.dma_semaphore, #tpu.memory_space<semaphore_mem>> -> memref<1x!tpu.dma_semaphore, #tpu.memory_space<semaphore_mem>>
      %dma_start3A_66 = tpu.memref_squeeze %dma_start3A_65 : memref<1x!tpu.dma_semaphore, #tpu.memory_space<semaphore_mem>> -> memref<!tpu.dma_semaphore, #tpu.memory_space<semaphore_mem>>
      tpu.enqueue_indirect_dma source(%dma_start3A_64 : memref<10112x32xf32, #tpu.memory_space<vmem_shared>>) target(%dma_start3A_58 : memref<128x32xf32, #tpu.memory_space<vmem>>) offsets(%dma_start3A_61 : memref<128xi32, #tpu.memory_space<vmem>>) semaphore(%dma_start3A_66 : memref<!tpu.dma_semaphore, #tpu.memory_space<semaphore_mem>>)
      %dma_start3A_67 = arith.constant 3 : i32
      %dma_start3A_68 = arith.constant 0 : i32
      %dma_start3A_69 = arith.constant 3 : i32
      %dma_start3A_70 = arith.constant 3 : i32
      %dma_start3A_71 = arith.constant 0 : i32
      %dma_start3A_72 = arith.constant 0 : i32
      %dma_start3A_73 = tpu.memref_slice %arg7[%dma_start3A_69, %dma_start3A_71, %dma_start3A_72] : memref<6x128x32xf32, #tpu.memory_space<vmem>> -> memref<1x128x32xf32, #tpu.memory_space<vmem>>
      %dma_start3A_74 = tpu.memref_squeeze %dma_start3A_73 : memref<1x128x32xf32, #tpu.memory_space<vmem>> -> memref<128x32xf32, #tpu.memory_space<vmem>>
      %dma_start3A_75 = arith.constant 0 : i32
      %dma_start3A_76 = tpu.memref_slice %arg6[%dma_start3A_67, %dma_start3A_68, %dma_start3A_75] : memref<79x2x128xi32, #tpu.memory_space<vmem>> -> memref<1x1x128xi32, #tpu.memory_space<vmem>>
      %dma_start3A_77 = tpu.memref_squeeze %dma_start3A_76 : memref<1x1x128xi32, #tpu.memory_space<vmem>> -> memref<128xi32, #tpu.memory_space<vmem>>
      %dma_start3A_78 = arith.constant 0 : i32
      %dma_start3A_79 = arith.constant 0 : i32
      %dma_start3A_80 = tpu.memref_slice %arg9[%dma_start3A_78, %dma_start3A_79] : memref<10112x32xf32, #tpu.memory_space<vmem_shared>> -> memref<10112x32xf32, #tpu.memory_space<vmem_shared>>
      %dma_start3A_81 = tpu.memref_slice %arg10[%dma_start3A_70] : memref<6x!tpu.dma_semaphore, #tpu.memory_space<semaphore_mem>> -> memref<1x!tpu.dma_semaphore, #tpu.memory_space<semaphore_mem>>
      %dma_start3A_82 = tpu.memref_squeeze %dma_start3A_81 : memref<1x!tpu.dma_semaphore, #tpu.memory_space<semaphore_mem>> -> memref<!tpu.dma_semaphore, #tpu.memory_space<semaphore_mem>>
      tpu.enqueue_indirect_dma source(%dma_start3A_80 : memref<10112x32xf32, #tpu.memory_space<vmem_shared>>) target(%dma_start3A_74 : memref<128x32xf32, #tpu.memory_space<vmem>>) offsets(%dma_start3A_77 : memref<128xi32, #tpu.memory_space<vmem>>) semaphore(%dma_start3A_82 : memref<!tpu.dma_semaphore, #tpu.memory_space<semaphore_mem>>)
      %scan3A = arith.constant 0 : i32
      %scan3A_83 = arith.constant 0 : i32
      %scan3A_84 = arith.constant 13 : i32
      %scan3A_85 = arith.addi %scan3A_83, %scan3A_84 : i32
      %scan3A_86 = arith.constant 1 : i32
      scf.for %scan3A_183 = %scan3A_83 to %scan3A_85 step %scan3A_86  : i32 {
        %mul3A_184 = arith.constant 6 : i32
        %mul3A_185 = arith.muli %scan3A_183, %mul3A_184 : i32
        %add3A_186 = arith.constant 0 : i32
        %add3A_187 = arith.addi %mul3A_185, %add3A_186 : i32
        %dma_wait3A_188 = arith.constant 0 : i32
        %dma_wait3A_189 = arith.constant 0 : i32
        %dma_wait3A_190 = arith.constant 0 : i32
        %dma_wait3A_191 = arith.constant 0 : i32
        %dma_wait3A_192 = arith.constant 0 : i32
        %dma_wait3A_193 = tpu.memref_slice %arg7[%dma_wait3A_189, %dma_wait3A_191, %dma_wait3A_192] : memref<6x128x32xf32, #tpu.memory_space<vmem>> -> memref<1x128x32xf32, #tpu.memory_space<vmem>>
        %dma_wait3A_194 = tpu.memref_squeeze %dma_wait3A_193 : memref<1x128x32xf32, #tpu.memory_space<vmem>> -> memref<128x32xf32, #tpu.memory_space<vmem>>
        %dma_wait3A_195 = arith.constant 0 : i32
        %dma_wait3A_196 = tpu.memref_slice %arg6[%add3A_187, %dma_wait3A_188, %dma_wait3A_195] : memref<79x2x128xi32, #tpu.memory_space<vmem>> -> memref<1x1x128xi32, #tpu.memory_space<vmem>>
        %dma_wait3A_197 = tpu.memref_squeeze %dma_wait3A_196 : memref<1x1x128xi32, #tpu.memory_space<vmem>> -> memref<128xi32, #tpu.memory_space<vmem>>
        %dma_wait3A_198 = arith.constant 0 : i32
        %dma_wait3A_199 = arith.constant 0 : i32
        %dma_wait3A_200 = tpu.memref_slice %arg9[%dma_wait3A_198, %dma_wait3A_199] : memref<10112x32xf32, #tpu.memory_space<vmem_shared>> -> memref<10112x32xf32, #tpu.memory_space<vmem_shared>>
        %dma_wait3A_201 = tpu.memref_slice %arg10[%dma_wait3A_190] : memref<6x!tpu.dma_semaphore, #tpu.memory_space<semaphore_mem>> -> memref<1x!tpu.dma_semaphore, #tpu.memory_space<semaphore_mem>>
        %dma_wait3A_202 = tpu.memref_squeeze %dma_wait3A_201 : memref<1x!tpu.dma_semaphore, #tpu.memory_space<semaphore_mem>> -> memref<!tpu.dma_semaphore, #tpu.memory_space<semaphore_mem>>
        tpu.wait_indirect_dma semaphore(%dma_wait3A_202 : memref<!tpu.dma_semaphore, #tpu.memory_space<semaphore_mem>>) src(%dma_wait3A_200 : memref<10112x32xf32, #tpu.memory_space<vmem_shared>>) dst(%dma_wait3A_194 : memref<128x32xf32, #tpu.memory_space<vmem>>)
        %dma_start3A_203 = arith.constant 0 : i32
        %dma_start3A_204 = arith.constant 1 : i32
        %dma_start3A_205 = arith.constant 0 : i32
        %dma_start3A_206 = arith.constant 0 : i32
        %dma_start3A_207 = arith.constant 0 : i32
        %dma_start3A_208 = tpu.memref_slice %arg7[%dma_start3A_203, %dma_start3A_206, %dma_start3A_207] : memref<6x128x32xf32, #tpu.memory_space<vmem>> -> memref<1x128x32xf32, #tpu.memory_space<vmem>>
        %dma_start3A_209 = tpu.memref_squeeze %dma_start3A_208 : memref<1x128x32xf32, #tpu.memory_space<vmem>> -> memref<128x32xf32, #tpu.memory_space<vmem>>
        %dma_start3A_210 = arith.constant 0 : i32
        %dma_start3A_211 = tpu.memref_slice %arg6[%add3A_187, %dma_start3A_204, %dma_start3A_210] : memref<79x2x128xi32, #tpu.memory_space<vmem>> -> memref<1x1x128xi32, #tpu.memory_space<vmem>>
        %dma_start3A_212 = tpu.memref_squeeze %dma_start3A_211 : memref<1x1x128xi32, #tpu.memory_space<vmem>> -> memref<128xi32, #tpu.memory_space<vmem>>
        %dma_start3A_213 = arith.constant 0 : i32
        %dma_start3A_214 = arith.constant 0 : i32
        %dma_start3A_215 = tpu.memref_slice %arg8[%dma_start3A_213, %dma_start3A_214] : memref<10112x32xf32, #tpu.memory_space<vmem_shared>> -> memref<10112x32xf32, #tpu.memory_space<vmem_shared>>
        %dma_start3A_216 = tpu.memref_slice %arg11[%dma_start3A_205] : memref<6x!tpu.dma_semaphore, #tpu.memory_space<semaphore_mem>> -> memref<1x!tpu.dma_semaphore, #tpu.memory_space<semaphore_mem>>
        %dma_start3A_217 = tpu.memref_squeeze %dma_start3A_216 : memref<1x!tpu.dma_semaphore, #tpu.memory_space<semaphore_mem>> -> memref<!tpu.dma_semaphore, #tpu.memory_space<semaphore_mem>>
        tpu.enqueue_indirect_dma source(%dma_start3A_209 : memref<128x32xf32, #tpu.memory_space<vmem>>) target(%dma_start3A_215 : memref<10112x32xf32, #tpu.memory_space<vmem_shared>>) offsets(%dma_start3A_212 : memref<128xi32, #tpu.memory_space<vmem>>) semaphore(%dma_start3A_217 : memref<!tpu.dma_semaphore, #tpu.memory_space<semaphore_mem>>) {add = true}
        %add3A_218 = arith.constant 4 : i32
        %add3A_219 = arith.addi %add3A_187, %add3A_218 : i32
        %lt3A = arith.constant 78 : i32
        %lt3A_220 = arith.cmpi slt, %add3A_219, %lt3A : i32
        %convert_element_type3A_221 = arith.extui %lt3A_220 : i1 to i32
        %cond3A_222 = arith.constant 0 : i32
        %cond3A_223 = arith.cmpi ne, %convert_element_type3A_221, %cond3A_222 : i32
        scf.if %cond3A_223 {
          %ge3A = arith.constant 6 : i32
          %ge3A_429 = arith.cmpi sge, %add3A_219, %ge3A : i32
          %convert_element_type3A_430 = arith.extui %ge3A_429 : i1 to i32
          %cond3A_431 = arith.constant 0 : i32
          %cond3A_432 = arith.cmpi ne, %convert_element_type3A_430, %cond3A_431 : i32
          scf.if %cond3A_432 {
            %sub3A = arith.constant 6 : i32
            %sub3A_448 = arith.subi %add3A_219, %sub3A : i32
            %dma_wait3A_449 = arith.constant 4 : i32
            %dma_wait3A_450 = arith.constant 1 : i32
            %dma_wait3A_451 = arith.constant 4 : i32
            %dma_wait3A_452 = arith.constant 0 : i32
            %dma_wait3A_453 = arith.constant 0 : i32
            %dma_wait3A_454 = tpu.memref_slice %arg7[%dma_wait3A_449, %dma_wait3A_452, %dma_wait3A_453] : memref<6x128x32xf32, #tpu.memory_space<vmem>> -> memref<1x128x32xf32, #tpu.memory_space<vmem>>
            %dma_wait3A_455 = tpu.memref_squeeze %dma_wait3A_454 : memref<1x128x32xf32, #tpu.memory_space<vmem>> -> memref<128x32xf32, #tpu.memory_space<vmem>>
            %dma_wait3A_456 = arith.constant 0 : i32
            %dma_wait3A_457 = tpu.memref_slice %arg6[%sub3A_448, %dma_wait3A_450, %dma_wait3A_456] : memref<79x2x128xi32, #tpu.memory_space<vmem>> -> memref<1x1x128xi32, #tpu.memory_space<vmem>>
            %dma_wait3A_458 = tpu.memref_squeeze %dma_wait3A_457 : memref<1x1x128xi32, #tpu.memory_space<vmem>> -> memref<128xi32, #tpu.memory_space<vmem>>
            %dma_wait3A_459 = arith.constant 0 : i32
            %dma_wait3A_460 = arith.constant 0 : i32
            %dma_wait3A_461 = tpu.memref_slice %arg8[%dma_wait3A_459, %dma_wait3A_460] : memref<10112x32xf32, #tpu.memory_space<vmem_shared>> -> memref<10112x32xf32, #tpu.memory_space<vmem_shared>>
            %dma_wait3A_462 = tpu.memref_slice %arg11[%dma_wait3A_451] : memref<6x!tpu.dma_semaphore, #tpu.memory_space<semaphore_mem>> -> memref<1x!tpu.dma_semaphore, #tpu.memory_space<semaphore_mem>>
            %dma_wait3A_463 = tpu.memref_squeeze %dma_wait3A_462 : memref<1x!tpu.dma_semaphore, #tpu.memory_space<semaphore_mem>> -> memref<!tpu.dma_semaphore, #tpu.memory_space<semaphore_mem>>
            tpu.wait_indirect_dma semaphore(%dma_wait3A_463 : memref<!tpu.dma_semaphore, #tpu.memory_space<semaphore_mem>>) src(%dma_wait3A_455 : memref<128x32xf32, #tpu.memory_space<vmem>>) dst(%dma_wait3A_461 : memref<10112x32xf32, #tpu.memory_space<vmem_shared>>)
          } else {
          }
          %dma_start3A_433 = arith.constant 0 : i32
          %dma_start3A_434 = arith.constant 4 : i32
          %dma_start3A_435 = arith.constant 4 : i32
          %dma_start3A_436 = arith.constant 0 : i32
          %dma_start3A_437 = arith.constant 0 : i32
          %dma_start3A_438 = tpu.memref_slice %arg7[%dma_start3A_434, %dma_start3A_436, %dma_start3A_437] : memref<6x128x32xf32, #tpu.memory_space<vmem>> -> memref<1x128x32xf32, #tpu.memory_space<vmem>>
          %dma_start3A_439 = tpu.memref_squeeze %dma_start3A_438 : memref<1x128x32xf32, #tpu.memory_space<vmem>> -> memref<128x32xf32, #tpu.memory_space<vmem>>
          %dma_start3A_440 = arith.constant 0 : i32
          %dma_start3A_441 = tpu.memref_slice %arg6[%add3A_219, %dma_start3A_433, %dma_start3A_440] : memref<79x2x128xi32, #tpu.memory_space<vmem>> -> memref<1x1x128xi32, #tpu.memory_space<vmem>>
          %dma_start3A_442 = tpu.memref_squeeze %dma_start3A_441 : memref<1x1x128xi32, #tpu.memory_space<vmem>> -> memref<128xi32, #tpu.memory_space<vmem>>
          %dma_start3A_443 = arith.constant 0 : i32
          %dma_start3A_444 = arith.constant 0 : i32
          %dma_start3A_445 = tpu.memref_slice %arg9[%dma_start3A_443, %dma_start3A_444] : memref<10112x32xf32, #tpu.memory_space<vmem_shared>> -> memref<10112x32xf32, #tpu.memory_space<vmem_shared>>
          %dma_start3A_446 = tpu.memref_slice %arg10[%dma_start3A_435] : memref<6x!tpu.dma_semaphore, #tpu.memory_space<semaphore_mem>> -> memref<1x!tpu.dma_semaphore, #tpu.memory_space<semaphore_mem>>
          %dma_start3A_447 = tpu.memref_squeeze %dma_start3A_446 : memref<1x!tpu.dma_semaphore, #tpu.memory_space<semaphore_mem>> -> memref<!tpu.dma_semaphore, #tpu.memory_space<semaphore_mem>>
          tpu.enqueue_indirect_dma source(%dma_start3A_445 : memref<10112x32xf32, #tpu.memory_space<vmem_shared>>) target(%dma_start3A_439 : memref<128x32xf32, #tpu.memory_space<vmem>>) offsets(%dma_start3A_442 : memref<128xi32, #tpu.memory_space<vmem>>) semaphore(%dma_start3A_447 : memref<!tpu.dma_semaphore, #tpu.memory_space<semaphore_mem>>)
        } else {
        }
        %mul3A_224 = arith.constant 6 : i32
        %mul3A_225 = arith.muli %scan3A_183, %mul3A_224 : i32
        %add3A_226 = arith.constant 1 : i32
        %add3A_227 = arith.addi %mul3A_225, %add3A_226 : i32
        %dma_wait3A_228 = arith.constant 0 : i32
        %dma_wait3A_229 = arith.constant 1 : i32
        %dma_wait3A_230 = arith.constant 1 : i32
        %dma_wait3A_231 = arith.constant 0 : i32
        %dma_wait3A_232 = arith.constant 0 : i32
        %dma_wait3A_233 = tpu.memref_slice %arg7[%dma_wait3A_229, %dma_wait3A_231, %dma_wait3A_232] : memref<6x128x32xf32, #tpu.memory_space<vmem>> -> memref<1x128x32xf32, #tpu.memory_space<vmem>>
        %dma_wait3A_234 = tpu.memref_squeeze %dma_wait3A_233 : memref<1x128x32xf32, #tpu.memory_space<vmem>> -> memref<128x32xf32, #tpu.memory_space<vmem>>
        %dma_wait3A_235 = arith.constant 0 : i32
        %dma_wait3A_236 = tpu.memref_slice %arg6[%add3A_227, %dma_wait3A_228, %dma_wait3A_235] : memref<79x2x128xi32, #tpu.memory_space<vmem>> -> memref<1x1x128xi32, #tpu.memory_space<vmem>>
        %dma_wait3A_237 = tpu.memref_squeeze %dma_wait3A_236 : memref<1x1x128xi32, #tpu.memory_space<vmem>> -> memref<128xi32, #tpu.memory_space<vmem>>
        %dma_wait3A_238 = arith.constant 0 : i32
        %dma_wait3A_239 = arith.constant 0 : i32
        %dma_wait3A_240 = tpu.memref_slice %arg9[%dma_wait3A_238, %dma_wait3A_239] : memref<10112x32xf32, #tpu.memory_space<vmem_shared>> -> memref<10112x32xf32, #tpu.memory_space<vmem_shared>>
        %dma_wait3A_241 = tpu.memref_slice %arg10[%dma_wait3A_230] : memref<6x!tpu.dma_semaphore, #tpu.memory_space<semaphore_mem>> -> memref<1x!tpu.dma_semaphore, #tpu.memory_space<semaphore_mem>>
        %dma_wait3A_242 = tpu.memref_squeeze %dma_wait3A_241 : memref<1x!tpu.dma_semaphore, #tpu.memory_space<semaphore_mem>> -> memref<!tpu.dma_semaphore, #tpu.memory_space<semaphore_mem>>
        tpu.wait_indirect_dma semaphore(%dma_wait3A_242 : memref<!tpu.dma_semaphore, #tpu.memory_space<semaphore_mem>>) src(%dma_wait3A_240 : memref<10112x32xf32, #tpu.memory_space<vmem_shared>>) dst(%dma_wait3A_234 : memref<128x32xf32, #tpu.memory_space<vmem>>)
        %dma_start3A_243 = arith.constant 1 : i32
        %dma_start3A_244 = arith.constant 1 : i32
        %dma_start3A_245 = arith.constant 1 : i32
        %dma_start3A_246 = arith.constant 0 : i32
        %dma_start3A_247 = arith.constant 0 : i32
        %dma_start3A_248 = tpu.memref_slice %arg7[%dma_start3A_243, %dma_start3A_246, %dma_start3A_247] : memref<6x128x32xf32, #tpu.memory_space<vmem>> -> memref<1x128x32xf32, #tpu.memory_space<vmem>>
        %dma_start3A_249 = tpu.memref_squeeze %dma_start3A_248 : memref<1x128x32xf32, #tpu.memory_space<vmem>> -> memref<128x32xf32, #tpu.memory_space<vmem>>
        %dma_start3A_250 = arith.constant 0 : i32
        %dma_start3A_251 = tpu.memref_slice %arg6[%add3A_227, %dma_start3A_244, %dma_start3A_250] : memref<79x2x128xi32, #tpu.memory_space<vmem>> -> memref<1x1x128xi32, #tpu.memory_space<vmem>>
        %dma_start3A_252 = tpu.memref_squeeze %dma_start3A_251 : memref<1x1x128xi32, #tpu.memory_space<vmem>> -> memref<128xi32, #tpu.memory_space<vmem>>
        %dma_start3A_253 = arith.constant 0 : i32
        %dma_start3A_254 = arith.constant 0 : i32
        %dma_start3A_255 = tpu.memref_slice %arg8[%dma_start3A_253, %dma_start3A_254] : memref<10112x32xf32, #tpu.memory_space<vmem_shared>> -> memref<10112x32xf32, #tpu.memory_space<vmem_shared>>
        %dma_start3A_256 = tpu.memref_slice %arg11[%dma_start3A_245] : memref<6x!tpu.dma_semaphore, #tpu.memory_space<semaphore_mem>> -> memref<1x!tpu.dma_semaphore, #tpu.memory_space<semaphore_mem>>
        %dma_start3A_257 = tpu.memref_squeeze %dma_start3A_256 : memref<1x!tpu.dma_semaphore, #tpu.memory_space<semaphore_mem>> -> memref<!tpu.dma_semaphore, #tpu.memory_space<semaphore_mem>>
        tpu.enqueue_indirect_dma source(%dma_start3A_249 : memref<128x32xf32, #tpu.memory_space<vmem>>) target(%dma_start3A_255 : memref<10112x32xf32, #tpu.memory_space<vmem_shared>>) offsets(%dma_start3A_252 : memref<128xi32, #tpu.memory_space<vmem>>) semaphore(%dma_start3A_257 : memref<!tpu.dma_semaphore, #tpu.memory_space<semaphore_mem>>) {add = true}
        %add3A_258 = arith.constant 4 : i32
        %add3A_259 = arith.addi %add3A_227, %add3A_258 : i32
        %lt3A_260 = arith.constant 78 : i32
        %lt3A_261 = arith.cmpi slt, %add3A_259, %lt3A_260 : i32
        %convert_element_type3A_262 = arith.extui %lt3A_261 : i1 to i32
        %cond3A_263 = arith.constant 0 : i32
        %cond3A_264 = arith.cmpi ne, %convert_element_type3A_262, %cond3A_263 : i32
        scf.if %cond3A_264 {
          %ge3A = arith.constant 6 : i32
          %ge3A_429 = arith.cmpi sge, %add3A_259, %ge3A : i32
          %convert_element_type3A_430 = arith.extui %ge3A_429 : i1 to i32
          %cond3A_431 = arith.constant 0 : i32
          %cond3A_432 = arith.cmpi ne, %convert_element_type3A_430, %cond3A_431 : i32
          scf.if %cond3A_432 {
            %sub3A = arith.constant 6 : i32
            %sub3A_448 = arith.subi %add3A_259, %sub3A : i32
            %dma_wait3A_449 = arith.constant 5 : i32
            %dma_wait3A_450 = arith.constant 1 : i32
            %dma_wait3A_451 = arith.constant 5 : i32
            %dma_wait3A_452 = arith.constant 0 : i32
            %dma_wait3A_453 = arith.constant 0 : i32
            %dma_wait3A_454 = tpu.memref_slice %arg7[%dma_wait3A_449, %dma_wait3A_452, %dma_wait3A_453] : memref<6x128x32xf32, #tpu.memory_space<vmem>> -> memref<1x128x32xf32, #tpu.memory_space<vmem>>
            %dma_wait3A_455 = tpu.memref_squeeze %dma_wait3A_454 : memref<1x128x32xf32, #tpu.memory_space<vmem>> -> memref<128x32xf32, #tpu.memory_space<vmem>>
            %dma_wait3A_456 = arith.constant 0 : i32
            %dma_wait3A_457 = tpu.memref_slice %arg6[%sub3A_448, %dma_wait3A_450, %dma_wait3A_456] : memref<79x2x128xi32, #tpu.memory_space<vmem>> -> memref<1x1x128xi32, #tpu.memory_space<vmem>>
            %dma_wait3A_458 = tpu.memref_squeeze %dma_wait3A_457 : memref<1x1x128xi32, #tpu.memory_space<vmem>> -> memref<128xi32, #tpu.memory_space<vmem>>
            %dma_wait3A_459 = arith.constant 0 : i32
            %dma_wait3A_460 = arith.constant 0 : i32
            %dma_wait3A_461 = tpu.memref_slice %arg8[%dma_wait3A_459, %dma_wait3A_460] : memref<10112x32xf32, #tpu.memory_space<vmem_shared>> -> memref<10112x32xf32, #tpu.memory_space<vmem_shared>>
            %dma_wait3A_462 = tpu.memref_slice %arg11[%dma_wait3A_451] : memref<6x!tpu.dma_semaphore, #tpu.memory_space<semaphore_mem>> -> memref<1x!tpu.dma_semaphore, #tpu.memory_space<semaphore_mem>>
            %dma_wait3A_463 = tpu.memref_squeeze %dma_wait3A_462 : memref<1x!tpu.dma_semaphore, #tpu.memory_space<semaphore_mem>> -> memref<!tpu.dma_semaphore, #tpu.memory_space<semaphore_mem>>
            tpu.wait_indirect_dma semaphore(%dma_wait3A_463 : memref<!tpu.dma_semaphore, #tpu.memory_space<semaphore_mem>>) src(%dma_wait3A_455 : memref<128x32xf32, #tpu.memory_space<vmem>>) dst(%dma_wait3A_461 : memref<10112x32xf32, #tpu.memory_space<vmem_shared>>)
          } else {
          }
          %dma_start3A_433 = arith.constant 0 : i32
          %dma_start3A_434 = arith.constant 5 : i32
          %dma_start3A_435 = arith.constant 5 : i32
          %dma_start3A_436 = arith.constant 0 : i32
          %dma_start3A_437 = arith.constant 0 : i32
          %dma_start3A_438 = tpu.memref_slice %arg7[%dma_start3A_434, %dma_start3A_436, %dma_start3A_437] : memref<6x128x32xf32, #tpu.memory_space<vmem>> -> memref<1x128x32xf32, #tpu.memory_space<vmem>>
          %dma_start3A_439 = tpu.memref_squeeze %dma_start3A_438 : memref<1x128x32xf32, #tpu.memory_space<vmem>> -> memref<128x32xf32, #tpu.memory_space<vmem>>
          %dma_start3A_440 = arith.constant 0 : i32
          %dma_start3A_441 = tpu.memref_slice %arg6[%add3A_259, %dma_start3A_433, %dma_start3A_440] : memref<79x2x128xi32, #tpu.memory_space<vmem>> -> memref<1x1x128xi32, #tpu.memory_space<vmem>>
          %dma_start3A_442 = tpu.memref_squeeze %dma_start3A_441 : memref<1x1x128xi32, #tpu.memory_space<vmem>> -> memref<128xi32, #tpu.memory_space<vmem>>
          %dma_start3A_443 = arith.constant 0 : i32
          %dma_start3A_444 = arith.constant 0 : i32
          %dma_start3A_445 = tpu.memref_slice %arg9[%dma_start3A_443, %dma_start3A_444] : memref<10112x32xf32, #tpu.memory_space<vmem_shared>> -> memref<10112x32xf32, #tpu.memory_space<vmem_shared>>
          %dma_start3A_446 = tpu.memref_slice %arg10[%dma_start3A_435] : memref<6x!tpu.dma_semaphore, #tpu.memory_space<semaphore_mem>> -> memref<1x!tpu.dma_semaphore, #tpu.memory_space<semaphore_mem>>
          %dma_start3A_447 = tpu.memref_squeeze %dma_start3A_446 : memref<1x!tpu.dma_semaphore, #tpu.memory_space<semaphore_mem>> -> memref<!tpu.dma_semaphore, #tpu.memory_space<semaphore_mem>>
          tpu.enqueue_indirect_dma source(%dma_start3A_445 : memref<10112x32xf32, #tpu.memory_space<vmem_shared>>) target(%dma_start3A_439 : memref<128x32xf32, #tpu.memory_space<vmem>>) offsets(%dma_start3A_442 : memref<128xi32, #tpu.memory_space<vmem>>) semaphore(%dma_start3A_447 : memref<!tpu.dma_semaphore, #tpu.memory_space<semaphore_mem>>)
        } else {
        }
        %mul3A_265 = arith.constant 6 : i32
        %mul3A_266 = arith.muli %scan3A_183, %mul3A_265 : i32
        %add3A_267 = arith.constant 2 : i32
        %add3A_268 = arith.addi %mul3A_266, %add3A_267 : i32
        %dma_wait3A_269 = arith.constant 0 : i32
        %dma_wait3A_270 = arith.constant 2 : i32
        %dma_wait3A_271 = arith.constant 2 : i32
        %dma_wait3A_272 = arith.constant 0 : i32
        %dma_wait3A_273 = arith.constant 0 : i32
        %dma_wait3A_274 = tpu.memref_slice %arg7[%dma_wait3A_270, %dma_wait3A_272, %dma_wait3A_273] : memref<6x128x32xf32, #tpu.memory_space<vmem>> -> memref<1x128x32xf32, #tpu.memory_space<vmem>>
        %dma_wait3A_275 = tpu.memref_squeeze %dma_wait3A_274 : memref<1x128x32xf32, #tpu.memory_space<vmem>> -> memref<128x32xf32, #tpu.memory_space<vmem>>
        %dma_wait3A_276 = arith.constant 0 : i32
        %dma_wait3A_277 = tpu.memref_slice %arg6[%add3A_268, %dma_wait3A_269, %dma_wait3A_276] : memref<79x2x128xi32, #tpu.memory_space<vmem>> -> memref<1x1x128xi32, #tpu.memory_space<vmem>>
        %dma_wait3A_278 = tpu.memref_squeeze %dma_wait3A_277 : memref<1x1x128xi32, #tpu.memory_space<vmem>> -> memref<128xi32, #tpu.memory_space<vmem>>
        %dma_wait3A_279 = arith.constant 0 : i32
        %dma_wait3A_280 = arith.constant 0 : i32
        %dma_wait3A_281 = tpu.memref_slice %arg9[%dma_wait3A_279, %dma_wait3A_280] : memref<10112x32xf32, #tpu.memory_space<vmem_shared>> -> memref<10112x32xf32, #tpu.memory_space<vmem_shared>>
        %dma_wait3A_282 = tpu.memref_slice %arg10[%dma_wait3A_271] : memref<6x!tpu.dma_semaphore, #tpu.memory_space<semaphore_mem>> -> memref<1x!tpu.dma_semaphore, #tpu.memory_space<semaphore_mem>>
        %dma_wait3A_283 = tpu.memref_squeeze %dma_wait3A_282 : memref<1x!tpu.dma_semaphore, #tpu.memory_space<semaphore_mem>> -> memref<!tpu.dma_semaphore, #tpu.memory_space<semaphore_mem>>
        tpu.wait_indirect_dma semaphore(%dma_wait3A_283 : memref<!tpu.dma_semaphore, #tpu.memory_space<semaphore_mem>>) src(%dma_wait3A_281 : memref<10112x32xf32, #tpu.memory_space<vmem_shared>>) dst(%dma_wait3A_275 : memref<128x32xf32, #tpu.memory_space<vmem>>)
        %dma_start3A_284 = arith.constant 2 : i32
        %dma_start3A_285 = arith.constant 1 : i32
        %dma_start3A_286 = arith.constant 2 : i32
        %dma_start3A_287 = arith.constant 0 : i32
        %dma_start3A_288 = arith.constant 0 : i32
        %dma_start3A_289 = tpu.memref_slice %arg7[%dma_start3A_284, %dma_start3A_287, %dma_start3A_288] : memref<6x128x32xf32, #tpu.memory_space<vmem>> -> memref<1x128x32xf32, #tpu.memory_space<vmem>>
        %dma_start3A_290 = tpu.memref_squeeze %dma_start3A_289 : memref<1x128x32xf32, #tpu.memory_space<vmem>> -> memref<128x32xf32, #tpu.memory_space<vmem>>
        %dma_start3A_291 = arith.constant 0 : i32
        %dma_start3A_292 = tpu.memref_slice %arg6[%add3A_268, %dma_start3A_285, %dma_start3A_291] : memref<79x2x128xi32, #tpu.memory_space<vmem>> -> memref<1x1x128xi32, #tpu.memory_space<vmem>>
        %dma_start3A_293 = tpu.memref_squeeze %dma_start3A_292 : memref<1x1x128xi32, #tpu.memory_space<vmem>> -> memref<128xi32, #tpu.memory_space<vmem>>
        %dma_start3A_294 = arith.constant 0 : i32
        %dma_start3A_295 = arith.constant 0 : i32
        %dma_start3A_296 = tpu.memref_slice %arg8[%dma_start3A_294, %dma_start3A_295] : memref<10112x32xf32, #tpu.memory_space<vmem_shared>> -> memref<10112x32xf32, #tpu.memory_space<vmem_shared>>
        %dma_start3A_297 = tpu.memref_slice %arg11[%dma_start3A_286] : memref<6x!tpu.dma_semaphore, #tpu.memory_space<semaphore_mem>> -> memref<1x!tpu.dma_semaphore, #tpu.memory_space<semaphore_mem>>
        %dma_start3A_298 = tpu.memref_squeeze %dma_start3A_297 : memref<1x!tpu.dma_semaphore, #tpu.memory_space<semaphore_mem>> -> memref<!tpu.dma_semaphore, #tpu.memory_space<semaphore_mem>>
        tpu.enqueue_indirect_dma source(%dma_start3A_290 : memref<128x32xf32, #tpu.memory_space<vmem>>) target(%dma_start3A_296 : memref<10112x32xf32, #tpu.memory_space<vmem_shared>>) offsets(%dma_start3A_293 : memref<128xi32, #tpu.memory_space<vmem>>) semaphore(%dma_start3A_298 : memref<!tpu.dma_semaphore, #tpu.memory_space<semaphore_mem>>) {add = true}
        %add3A_299 = arith.constant 4 : i32
        %add3A_300 = arith.addi %add3A_268, %add3A_299 : i32
        %lt3A_301 = arith.constant 78 : i32
        %lt3A_302 = arith.cmpi slt, %add3A_300, %lt3A_301 : i32
        %convert_element_type3A_303 = arith.extui %lt3A_302 : i1 to i32
        %cond3A_304 = arith.constant 0 : i32
        %cond3A_305 = arith.cmpi ne, %convert_element_type3A_303, %cond3A_304 : i32
        scf.if %cond3A_305 {
          %ge3A = arith.constant 6 : i32
          %ge3A_429 = arith.cmpi sge, %add3A_300, %ge3A : i32
          %convert_element_type3A_430 = arith.extui %ge3A_429 : i1 to i32
          %cond3A_431 = arith.constant 0 : i32
          %cond3A_432 = arith.cmpi ne, %convert_element_type3A_430, %cond3A_431 : i32
          scf.if %cond3A_432 {
            %sub3A = arith.constant 6 : i32
            %sub3A_448 = arith.subi %add3A_300, %sub3A : i32
            %dma_wait3A_449 = arith.constant 0 : i32
            %dma_wait3A_450 = arith.constant 1 : i32
            %dma_wait3A_451 = arith.constant 0 : i32
            %dma_wait3A_452 = arith.constant 0 : i32
            %dma_wait3A_453 = arith.constant 0 : i32
            %dma_wait3A_454 = tpu.memref_slice %arg7[%dma_wait3A_449, %dma_wait3A_452, %dma_wait3A_453] : memref<6x128x32xf32, #tpu.memory_space<vmem>> -> memref<1x128x32xf32, #tpu.memory_space<vmem>>
            %dma_wait3A_455 = tpu.memref_squeeze %dma_wait3A_454 : memref<1x128x32xf32, #tpu.memory_space<vmem>> -> memref<128x32xf32, #tpu.memory_space<vmem>>
            %dma_wait3A_456 = arith.constant 0 : i32
            %dma_wait3A_457 = tpu.memref_slice %arg6[%sub3A_448, %dma_wait3A_450, %dma_wait3A_456] : memref<79x2x128xi32, #tpu.memory_space<vmem>> -> memref<1x1x128xi32, #tpu.memory_space<vmem>>
            %dma_wait3A_458 = tpu.memref_squeeze %dma_wait3A_457 : memref<1x1x128xi32, #tpu.memory_space<vmem>> -> memref<128xi32, #tpu.memory_space<vmem>>
            %dma_wait3A_459 = arith.constant 0 : i32
            %dma_wait3A_460 = arith.constant 0 : i32
            %dma_wait3A_461 = tpu.memref_slice %arg8[%dma_wait3A_459, %dma_wait3A_460] : memref<10112x32xf32, #tpu.memory_space<vmem_shared>> -> memref<10112x32xf32, #tpu.memory_space<vmem_shared>>
            %dma_wait3A_462 = tpu.memref_slice %arg11[%dma_wait3A_451] : memref<6x!tpu.dma_semaphore, #tpu.memory_space<semaphore_mem>> -> memref<1x!tpu.dma_semaphore, #tpu.memory_space<semaphore_mem>>
            %dma_wait3A_463 = tpu.memref_squeeze %dma_wait3A_462 : memref<1x!tpu.dma_semaphore, #tpu.memory_space<semaphore_mem>> -> memref<!tpu.dma_semaphore, #tpu.memory_space<semaphore_mem>>
            tpu.wait_indirect_dma semaphore(%dma_wait3A_463 : memref<!tpu.dma_semaphore, #tpu.memory_space<semaphore_mem>>) src(%dma_wait3A_455 : memref<128x32xf32, #tpu.memory_space<vmem>>) dst(%dma_wait3A_461 : memref<10112x32xf32, #tpu.memory_space<vmem_shared>>)
          } else {
          }
          %dma_start3A_433 = arith.constant 0 : i32
          %dma_start3A_434 = arith.constant 0 : i32
          %dma_start3A_435 = arith.constant 0 : i32
          %dma_start3A_436 = arith.constant 0 : i32
          %dma_start3A_437 = arith.constant 0 : i32
          %dma_start3A_438 = tpu.memref_slice %arg7[%dma_start3A_434, %dma_start3A_436, %dma_start3A_437] : memref<6x128x32xf32, #tpu.memory_space<vmem>> -> memref<1x128x32xf32, #tpu.memory_space<vmem>>
          %dma_start3A_439 = tpu.memref_squeeze %dma_start3A_438 : memref<1x128x32xf32, #tpu.memory_space<vmem>> -> memref<128x32xf32, #tpu.memory_space<vmem>>
          %dma_start3A_440 = arith.constant 0 : i32
          %dma_start3A_441 = tpu.memref_slice %arg6[%add3A_300, %dma_start3A_433, %dma_start3A_440] : memref<79x2x128xi32, #tpu.memory_space<vmem>> -> memref<1x1x128xi32, #tpu.memory_space<vmem>>
          %dma_start3A_442 = tpu.memref_squeeze %dma_start3A_441 : memref<1x1x128xi32, #tpu.memory_space<vmem>> -> memref<128xi32, #tpu.memory_space<vmem>>
          %dma_start3A_443 = arith.constant 0 : i32
          %dma_start3A_444 = arith.constant 0 : i32
          %dma_start3A_445 = tpu.memref_slice %arg9[%dma_start3A_443, %dma_start3A_444] : memref<10112x32xf32, #tpu.memory_space<vmem_shared>> -> memref<10112x32xf32, #tpu.memory_space<vmem_shared>>
          %dma_start3A_446 = tpu.memref_slice %arg10[%dma_start3A_435] : memref<6x!tpu.dma_semaphore, #tpu.memory_space<semaphore_mem>> -> memref<1x!tpu.dma_semaphore, #tpu.memory_space<semaphore_mem>>
          %dma_start3A_447 = tpu.memref_squeeze %dma_start3A_446 : memref<1x!tpu.dma_semaphore, #tpu.memory_space<semaphore_mem>> -> memref<!tpu.dma_semaphore, #tpu.memory_space<semaphore_mem>>
          tpu.enqueue_indirect_dma source(%dma_start3A_445 : memref<10112x32xf32, #tpu.memory_space<vmem_shared>>) target(%dma_start3A_439 : memref<128x32xf32, #tpu.memory_space<vmem>>) offsets(%dma_start3A_442 : memref<128xi32, #tpu.memory_space<vmem>>) semaphore(%dma_start3A_447 : memref<!tpu.dma_semaphore, #tpu.memory_space<semaphore_mem>>)
        } else {
        }
        %mul3A_306 = arith.constant 6 : i32
        %mul3A_307 = arith.muli %scan3A_183, %mul3A_306 : i32
        %add3A_308 = arith.constant 3 : i32
        %add3A_309 = arith.addi %mul3A_307, %add3A_308 : i32
        %dma_wait3A_310 = arith.constant 0 : i32
        %dma_wait3A_311 = arith.constant 3 : i32
        %dma_wait3A_312 = arith.constant 3 : i32
        %dma_wait3A_313 = arith.constant 0 : i32
        %dma_wait3A_314 = arith.constant 0 : i32
        %dma_wait3A_315 = tpu.memref_slice %arg7[%dma_wait3A_311, %dma_wait3A_313, %dma_wait3A_314] : memref<6x128x32xf32, #tpu.memory_space<vmem>> -> memref<1x128x32xf32, #tpu.memory_space<vmem>>
        %dma_wait3A_316 = tpu.memref_squeeze %dma_wait3A_315 : memref<1x128x32xf32, #tpu.memory_space<vmem>> -> memref<128x32xf32, #tpu.memory_space<vmem>>
        %dma_wait3A_317 = arith.constant 0 : i32
        %dma_wait3A_318 = tpu.memref_slice %arg6[%add3A_309, %dma_wait3A_310, %dma_wait3A_317] : memref<79x2x128xi32, #tpu.memory_space<vmem>> -> memref<1x1x128xi32, #tpu.memory_space<vmem>>
        %dma_wait3A_319 = tpu.memref_squeeze %dma_wait3A_318 : memref<1x1x128xi32, #tpu.memory_space<vmem>> -> memref<128xi32, #tpu.memory_space<vmem>>
        %dma_wait3A_320 = arith.constant 0 : i32
        %dma_wait3A_321 = arith.constant 0 : i32
        %dma_wait3A_322 = tpu.memref_slice %arg9[%dma_wait3A_320, %dma_wait3A_321] : memref<10112x32xf32, #tpu.memory_space<vmem_shared>> -> memref<10112x32xf32, #tpu.memory_space<vmem_shared>>
        %dma_wait3A_323 = tpu.memref_slice %arg10[%dma_wait3A_312] : memref<6x!tpu.dma_semaphore, #tpu.memory_space<semaphore_mem>> -> memref<1x!tpu.dma_semaphore, #tpu.memory_space<semaphore_mem>>
        %dma_wait3A_324 = tpu.memref_squeeze %dma_wait3A_323 : memref<1x!tpu.dma_semaphore, #tpu.memory_space<semaphore_mem>> -> memref<!tpu.dma_semaphore, #tpu.memory_space<semaphore_mem>>
        tpu.wait_indirect_dma semaphore(%dma_wait3A_324 : memref<!tpu.dma_semaphore, #tpu.memory_space<semaphore_mem>>) src(%dma_wait3A_322 : memref<10112x32xf32, #tpu.memory_space<vmem_shared>>) dst(%dma_wait3A_316 : memref<128x32xf32, #tpu.memory_space<vmem>>)
        %dma_start3A_325 = arith.constant 3 : i32
        %dma_start3A_326 = arith.constant 1 : i32
        %dma_start3A_327 = arith.constant 3 : i32
        %dma_start3A_328 = arith.constant 0 : i32
        %dma_start3A_329 = arith.constant 0 : i32
        %dma_start3A_330 = tpu.memref_slice %arg7[%dma_start3A_325, %dma_start3A_328, %dma_start3A_329] : memref<6x128x32xf32, #tpu.memory_space<vmem>> -> memref<1x128x32xf32, #tpu.memory_space<vmem>>
        %dma_start3A_331 = tpu.memref_squeeze %dma_start3A_330 : memref<1x128x32xf32, #tpu.memory_space<vmem>> -> memref<128x32xf32, #tpu.memory_space<vmem>>
        %dma_start3A_332 = arith.constant 0 : i32
        %dma_start3A_333 = tpu.memref_slice %arg6[%add3A_309, %dma_start3A_326, %dma_start3A_332] : memref<79x2x128xi32, #tpu.memory_space<vmem>> -> memref<1x1x128xi32, #tpu.memory_space<vmem>>
        %dma_start3A_334 = tpu.memref_squeeze %dma_start3A_333 : memref<1x1x128xi32, #tpu.memory_space<vmem>> -> memref<128xi32, #tpu.memory_space<vmem>>
        %dma_start3A_335 = arith.constant 0 : i32
        %dma_start3A_336 = arith.constant 0 : i32
        %dma_start3A_337 = tpu.memref_slice %arg8[%dma_start3A_335, %dma_start3A_336] : memref<10112x32xf32, #tpu.memory_space<vmem_shared>> -> memref<10112x32xf32, #tpu.memory_space<vmem_shared>>
        %dma_start3A_338 = tpu.memref_slice %arg11[%dma_start3A_327] : memref<6x!tpu.dma_semaphore, #tpu.memory_space<semaphore_mem>> -> memref<1x!tpu.dma_semaphore, #tpu.memory_space<semaphore_mem>>
        %dma_start3A_339 = tpu.memref_squeeze %dma_start3A_338 : memref<1x!tpu.dma_semaphore, #tpu.memory_space<semaphore_mem>> -> memref<!tpu.dma_semaphore, #tpu.memory_space<semaphore_mem>>
        tpu.enqueue_indirect_dma source(%dma_start3A_331 : memref<128x32xf32, #tpu.memory_space<vmem>>) target(%dma_start3A_337 : memref<10112x32xf32, #tpu.memory_space<vmem_shared>>) offsets(%dma_start3A_334 : memref<128xi32, #tpu.memory_space<vmem>>) semaphore(%dma_start3A_339 : memref<!tpu.dma_semaphore, #tpu.memory_space<semaphore_mem>>) {add = true}
        %add3A_340 = arith.constant 4 : i32
        %add3A_341 = arith.addi %add3A_309, %add3A_340 : i32
        %lt3A_342 = arith.constant 78 : i32
        %lt3A_343 = arith.cmpi slt, %add3A_341, %lt3A_342 : i32
        %convert_element_type3A_344 = arith.extui %lt3A_343 : i1 to i32
        %cond3A_345 = arith.constant 0 : i32
        %cond3A_346 = arith.cmpi ne, %convert_element_type3A_344, %cond3A_345 : i32
        scf.if %cond3A_346 {
          %ge3A = arith.constant 6 : i32
          %ge3A_429 = arith.cmpi sge, %add3A_341, %ge3A : i32
          %convert_element_type3A_430 = arith.extui %ge3A_429 : i1 to i32
          %cond3A_431 = arith.constant 0 : i32
          %cond3A_432 = arith.cmpi ne, %convert_element_type3A_430, %cond3A_431 : i32
          scf.if %cond3A_432 {
            %sub3A = arith.constant 6 : i32
            %sub3A_448 = arith.subi %add3A_341, %sub3A : i32
            %dma_wait3A_449 = arith.constant 1 : i32
            %dma_wait3A_450 = arith.constant 1 : i32
            %dma_wait3A_451 = arith.constant 1 : i32
            %dma_wait3A_452 = arith.constant 0 : i32
            %dma_wait3A_453 = arith.constant 0 : i32
            %dma_wait3A_454 = tpu.memref_slice %arg7[%dma_wait3A_449, %dma_wait3A_452, %dma_wait3A_453] : memref<6x128x32xf32, #tpu.memory_space<vmem>> -> memref<1x128x32xf32, #tpu.memory_space<vmem>>
            %dma_wait3A_455 = tpu.memref_squeeze %dma_wait3A_454 : memref<1x128x32xf32, #tpu.memory_space<vmem>> -> memref<128x32xf32, #tpu.memory_space<vmem>>
            %dma_wait3A_456 = arith.constant 0 : i32
            %dma_wait3A_457 = tpu.memref_slice %arg6[%sub3A_448, %dma_wait3A_450, %dma_wait3A_456] : memref<79x2x128xi32, #tpu.memory_space<vmem>> -> memref<1x1x128xi32, #tpu.memory_space<vmem>>
            %dma_wait3A_458 = tpu.memref_squeeze %dma_wait3A_457 : memref<1x1x128xi32, #tpu.memory_space<vmem>> -> memref<128xi32, #tpu.memory_space<vmem>>
            %dma_wait3A_459 = arith.constant 0 : i32
            %dma_wait3A_460 = arith.constant 0 : i32
            %dma_wait3A_461 = tpu.memref_slice %arg8[%dma_wait3A_459, %dma_wait3A_460] : memref<10112x32xf32, #tpu.memory_space<vmem_shared>> -> memref<10112x32xf32, #tpu.memory_space<vmem_shared>>
            %dma_wait3A_462 = tpu.memref_slice %arg11[%dma_wait3A_451] : memref<6x!tpu.dma_semaphore, #tpu.memory_space<semaphore_mem>> -> memref<1x!tpu.dma_semaphore, #tpu.memory_space<semaphore_mem>>
            %dma_wait3A_463 = tpu.memref_squeeze %dma_wait3A_462 : memref<1x!tpu.dma_semaphore, #tpu.memory_space<semaphore_mem>> -> memref<!tpu.dma_semaphore, #tpu.memory_space<semaphore_mem>>
            tpu.wait_indirect_dma semaphore(%dma_wait3A_463 : memref<!tpu.dma_semaphore, #tpu.memory_space<semaphore_mem>>) src(%dma_wait3A_455 : memref<128x32xf32, #tpu.memory_space<vmem>>) dst(%dma_wait3A_461 : memref<10112x32xf32, #tpu.memory_space<vmem_shared>>)
          } else {
          }
          %dma_start3A_433 = arith.constant 0 : i32
          %dma_start3A_434 = arith.constant 1 : i32
          %dma_start3A_435 = arith.constant 1 : i32
          %dma_start3A_436 = arith.constant 0 : i32
          %dma_start3A_437 = arith.constant 0 : i32
          %dma_start3A_438 = tpu.memref_slice %arg7[%dma_start3A_434, %dma_start3A_436, %dma_start3A_437] : memref<6x128x32xf32, #tpu.memory_space<vmem>> -> memref<1x128x32xf32, #tpu.memory_space<vmem>>
          %dma_start3A_439 = tpu.memref_squeeze %dma_start3A_438 : memref<1x128x32xf32, #tpu.memory_space<vmem>> -> memref<128x32xf32, #tpu.memory_space<vmem>>
          %dma_start3A_440 = arith.constant 0 : i32
          %dma_start3A_441 = tpu.memref_slice %arg6[%add3A_341, %dma_start3A_433, %dma_start3A_440] : memref<79x2x128xi32, #tpu.memory_space<vmem>> -> memref<1x1x128xi32, #tpu.memory_space<vmem>>
          %dma_start3A_442 = tpu.memref_squeeze %dma_start3A_441 : memref<1x1x128xi32, #tpu.memory_space<vmem>> -> memref<128xi32, #tpu.memory_space<vmem>>
          %dma_start3A_443 = arith.constant 0 : i32
          %dma_start3A_444 = arith.constant 0 : i32
          %dma_start3A_445 = tpu.memref_slice %arg9[%dma_start3A_443, %dma_start3A_444] : memref<10112x32xf32, #tpu.memory_space<vmem_shared>> -> memref<10112x32xf32, #tpu.memory_space<vmem_shared>>
          %dma_start3A_446 = tpu.memref_slice %arg10[%dma_start3A_435] : memref<6x!tpu.dma_semaphore, #tpu.memory_space<semaphore_mem>> -> memref<1x!tpu.dma_semaphore, #tpu.memory_space<semaphore_mem>>
          %dma_start3A_447 = tpu.memref_squeeze %dma_start3A_446 : memref<1x!tpu.dma_semaphore, #tpu.memory_space<semaphore_mem>> -> memref<!tpu.dma_semaphore, #tpu.memory_space<semaphore_mem>>
          tpu.enqueue_indirect_dma source(%dma_start3A_445 : memref<10112x32xf32, #tpu.memory_space<vmem_shared>>) target(%dma_start3A_439 : memref<128x32xf32, #tpu.memory_space<vmem>>) offsets(%dma_start3A_442 : memref<128xi32, #tpu.memory_space<vmem>>) semaphore(%dma_start3A_447 : memref<!tpu.dma_semaphore, #tpu.memory_space<semaphore_mem>>)
        } else {
        }
        %mul3A_347 = arith.constant 6 : i32
        %mul3A_348 = arith.muli %scan3A_183, %mul3A_347 : i32
        %add3A_349 = arith.constant 4 : i32
        %add3A_350 = arith.addi %mul3A_348, %add3A_349 : i32
        %dma_wait3A_351 = arith.constant 0 : i32
        %dma_wait3A_352 = arith.constant 4 : i32
        %dma_wait3A_353 = arith.constant 4 : i32
        %dma_wait3A_354 = arith.constant 0 : i32
        %dma_wait3A_355 = arith.constant 0 : i32
        %dma_wait3A_356 = tpu.memref_slice %arg7[%dma_wait3A_352, %dma_wait3A_354, %dma_wait3A_355] : memref<6x128x32xf32, #tpu.memory_space<vmem>> -> memref<1x128x32xf32, #tpu.memory_space<vmem>>
        %dma_wait3A_357 = tpu.memref_squeeze %dma_wait3A_356 : memref<1x128x32xf32, #tpu.memory_space<vmem>> -> memref<128x32xf32, #tpu.memory_space<vmem>>
        %dma_wait3A_358 = arith.constant 0 : i32
        %dma_wait3A_359 = tpu.memref_slice %arg6[%add3A_350, %dma_wait3A_351, %dma_wait3A_358] : memref<79x2x128xi32, #tpu.memory_space<vmem>> -> memref<1x1x128xi32, #tpu.memory_space<vmem>>
        %dma_wait3A_360 = tpu.memref_squeeze %dma_wait3A_359 : memref<1x1x128xi32, #tpu.memory_space<vmem>> -> memref<128xi32, #tpu.memory_space<vmem>>
        %dma_wait3A_361 = arith.constant 0 : i32
        %dma_wait3A_362 = arith.constant 0 : i32
        %dma_wait3A_363 = tpu.memref_slice %arg9[%dma_wait3A_361, %dma_wait3A_362] : memref<10112x32xf32, #tpu.memory_space<vmem_shared>> -> memref<10112x32xf32, #tpu.memory_space<vmem_shared>>
        %dma_wait3A_364 = tpu.memref_slice %arg10[%dma_wait3A_353] : memref<6x!tpu.dma_semaphore, #tpu.memory_space<semaphore_mem>> -> memref<1x!tpu.dma_semaphore, #tpu.memory_space<semaphore_mem>>
        %dma_wait3A_365 = tpu.memref_squeeze %dma_wait3A_364 : memref<1x!tpu.dma_semaphore, #tpu.memory_space<semaphore_mem>> -> memref<!tpu.dma_semaphore, #tpu.memory_space<semaphore_mem>>
        tpu.wait_indirect_dma semaphore(%dma_wait3A_365 : memref<!tpu.dma_semaphore, #tpu.memory_space<semaphore_mem>>) src(%dma_wait3A_363 : memref<10112x32xf32, #tpu.memory_space<vmem_shared>>) dst(%dma_wait3A_357 : memref<128x32xf32, #tpu.memory_space<vmem>>)
        %dma_start3A_366 = arith.constant 4 : i32
        %dma_start3A_367 = arith.constant 1 : i32
        %dma_start3A_368 = arith.constant 4 : i32
        %dma_start3A_369 = arith.constant 0 : i32
        %dma_start3A_370 = arith.constant 0 : i32
        %dma_start3A_371 = tpu.memref_slice %arg7[%dma_start3A_366, %dma_start3A_369, %dma_start3A_370] : memref<6x128x32xf32, #tpu.memory_space<vmem>> -> memref<1x128x32xf32, #tpu.memory_space<vmem>>
        %dma_start3A_372 = tpu.memref_squeeze %dma_start3A_371 : memref<1x128x32xf32, #tpu.memory_space<vmem>> -> memref<128x32xf32, #tpu.memory_space<vmem>>
        %dma_start3A_373 = arith.constant 0 : i32
        %dma_start3A_374 = tpu.memref_slice %arg6[%add3A_350, %dma_start3A_367, %dma_start3A_373] : memref<79x2x128xi32, #tpu.memory_space<vmem>> -> memref<1x1x128xi32, #tpu.memory_space<vmem>>
        %dma_start3A_375 = tpu.memref_squeeze %dma_start3A_374 : memref<1x1x128xi32, #tpu.memory_space<vmem>> -> memref<128xi32, #tpu.memory_space<vmem>>
        %dma_start3A_376 = arith.constant 0 : i32
        %dma_start3A_377 = arith.constant 0 : i32
        %dma_start3A_378 = tpu.memref_slice %arg8[%dma_start3A_376, %dma_start3A_377] : memref<10112x32xf32, #tpu.memory_space<vmem_shared>> -> memref<10112x32xf32, #tpu.memory_space<vmem_shared>>
        %dma_start3A_379 = tpu.memref_slice %arg11[%dma_start3A_368] : memref<6x!tpu.dma_semaphore, #tpu.memory_space<semaphore_mem>> -> memref<1x!tpu.dma_semaphore, #tpu.memory_space<semaphore_mem>>
        %dma_start3A_380 = tpu.memref_squeeze %dma_start3A_379 : memref<1x!tpu.dma_semaphore, #tpu.memory_space<semaphore_mem>> -> memref<!tpu.dma_semaphore, #tpu.memory_space<semaphore_mem>>
        tpu.enqueue_indirect_dma source(%dma_start3A_372 : memref<128x32xf32, #tpu.memory_space<vmem>>) target(%dma_start3A_378 : memref<10112x32xf32, #tpu.memory_space<vmem_shared>>) offsets(%dma_start3A_375 : memref<128xi32, #tpu.memory_space<vmem>>) semaphore(%dma_start3A_380 : memref<!tpu.dma_semaphore, #tpu.memory_space<semaphore_mem>>) {add = true}
        %add3A_381 = arith.constant 4 : i32
        %add3A_382 = arith.addi %add3A_350, %add3A_381 : i32
        %lt3A_383 = arith.constant 78 : i32
        %lt3A_384 = arith.cmpi slt, %add3A_382, %lt3A_383 : i32
        %convert_element_type3A_385 = arith.extui %lt3A_384 : i1 to i32
        %cond3A_386 = arith.constant 0 : i32
        %cond3A_387 = arith.cmpi ne, %convert_element_type3A_385, %cond3A_386 : i32
        scf.if %cond3A_387 {
          %ge3A = arith.constant 6 : i32
          %ge3A_429 = arith.cmpi sge, %add3A_382, %ge3A : i32
          %convert_element_type3A_430 = arith.extui %ge3A_429 : i1 to i32
          %cond3A_431 = arith.constant 0 : i32
          %cond3A_432 = arith.cmpi ne, %convert_element_type3A_430, %cond3A_431 : i32
          scf.if %cond3A_432 {
            %sub3A = arith.constant 6 : i32
            %sub3A_448 = arith.subi %add3A_382, %sub3A : i32
            %dma_wait3A_449 = arith.constant 2 : i32
            %dma_wait3A_450 = arith.constant 1 : i32
            %dma_wait3A_451 = arith.constant 2 : i32
            %dma_wait3A_452 = arith.constant 0 : i32
            %dma_wait3A_453 = arith.constant 0 : i32
            %dma_wait3A_454 = tpu.memref_slice %arg7[%dma_wait3A_449, %dma_wait3A_452, %dma_wait3A_453] : memref<6x128x32xf32, #tpu.memory_space<vmem>> -> memref<1x128x32xf32, #tpu.memory_space<vmem>>
            %dma_wait3A_455 = tpu.memref_squeeze %dma_wait3A_454 : memref<1x128x32xf32, #tpu.memory_space<vmem>> -> memref<128x32xf32, #tpu.memory_space<vmem>>
            %dma_wait3A_456 = arith.constant 0 : i32
            %dma_wait3A_457 = tpu.memref_slice %arg6[%sub3A_448, %dma_wait3A_450, %dma_wait3A_456] : memref<79x2x128xi32, #tpu.memory_space<vmem>> -> memref<1x1x128xi32, #tpu.memory_space<vmem>>
            %dma_wait3A_458 = tpu.memref_squeeze %dma_wait3A_457 : memref<1x1x128xi32, #tpu.memory_space<vmem>> -> memref<128xi32, #tpu.memory_space<vmem>>
            %dma_wait3A_459 = arith.constant 0 : i32
            %dma_wait3A_460 = arith.constant 0 : i32
            %dma_wait3A_461 = tpu.memref_slice %arg8[%dma_wait3A_459, %dma_wait3A_460] : memref<10112x32xf32, #tpu.memory_space<vmem_shared>> -> memref<10112x32xf32, #tpu.memory_space<vmem_shared>>
            %dma_wait3A_462 = tpu.memref_slice %arg11[%dma_wait3A_451] : memref<6x!tpu.dma_semaphore, #tpu.memory_space<semaphore_mem>> -> memref<1x!tpu.dma_semaphore, #tpu.memory_space<semaphore_mem>>
            %dma_wait3A_463 = tpu.memref_squeeze %dma_wait3A_462 : memref<1x!tpu.dma_semaphore, #tpu.memory_space<semaphore_mem>> -> memref<!tpu.dma_semaphore, #tpu.memory_space<semaphore_mem>>
            tpu.wait_indirect_dma semaphore(%dma_wait3A_463 : memref<!tpu.dma_semaphore, #tpu.memory_space<semaphore_mem>>) src(%dma_wait3A_455 : memref<128x32xf32, #tpu.memory_space<vmem>>) dst(%dma_wait3A_461 : memref<10112x32xf32, #tpu.memory_space<vmem_shared>>)
          } else {
          }
          %dma_start3A_433 = arith.constant 0 : i32
          %dma_start3A_434 = arith.constant 2 : i32
          %dma_start3A_435 = arith.constant 2 : i32
          %dma_start3A_436 = arith.constant 0 : i32
          %dma_start3A_437 = arith.constant 0 : i32
          %dma_start3A_438 = tpu.memref_slice %arg7[%dma_start3A_434, %dma_start3A_436, %dma_start3A_437] : memref<6x128x32xf32, #tpu.memory_space<vmem>> -> memref<1x128x32xf32, #tpu.memory_space<vmem>>
          %dma_start3A_439 = tpu.memref_squeeze %dma_start3A_438 : memref<1x128x32xf32, #tpu.memory_space<vmem>> -> memref<128x32xf32, #tpu.memory_space<vmem>>
          %dma_start3A_440 = arith.constant 0 : i32
          %dma_start3A_441 = tpu.memref_slice %arg6[%add3A_382, %dma_start3A_433, %dma_start3A_440] : memref<79x2x128xi32, #tpu.memory_space<vmem>> -> memref<1x1x128xi32, #tpu.memory_space<vmem>>
          %dma_start3A_442 = tpu.memref_squeeze %dma_start3A_441 : memref<1x1x128xi32, #tpu.memory_space<vmem>> -> memref<128xi32, #tpu.memory_space<vmem>>
          %dma_start3A_443 = arith.constant 0 : i32
          %dma_start3A_444 = arith.constant 0 : i32
          %dma_start3A_445 = tpu.memref_slice %arg9[%dma_start3A_443, %dma_start3A_444] : memref<10112x32xf32, #tpu.memory_space<vmem_shared>> -> memref<10112x32xf32, #tpu.memory_space<vmem_shared>>
          %dma_start3A_446 = tpu.memref_slice %arg10[%dma_start3A_435] : memref<6x!tpu.dma_semaphore, #tpu.memory_space<semaphore_mem>> -> memref<1x!tpu.dma_semaphore, #tpu.memory_space<semaphore_mem>>
          %dma_start3A_447 = tpu.memref_squeeze %dma_start3A_446 : memref<1x!tpu.dma_semaphore, #tpu.memory_space<semaphore_mem>> -> memref<!tpu.dma_semaphore, #tpu.memory_space<semaphore_mem>>
          tpu.enqueue_indirect_dma source(%dma_start3A_445 : memref<10112x32xf32, #tpu.memory_space<vmem_shared>>) target(%dma_start3A_439 : memref<128x32xf32, #tpu.memory_space<vmem>>) offsets(%dma_start3A_442 : memref<128xi32, #tpu.memory_space<vmem>>) semaphore(%dma_start3A_447 : memref<!tpu.dma_semaphore, #tpu.memory_space<semaphore_mem>>)
        } else {
        }
        %mul3A_388 = arith.constant 6 : i32
        %mul3A_389 = arith.muli %scan3A_183, %mul3A_388 : i32
        %add3A_390 = arith.constant 5 : i32
        %add3A_391 = arith.addi %mul3A_389, %add3A_390 : i32
        %dma_wait3A_392 = arith.constant 0 : i32
        %dma_wait3A_393 = arith.constant 5 : i32
        %dma_wait3A_394 = arith.constant 5 : i32
        %dma_wait3A_395 = arith.constant 0 : i32
        %dma_wait3A_396 = arith.constant 0 : i32
        %dma_wait3A_397 = tpu.memref_slice %arg7[%dma_wait3A_393, %dma_wait3A_395, %dma_wait3A_396] : memref<6x128x32xf32, #tpu.memory_space<vmem>> -> memref<1x128x32xf32, #tpu.memory_space<vmem>>
        %dma_wait3A_398 = tpu.memref_squeeze %dma_wait3A_397 : memref<1x128x32xf32, #tpu.memory_space<vmem>> -> memref<128x32xf32, #tpu.memory_space<vmem>>
        %dma_wait3A_399 = arith.constant 0 : i32
        %dma_wait3A_400 = tpu.memref_slice %arg6[%add3A_391, %dma_wait3A_392, %dma_wait3A_399] : memref<79x2x128xi32, #tpu.memory_space<vmem>> -> memref<1x1x128xi32, #tpu.memory_space<vmem>>
        %dma_wait3A_401 = tpu.memref_squeeze %dma_wait3A_400 : memref<1x1x128xi32, #tpu.memory_space<vmem>> -> memref<128xi32, #tpu.memory_space<vmem>>
        %dma_wait3A_402 = arith.constant 0 : i32
        %dma_wait3A_403 = arith.constant 0 : i32
        %dma_wait3A_404 = tpu.memref_slice %arg9[%dma_wait3A_402, %dma_wait3A_403] : memref<10112x32xf32, #tpu.memory_space<vmem_shared>> -> memref<10112x32xf32, #tpu.memory_space<vmem_shared>>
        %dma_wait3A_405 = tpu.memref_slice %arg10[%dma_wait3A_394] : memref<6x!tpu.dma_semaphore, #tpu.memory_space<semaphore_mem>> -> memref<1x!tpu.dma_semaphore, #tpu.memory_space<semaphore_mem>>
        %dma_wait3A_406 = tpu.memref_squeeze %dma_wait3A_405 : memref<1x!tpu.dma_semaphore, #tpu.memory_space<semaphore_mem>> -> memref<!tpu.dma_semaphore, #tpu.memory_space<semaphore_mem>>
        tpu.wait_indirect_dma semaphore(%dma_wait3A_406 : memref<!tpu.dma_semaphore, #tpu.memory_space<semaphore_mem>>) src(%dma_wait3A_404 : memref<10112x32xf32, #tpu.memory_space<vmem_shared>>) dst(%dma_wait3A_398 : memref<128x32xf32, #tpu.memory_space<vmem>>)
        %dma_start3A_407 = arith.constant 5 : i32
        %dma_start3A_408 = arith.constant 1 : i32
        %dma_start3A_409 = arith.constant 5 : i32
        %dma_start3A_410 = arith.constant 0 : i32
        %dma_start3A_411 = arith.constant 0 : i32
        %dma_start3A_412 = tpu.memref_slice %arg7[%dma_start3A_407, %dma_start3A_410, %dma_start3A_411] : memref<6x128x32xf32, #tpu.memory_space<vmem>> -> memref<1x128x32xf32, #tpu.memory_space<vmem>>
        %dma_start3A_413 = tpu.memref_squeeze %dma_start3A_412 : memref<1x128x32xf32, #tpu.memory_space<vmem>> -> memref<128x32xf32, #tpu.memory_space<vmem>>
        %dma_start3A_414 = arith.constant 0 : i32
        %dma_start3A_415 = tpu.memref_slice %arg6[%add3A_391, %dma_start3A_408, %dma_start3A_414] : memref<79x2x128xi32, #tpu.memory_space<vmem>> -> memref<1x1x128xi32, #tpu.memory_space<vmem>>
        %dma_start3A_416 = tpu.memref_squeeze %dma_start3A_415 : memref<1x1x128xi32, #tpu.memory_space<vmem>> -> memref<128xi32, #tpu.memory_space<vmem>>
        %dma_start3A_417 = arith.constant 0 : i32
        %dma_start3A_418 = arith.constant 0 : i32
        %dma_start3A_419 = tpu.memref_slice %arg8[%dma_start3A_417, %dma_start3A_418] : memref<10112x32xf32, #tpu.memory_space<vmem_shared>> -> memref<10112x32xf32, #tpu.memory_space<vmem_shared>>
        %dma_start3A_420 = tpu.memref_slice %arg11[%dma_start3A_409] : memref<6x!tpu.dma_semaphore, #tpu.memory_space<semaphore_mem>> -> memref<1x!tpu.dma_semaphore, #tpu.memory_space<semaphore_mem>>
        %dma_start3A_421 = tpu.memref_squeeze %dma_start3A_420 : memref<1x!tpu.dma_semaphore, #tpu.memory_space<semaphore_mem>> -> memref<!tpu.dma_semaphore, #tpu.memory_space<semaphore_mem>>
        tpu.enqueue_indirect_dma source(%dma_start3A_413 : memref<128x32xf32, #tpu.memory_space<vmem>>) target(%dma_start3A_419 : memref<10112x32xf32, #tpu.memory_space<vmem_shared>>) offsets(%dma_start3A_416 : memref<128xi32, #tpu.memory_space<vmem>>) semaphore(%dma_start3A_421 : memref<!tpu.dma_semaphore, #tpu.memory_space<semaphore_mem>>) {add = true}
        %add3A_422 = arith.constant 4 : i32
        %add3A_423 = arith.addi %add3A_391, %add3A_422 : i32
        %lt3A_424 = arith.constant 78 : i32
        %lt3A_425 = arith.cmpi slt, %add3A_423, %lt3A_424 : i32
        %convert_element_type3A_426 = arith.extui %lt3A_425 : i1 to i32
        %cond3A_427 = arith.constant 0 : i32
        %cond3A_428 = arith.cmpi ne, %convert_element_type3A_426, %cond3A_427 : i32
        scf.if %cond3A_428 {
          %ge3A = arith.constant 6 : i32
          %ge3A_429 = arith.cmpi sge, %add3A_423, %ge3A : i32
          %convert_element_type3A_430 = arith.extui %ge3A_429 : i1 to i32
          %cond3A_431 = arith.constant 0 : i32
          %cond3A_432 = arith.cmpi ne, %convert_element_type3A_430, %cond3A_431 : i32
          scf.if %cond3A_432 {
            %sub3A = arith.constant 6 : i32
            %sub3A_448 = arith.subi %add3A_423, %sub3A : i32
            %dma_wait3A_449 = arith.constant 3 : i32
            %dma_wait3A_450 = arith.constant 1 : i32
            %dma_wait3A_451 = arith.constant 3 : i32
            %dma_wait3A_452 = arith.constant 0 : i32
            %dma_wait3A_453 = arith.constant 0 : i32
            %dma_wait3A_454 = tpu.memref_slice %arg7[%dma_wait3A_449, %dma_wait3A_452, %dma_wait3A_453] : memref<6x128x32xf32, #tpu.memory_space<vmem>> -> memref<1x128x32xf32, #tpu.memory_space<vmem>>
            %dma_wait3A_455 = tpu.memref_squeeze %dma_wait3A_454 : memref<1x128x32xf32, #tpu.memory_space<vmem>> -> memref<128x32xf32, #tpu.memory_space<vmem>>
            %dma_wait3A_456 = arith.constant 0 : i32
            %dma_wait3A_457 = tpu.memref_slice %arg6[%sub3A_448, %dma_wait3A_450, %dma_wait3A_456] : memref<79x2x128xi32, #tpu.memory_space<vmem>> -> memref<1x1x128xi32, #tpu.memory_space<vmem>>
            %dma_wait3A_458 = tpu.memref_squeeze %dma_wait3A_457 : memref<1x1x128xi32, #tpu.memory_space<vmem>> -> memref<128xi32, #tpu.memory_space<vmem>>
            %dma_wait3A_459 = arith.constant 0 : i32
            %dma_wait3A_460 = arith.constant 0 : i32
            %dma_wait3A_461 = tpu.memref_slice %arg8[%dma_wait3A_459, %dma_wait3A_460] : memref<10112x32xf32, #tpu.memory_space<vmem_shared>> -> memref<10112x32xf32, #tpu.memory_space<vmem_shared>>
            %dma_wait3A_462 = tpu.memref_slice %arg11[%dma_wait3A_451] : memref<6x!tpu.dma_semaphore, #tpu.memory_space<semaphore_mem>> -> memref<1x!tpu.dma_semaphore, #tpu.memory_space<semaphore_mem>>
            %dma_wait3A_463 = tpu.memref_squeeze %dma_wait3A_462 : memref<1x!tpu.dma_semaphore, #tpu.memory_space<semaphore_mem>> -> memref<!tpu.dma_semaphore, #tpu.memory_space<semaphore_mem>>
            tpu.wait_indirect_dma semaphore(%dma_wait3A_463 : memref<!tpu.dma_semaphore, #tpu.memory_space<semaphore_mem>>) src(%dma_wait3A_455 : memref<128x32xf32, #tpu.memory_space<vmem>>) dst(%dma_wait3A_461 : memref<10112x32xf32, #tpu.memory_space<vmem_shared>>)
          } else {
          }
          %dma_start3A_433 = arith.constant 0 : i32
          %dma_start3A_434 = arith.constant 3 : i32
          %dma_start3A_435 = arith.constant 3 : i32
          %dma_start3A_436 = arith.constant 0 : i32
          %dma_start3A_437 = arith.constant 0 : i32
          %dma_start3A_438 = tpu.memref_slice %arg7[%dma_start3A_434, %dma_start3A_436, %dma_start3A_437] : memref<6x128x32xf32, #tpu.memory_space<vmem>> -> memref<1x128x32xf32, #tpu.memory_space<vmem>>
          %dma_start3A_439 = tpu.memref_squeeze %dma_start3A_438 : memref<1x128x32xf32, #tpu.memory_space<vmem>> -> memref<128x32xf32, #tpu.memory_space<vmem>>
          %dma_start3A_440 = arith.constant 0 : i32
          %dma_start3A_441 = tpu.memref_slice %arg6[%add3A_423, %dma_start3A_433, %dma_start3A_440] : memref<79x2x128xi32, #tpu.memory_space<vmem>> -> memref<1x1x128xi32, #tpu.memory_space<vmem>>
          %dma_start3A_442 = tpu.memref_squeeze %dma_start3A_441 : memref<1x1x128xi32, #tpu.memory_space<vmem>> -> memref<128xi32, #tpu.memory_space<vmem>>
          %dma_start3A_443 = arith.constant 0 : i32
          %dma_start3A_444 = arith.constant 0 : i32
          %dma_start3A_445 = tpu.memref_slice %arg9[%dma_start3A_443, %dma_start3A_444] : memref<10112x32xf32, #tpu.memory_space<vmem_shared>> -> memref<10112x32xf32, #tpu.memory_space<vmem_shared>>
          %dma_start3A_446 = tpu.memref_slice %arg10[%dma_start3A_435] : memref<6x!tpu.dma_semaphore, #tpu.memory_space<semaphore_mem>> -> memref<1x!tpu.dma_semaphore, #tpu.memory_space<semaphore_mem>>
          %dma_start3A_447 = tpu.memref_squeeze %dma_start3A_446 : memref<1x!tpu.dma_semaphore, #tpu.memory_space<semaphore_mem>> -> memref<!tpu.dma_semaphore, #tpu.memory_space<semaphore_mem>>
          tpu.enqueue_indirect_dma source(%dma_start3A_445 : memref<10112x32xf32, #tpu.memory_space<vmem_shared>>) target(%dma_start3A_439 : memref<128x32xf32, #tpu.memory_space<vmem>>) offsets(%dma_start3A_442 : memref<128xi32, #tpu.memory_space<vmem>>) semaphore(%dma_start3A_447 : memref<!tpu.dma_semaphore, #tpu.memory_space<semaphore_mem>>)
        } else {
        }
      }
      %scan3A_87 = arith.constant 13 : i32
      %dma_wait3A = arith.constant 0 : i32
      %dma_wait3A_88 = arith.constant 72 : i32
      %dma_wait3A_89 = arith.constant 1 : i32
      %dma_wait3A_90 = arith.constant 0 : i32
      %dma_wait3A_91 = arith.constant 0 : i32
      %dma_wait3A_92 = arith.constant 0 : i32
      %dma_wait3A_93 = tpu.memref_slice %arg7[%dma_wait3A, %dma_wait3A_91, %dma_wait3A_92] : memref<6x128x32xf32, #tpu.memory_space<vmem>> -> memref<1x128x32xf32, #tpu.memory_space<vmem>>
      %dma_wait3A_94 = tpu.memref_squeeze %dma_wait3A_93 : memref<1x128x32xf32, #tpu.memory_space<vmem>> -> memref<128x32xf32, #tpu.memory_space<vmem>>
      %dma_wait3A_95 = arith.constant 0 : i32
      %dma_wait3A_96 = tpu.memref_slice %arg6[%dma_wait3A_88, %dma_wait3A_89, %dma_wait3A_95] : memref<79x2x128xi32, #tpu.memory_space<vmem>> -> memref<1x1x128xi32, #tpu.memory_space<vmem>>
      %dma_wait3A_97 = tpu.memref_squeeze %dma_wait3A_96 : memref<1x1x128xi32, #tpu.memory_space<vmem>> -> memref<128xi32, #tpu.memory_space<vmem>>
      %dma_wait3A_98 = arith.constant 0 : i32
      %dma_wait3A_99 = arith.constant 0 : i32
      %dma_wait3A_100 = tpu.memref_slice %arg8[%dma_wait3A_98, %dma_wait3A_99] : memref<10112x32xf32, #tpu.memory_space<vmem_shared>> -> memref<10112x32xf32, #tpu.memory_space<vmem_shared>>
      %dma_wait3A_101 = tpu.memref_slice %arg11[%dma_wait3A_90] : memref<6x!tpu.dma_semaphore, #tpu.memory_space<semaphore_mem>> -> memref<1x!tpu.dma_semaphore, #tpu.memory_space<semaphore_mem>>
      %dma_wait3A_102 = tpu.memref_squeeze %dma_wait3A_101 : memref<1x!tpu.dma_semaphore, #tpu.memory_space<semaphore_mem>> -> memref<!tpu.dma_semaphore, #tpu.memory_space<semaphore_mem>>
      tpu.wait_indirect_dma semaphore(%dma_wait3A_102 : memref<!tpu.dma_semaphore, #tpu.memory_space<semaphore_mem>>) src(%dma_wait3A_94 : memref<128x32xf32, #tpu.memory_space<vmem>>) dst(%dma_wait3A_100 : memref<10112x32xf32, #tpu.memory_space<vmem_shared>>)
      %dma_wait3A_103 = arith.constant 1 : i32
      %dma_wait3A_104 = arith.constant 73 : i32
      %dma_wait3A_105 = arith.constant 1 : i32
      %dma_wait3A_106 = arith.constant 1 : i32
      %dma_wait3A_107 = arith.constant 0 : i32
      %dma_wait3A_108 = arith.constant 0 : i32
      %dma_wait3A_109 = tpu.memref_slice %arg7[%dma_wait3A_103, %dma_wait3A_107, %dma_wait3A_108] : memref<6x128x32xf32, #tpu.memory_space<vmem>> -> memref<1x128x32xf32, #tpu.memory_space<vmem>>
      %dma_wait3A_110 = tpu.memref_squeeze %dma_wait3A_109 : memref<1x128x32xf32, #tpu.memory_space<vmem>> -> memref<128x32xf32, #tpu.memory_space<vmem>>
      %dma_wait3A_111 = arith.constant 0 : i32
      %dma_wait3A_112 = tpu.memref_slice %arg6[%dma_wait3A_104, %dma_wait3A_105, %dma_wait3A_111] : memref<79x2x128xi32, #tpu.memory_space<vmem>> -> memref<1x1x128xi32, #tpu.memory_space<vmem>>
      %dma_wait3A_113 = tpu.memref_squeeze %dma_wait3A_112 : memref<1x1x128xi32, #tpu.memory_space<vmem>> -> memref<128xi32, #tpu.memory_space<vmem>>
      %dma_wait3A_114 = arith.constant 0 : i32
      %dma_wait3A_115 = arith.constant 0 : i32
      %dma_wait3A_116 = tpu.memref_slice %arg8[%dma_wait3A_114, %dma_wait3A_115] : memref<10112x32xf32, #tpu.memory_space<vmem_shared>> -> memref<10112x32xf32, #tpu.memory_space<vmem_shared>>
      %dma_wait3A_117 = tpu.memref_slice %arg11[%dma_wait3A_106] : memref<6x!tpu.dma_semaphore, #tpu.memory_space<semaphore_mem>> -> memref<1x!tpu.dma_semaphore, #tpu.memory_space<semaphore_mem>>
      %dma_wait3A_118 = tpu.memref_squeeze %dma_wait3A_117 : memref<1x!tpu.dma_semaphore, #tpu.memory_space<semaphore_mem>> -> memref<!tpu.dma_semaphore, #tpu.memory_space<semaphore_mem>>
      tpu.wait_indirect_dma semaphore(%dma_wait3A_118 : memref<!tpu.dma_semaphore, #tpu.memory_space<semaphore_mem>>) src(%dma_wait3A_110 : memref<128x32xf32, #tpu.memory_space<vmem>>) dst(%dma_wait3A_116 : memref<10112x32xf32, #tpu.memory_space<vmem_shared>>)
      %dma_wait3A_119 = arith.constant 2 : i32
      %dma_wait3A_120 = arith.constant 74 : i32
      %dma_wait3A_121 = arith.constant 1 : i32
      %dma_wait3A_122 = arith.constant 2 : i32
      %dma_wait3A_123 = arith.constant 0 : i32
      %dma_wait3A_124 = arith.constant 0 : i32
      %dma_wait3A_125 = tpu.memref_slice %arg7[%dma_wait3A_119, %dma_wait3A_123, %dma_wait3A_124] : memref<6x128x32xf32, #tpu.memory_space<vmem>> -> memref<1x128x32xf32, #tpu.memory_space<vmem>>
      %dma_wait3A_126 = tpu.memref_squeeze %dma_wait3A_125 : memref<1x128x32xf32, #tpu.memory_space<vmem>> -> memref<128x32xf32, #tpu.memory_space<vmem>>
      %dma_wait3A_127 = arith.constant 0 : i32
      %dma_wait3A_128 = tpu.memref_slice %arg6[%dma_wait3A_120, %dma_wait3A_121, %dma_wait3A_127] : memref<79x2x128xi32, #tpu.memory_space<vmem>> -> memref<1x1x128xi32, #tpu.memory_space<vmem>>
      %dma_wait3A_129 = tpu.memref_squeeze %dma_wait3A_128 : memref<1x1x128xi32, #tpu.memory_space<vmem>> -> memref<128xi32, #tpu.memory_space<vmem>>
      %dma_wait3A_130 = arith.constant 0 : i32
      %dma_wait3A_131 = arith.constant 0 : i32
      %dma_wait3A_132 = tpu.memref_slice %arg8[%dma_wait3A_130, %dma_wait3A_131] : memref<10112x32xf32, #tpu.memory_space<vmem_shared>> -> memref<10112x32xf32, #tpu.memory_space<vmem_shared>>
      %dma_wait3A_133 = tpu.memref_slice %arg11[%dma_wait3A_122] : memref<6x!tpu.dma_semaphore, #tpu.memory_space<semaphore_mem>> -> memref<1x!tpu.dma_semaphore, #tpu.memory_space<semaphore_mem>>
      %dma_wait3A_134 = tpu.memref_squeeze %dma_wait3A_133 : memref<1x!tpu.dma_semaphore, #tpu.memory_space<semaphore_mem>> -> memref<!tpu.dma_semaphore, #tpu.memory_space<semaphore_mem>>
      tpu.wait_indirect_dma semaphore(%dma_wait3A_134 : memref<!tpu.dma_semaphore, #tpu.memory_space<semaphore_mem>>) src(%dma_wait3A_126 : memref<128x32xf32, #tpu.memory_space<vmem>>) dst(%dma_wait3A_132 : memref<10112x32xf32, #tpu.memory_space<vmem_shared>>)
      %dma_wait3A_135 = arith.constant 3 : i32
      %dma_wait3A_136 = arith.constant 75 : i32
      %dma_wait3A_137 = arith.constant 1 : i32
      %dma_wait3A_138 = arith.constant 3 : i32
      %dma_wait3A_139 = arith.constant 0 : i32
      %dma_wait3A_140 = arith.constant 0 : i32
      %dma_wait3A_141 = tpu.memref_slice %arg7[%dma_wait3A_135, %dma_wait3A_139, %dma_wait3A_140] : memref<6x128x32xf32, #tpu.memory_space<vmem>> -> memref<1x128x32xf32, #tpu.memory_space<vmem>>
      %dma_wait3A_142 = tpu.memref_squeeze %dma_wait3A_141 : memref<1x128x32xf32, #tpu.memory_space<vmem>> -> memref<128x32xf32, #tpu.memory_space<vmem>>
      %dma_wait3A_143 = arith.constant 0 : i32
      %dma_wait3A_144 = tpu.memref_slice %arg6[%dma_wait3A_136, %dma_wait3A_137, %dma_wait3A_143] : memref<79x2x128xi32, #tpu.memory_space<vmem>> -> memref<1x1x128xi32, #tpu.memory_space<vmem>>
      %dma_wait3A_145 = tpu.memref_squeeze %dma_wait3A_144 : memref<1x1x128xi32, #tpu.memory_space<vmem>> -> memref<128xi32, #tpu.memory_space<vmem>>
      %dma_wait3A_146 = arith.constant 0 : i32
      %dma_wait3A_147 = arith.constant 0 : i32
      %dma_wait3A_148 = tpu.memref_slice %arg8[%dma_wait3A_146, %dma_wait3A_147] : memref<10112x32xf32, #tpu.memory_space<vmem_shared>> -> memref<10112x32xf32, #tpu.memory_space<vmem_shared>>
      %dma_wait3A_149 = tpu.memref_slice %arg11[%dma_wait3A_138] : memref<6x!tpu.dma_semaphore, #tpu.memory_space<semaphore_mem>> -> memref<1x!tpu.dma_semaphore, #tpu.memory_space<semaphore_mem>>
      %dma_wait3A_150 = tpu.memref_squeeze %dma_wait3A_149 : memref<1x!tpu.dma_semaphore, #tpu.memory_space<semaphore_mem>> -> memref<!tpu.dma_semaphore, #tpu.memory_space<semaphore_mem>>
      tpu.wait_indirect_dma semaphore(%dma_wait3A_150 : memref<!tpu.dma_semaphore, #tpu.memory_space<semaphore_mem>>) src(%dma_wait3A_142 : memref<128x32xf32, #tpu.memory_space<vmem>>) dst(%dma_wait3A_148 : memref<10112x32xf32, #tpu.memory_space<vmem_shared>>)
      %dma_wait3A_151 = arith.constant 4 : i32
      %dma_wait3A_152 = arith.constant 76 : i32
      %dma_wait3A_153 = arith.constant 1 : i32
      %dma_wait3A_154 = arith.constant 4 : i32
      %dma_wait3A_155 = arith.constant 0 : i32
      %dma_wait3A_156 = arith.constant 0 : i32
      %dma_wait3A_157 = tpu.memref_slice %arg7[%dma_wait3A_151, %dma_wait3A_155, %dma_wait3A_156] : memref<6x128x32xf32, #tpu.memory_space<vmem>> -> memref<1x128x32xf32, #tpu.memory_space<vmem>>
      %dma_wait3A_158 = tpu.memref_squeeze %dma_wait3A_157 : memref<1x128x32xf32, #tpu.memory_space<vmem>> -> memref<128x32xf32, #tpu.memory_space<vmem>>
      %dma_wait3A_159 = arith.constant 0 : i32
      %dma_wait3A_160 = tpu.memref_slice %arg6[%dma_wait3A_152, %dma_wait3A_153, %dma_wait3A_159] : memref<79x2x128xi32, #tpu.memory_space<vmem>> -> memref<1x1x128xi32, #tpu.memory_space<vmem>>
      %dma_wait3A_161 = tpu.memref_squeeze %dma_wait3A_160 : memref<1x1x128xi32, #tpu.memory_space<vmem>> -> memref<128xi32, #tpu.memory_space<vmem>>
      %dma_wait3A_162 = arith.constant 0 : i32
      %dma_wait3A_163 = arith.constant 0 : i32
      %dma_wait3A_164 = tpu.memref_slice %arg8[%dma_wait3A_162, %dma_wait3A_163] : memref<10112x32xf32, #tpu.memory_space<vmem_shared>> -> memref<10112x32xf32, #tpu.memory_space<vmem_shared>>
      %dma_wait3A_165 = tpu.memref_slice %arg11[%dma_wait3A_154] : memref<6x!tpu.dma_semaphore, #tpu.memory_space<semaphore_mem>> -> memref<1x!tpu.dma_semaphore, #tpu.memory_space<semaphore_mem>>
      %dma_wait3A_166 = tpu.memref_squeeze %dma_wait3A_165 : memref<1x!tpu.dma_semaphore, #tpu.memory_space<semaphore_mem>> -> memref<!tpu.dma_semaphore, #tpu.memory_space<semaphore_mem>>
      tpu.wait_indirect_dma semaphore(%dma_wait3A_166 : memref<!tpu.dma_semaphore, #tpu.memory_space<semaphore_mem>>) src(%dma_wait3A_158 : memref<128x32xf32, #tpu.memory_space<vmem>>) dst(%dma_wait3A_164 : memref<10112x32xf32, #tpu.memory_space<vmem_shared>>)
      %dma_wait3A_167 = arith.constant 5 : i32
      %dma_wait3A_168 = arith.constant 77 : i32
      %dma_wait3A_169 = arith.constant 1 : i32
      %dma_wait3A_170 = arith.constant 5 : i32
      %dma_wait3A_171 = arith.constant 0 : i32
      %dma_wait3A_172 = arith.constant 0 : i32
      %dma_wait3A_173 = tpu.memref_slice %arg7[%dma_wait3A_167, %dma_wait3A_171, %dma_wait3A_172] : memref<6x128x32xf32, #tpu.memory_space<vmem>> -> memref<1x128x32xf32, #tpu.memory_space<vmem>>
      %dma_wait3A_174 = tpu.memref_squeeze %dma_wait3A_173 : memref<1x128x32xf32, #tpu.memory_space<vmem>> -> memref<128x32xf32, #tpu.memory_space<vmem>>
      %dma_wait3A_175 = arith.constant 0 : i32
      %dma_wait3A_176 = tpu.memref_slice %arg6[%dma_wait3A_168, %dma_wait3A_169, %dma_wait3A_175] : memref<79x2x128xi32, #tpu.memory_space<vmem>> -> memref<1x1x128xi32, #tpu.memory_space<vmem>>
      %dma_wait3A_177 = tpu.memref_squeeze %dma_wait3A_176 : memref<1x1x128xi32, #tpu.memory_space<vmem>> -> memref<128xi32, #tpu.memory_space<vmem>>
      %dma_wait3A_178 = arith.constant 0 : i32
      %dma_wait3A_179 = arith.constant 0 : i32
      %dma_wait3A_180 = tpu.memref_slice %arg8[%dma_wait3A_178, %dma_wait3A_179] : memref<10112x32xf32, #tpu.memory_space<vmem_shared>> -> memref<10112x32xf32, #tpu.memory_space<vmem_shared>>
      %dma_wait3A_181 = tpu.memref_slice %arg11[%dma_wait3A_170] : memref<6x!tpu.dma_semaphore, #tpu.memory_space<semaphore_mem>> -> memref<1x!tpu.dma_semaphore, #tpu.memory_space<semaphore_mem>>
      %dma_wait3A_182 = tpu.memref_squeeze %dma_wait3A_181 : memref<1x!tpu.dma_semaphore, #tpu.memory_space<semaphore_mem>> -> memref<!tpu.dma_semaphore, #tpu.memory_space<semaphore_mem>>
      tpu.wait_indirect_dma semaphore(%dma_wait3A_182 : memref<!tpu.dma_semaphore, #tpu.memory_space<semaphore_mem>>) src(%dma_wait3A_174 : memref<128x32xf32, #tpu.memory_space<vmem>>) dst(%dma_wait3A_180 : memref<10112x32xf32, #tpu.memory_space<vmem_shared>>)
    } else {
    }
    %barrier3A = arith.constant 0 : index
    tpu.barrier barrier_id(%barrier3A)
    %mul3A_12 = arith.constant 632 : i32
    %mul3A_13 = arith.muli %arg1, %mul3A_12 : i32
    %mul3A_14 = arith.constant 632 : i32
    %mul3A_15 = arith.muli %arg1, %mul3A_14 : i32
    "tpu.region"() ({
      %run_scoped3A = tpu.sem_alloc : memref<!tpu.dma_semaphore, #tpu.memory_space<semaphore_mem>>
      %dma_start3A = arith.constant 0 : i32
      %dma_start3A_16 = arith.constant 0 : i32
      %dma_start3A_17 = tpu.memref_slice %arg5[%arg0, %dma_start3A, %dma_start3A_16] : memref<2x10112x32xf32, #tpu.memory_space<hbm>> -> memref<1x10112x32xf32, #tpu.memory_space<hbm>>
      %dma_start3A_18 = tpu.memref_squeeze %dma_start3A_17 : memref<1x10112x32xf32, #tpu.memory_space<hbm>> -> memref<10112x32xf32, #tpu.memory_space<hbm>>
      %dma_start3A_19 = arith.constant 0 : i32
      %dma_start3A_20 = tpu.memref_slice %dma_start3A_18[%mul3A_15, %dma_start3A_19] : memref<10112x32xf32, #tpu.memory_space<hbm>> -> memref<632x32xf32, #tpu.memory_space<hbm>>
      %dma_start3A_21 = arith.constant 0 : i32
      %dma_start3A_22 = tpu.memref_slice %arg8[%mul3A_13, %dma_start3A_21] : memref<10112x32xf32, #tpu.memory_space<vmem_shared>> -> memref<632x32xf32, #tpu.memory_space<vmem_shared>>
      tpu.enqueue_dma source(%dma_start3A_22 : memref<632x32xf32, #tpu.memory_space<vmem_shared>>) target(%dma_start3A_20 : memref<632x32xf32, #tpu.memory_space<hbm>>) target_semaphore(%run_scoped3A : memref<!tpu.dma_semaphore, #tpu.memory_space<semaphore_mem>>)
      %dma_wait3A = arith.constant 0 : i32
      %dma_wait3A_23 = arith.constant 0 : i32
      %dma_wait3A_24 = tpu.memref_slice %arg5[%arg0, %dma_wait3A, %dma_wait3A_23] : memref<2x10112x32xf32, #tpu.memory_space<hbm>> -> memref<1x10112x32xf32, #tpu.memory_space<hbm>>
      %dma_wait3A_25 = tpu.memref_squeeze %dma_wait3A_24 : memref<1x10112x32xf32, #tpu.memory_space<hbm>> -> memref<10112x32xf32, #tpu.memory_space<hbm>>
      %dma_wait3A_26 = arith.constant 0 : i32
      %dma_wait3A_27 = tpu.memref_slice %dma_wait3A_25[%mul3A_15, %dma_wait3A_26] : memref<10112x32xf32, #tpu.memory_space<hbm>> -> memref<632x32xf32, #tpu.memory_space<hbm>>
      %dma_wait3A_28 = arith.constant 0 : i32
      %dma_wait3A_29 = tpu.memref_slice %arg8[%mul3A_13, %dma_wait3A_28] : memref<10112x32xf32, #tpu.memory_space<vmem_shared>> -> memref<632x32xf32, #tpu.memory_space<vmem_shared>>
      tpu.wait_dma2 semaphore(%run_scoped3A : memref<!tpu.dma_semaphore, #tpu.memory_space<semaphore_mem>>) src(%dma_wait3A_29 : memref<632x32xf32, #tpu.memory_space<vmem_shared>>) dst(%dma_wait3A_27 : memref<632x32xf32, #tpu.memory_space<hbm>>)
      tpu.yield
    }) : () -> ()
    return
  }
}

module attributes {stable_mosaic.version = 14 : i64} {
  func.func @_tc_body(%arg0: memref<32x128xf32, #tpu.memory_space<vmem>>, %arg1: memref<32x128xf32, #tpu.memory_space<vmem>>, %arg2: memref<10000x128xf32, #tpu.memory_space<vmem>>, %arg3: memref<2x10112x32xf32, #tpu.memory_space<vmem>>, %arg4: memref<32x128xf32, #tpu.memory_space<vmem>>, %arg5: memref<32x10000xf32, #tpu.memory_space<vmem>>) attributes {dimension_semantics = [], scalar_prefetch = 0 : i64, scratch_operands = 0 : i64, tpu.core_type = #tpu.core_type<tc>} {
    %get3A = arith.constant 0 : index
    %get3A_0 = arith.constant 0 : index
    %get3A_1 = vector.load %arg0[%get3A, %get3A_0] : memref<32x128xf32, #tpu.memory_space<vmem>>, vector<32x128xf32>
    %get3A_2 = arith.constant 0 : index
    %get3A_3 = arith.constant 0 : index
    %get3A_4 = vector.load %arg1[%get3A_2, %get3A_3] : memref<32x128xf32, #tpu.memory_space<vmem>>, vector<32x128xf32>
    %add3A = arith.addf %get3A_1, %get3A_4 : vector<32x128xf32>
    %get3A_5 = arith.constant 0 : index
    %get3A_6 = arith.constant 0 : index
    %get3A_7 = vector.load %arg2[%get3A_5, %get3A_6] : memref<10000x128xf32, #tpu.memory_space<vmem>>, vector<10000x128xf32>
    %dot_general3A = arith.constant dense<0.000000e+00> : vector<32x10000xf32>
    %dot_general3A_8 = tpu.matmul %add3A, %get3A_7, %dot_general3A {dimension_numbers = #tpu.dot_dimension_numbers<[1], [1], [0], [0], [0, 0, 1, 0], [], []>, transpose_lhs_hint = false} : vector<32x128xf32>, vector<10000x128xf32>, vector<32x10000xf32> -> vector<32x10000xf32>
    %reduce_max3A = arith.constant dense<0xFF800000> : vector<32xf32>
    %reduce_max3A_9 = vector.multi_reduction <maximumf>, %dot_general3A_8, %reduce_max3A [1] : vector<32x10000xf32> to vector<32xf32>
    %broadcast_in_dim3A = vector.shape_cast %reduce_max3A_9 : vector<32xf32> to vector<32x1xf32>
    %sub3A = vector.broadcast %broadcast_in_dim3A : vector<32x1xf32> to vector<32x10000xf32>
    %sub3A_10 = arith.subf %dot_general3A_8, %sub3A : vector<32x10000xf32>
    %exp3A = math.exp %sub3A_10 : vector<32x10000xf32>
    %reduce_sum3A = arith.constant dense<0.000000e+00> : vector<32xf32>
    %reduce_sum3A_11 = vector.multi_reduction <add>, %exp3A, %reduce_sum3A [1] : vector<32x10000xf32> to vector<32xf32>
    %broadcast_in_dim3A_12 = vector.shape_cast %reduce_sum3A_11 : vector<32xf32> to vector<32x1xf32>
    %div3A = vector.broadcast %broadcast_in_dim3A_12 : vector<32x1xf32> to vector<32x10000xf32>
    %div3A_13 = arith.divf %exp3A, %div3A : vector<32x10000xf32>
    %get3A_14 = arith.constant 0 : index
    %get3A_15 = arith.constant 0 : index
    %get3A_16 = arith.constant 0 : index
    %get3A_17 = vector.load %arg3[%get3A_14, %get3A_15, %get3A_16] : memref<2x10112x32xf32, #tpu.memory_space<vmem>>, vector<1x10112x32xf32>
    %get3A_18 = vector.shape_cast %get3A_17 : vector<1x10112x32xf32> to vector<10112x32xf32>
    %get3A_19 = arith.constant 1 : index
    %get3A_20 = arith.constant 0 : index
    %get3A_21 = arith.constant 0 : index
    %get3A_22 = vector.load %arg3[%get3A_19, %get3A_20, %get3A_21] : memref<2x10112x32xf32, #tpu.memory_space<vmem>>, vector<1x10112x32xf32>
    %get3A_23 = vector.shape_cast %get3A_22 : vector<1x10112x32xf32> to vector<10112x32xf32>
    %add3A_24 = arith.addf %get3A_18, %get3A_23 : vector<10112x32xf32>
    %transpose3A = tpu.transpose %add3A_24, [1, 0] : vector<10112x32xf32> -> vector<32x10112xf32>
    %slice3A = vector.extract_strided_slice %transpose3A {offsets = [0, 0], sizes = [32, 10000], strides = [1, 1]} : vector<32x10112xf32> to vector<32x10000xf32>
    %lt3A = arith.constant 9.99999982E-15 : f32
    %lt3A_25 = vector.broadcast %lt3A : f32 to vector<32x10000xf32>
    %lt3A_26 = arith.cmpf olt, %slice3A, %lt3A_25 : vector<32x10000xf32>
    %jit3A = arith.constant 0.000000e+00 : f32
    %broadcast_in_dim3A_27 = vector.broadcast %jit3A : f32 to vector<32x10000xf32>
    %select_n3A = arith.select %lt3A_26, %broadcast_in_dim3A_27, %slice3A : vector<32x10000xi1>, vector<32x10000xf32>
    %reduce_sum3A_28 = arith.constant dense<0.000000e+00> : vector<32xf32>
    %reduce_sum3A_29 = vector.multi_reduction <add>, %select_n3A, %reduce_sum3A_28 [1] : vector<32x10000xf32> to vector<32xf32>
    %broadcast_in_dim3A_30 = vector.shape_cast %reduce_sum3A_29 : vector<32xf32> to vector<32x1xf32>
    %max3A = arith.constant 9.99999982E-15 : f32
    %max3A_31 = vector.broadcast %max3A : f32 to vector<32x1xf32>
    %max3A_32 = arith.maximumf %max3A_31, %broadcast_in_dim3A_30 : vector<32x1xf32>
    %div3A_33 = vector.broadcast %max3A_32 : vector<32x1xf32> to vector<32x10000xf32>
    %div3A_34 = arith.divf %select_n3A, %div3A_33 : vector<32x10000xf32>
    %add3A_35 = arith.addf %div3A_34, %div3A_13 : vector<32x10000xf32>
    %lt3A_36 = arith.constant 9.99999982E-15 : f32
    %lt3A_37 = vector.broadcast %lt3A_36 : f32 to vector<32x10000xf32>
    %lt3A_38 = arith.cmpf olt, %add3A_35, %lt3A_37 : vector<32x10000xf32>
    %jit3A_39 = arith.constant 0.000000e+00 : f32
    %broadcast_in_dim3A_40 = vector.broadcast %jit3A_39 : f32 to vector<32x10000xf32>
    %select_n3A_41 = arith.select %lt3A_38, %broadcast_in_dim3A_40, %add3A_35 : vector<32x10000xi1>, vector<32x10000xf32>
    %reduce_sum3A_42 = arith.constant dense<0.000000e+00> : vector<32xf32>
    %reduce_sum3A_43 = vector.multi_reduction <add>, %select_n3A_41, %reduce_sum3A_42 [1] : vector<32x10000xf32> to vector<32xf32>
    %broadcast_in_dim3A_44 = vector.shape_cast %reduce_sum3A_43 : vector<32xf32> to vector<32x1xf32>
    %max3A_45 = arith.constant 9.99999982E-15 : f32
    %max3A_46 = vector.broadcast %max3A_45 : f32 to vector<32x1xf32>
    %max3A_47 = arith.maximumf %max3A_46, %broadcast_in_dim3A_44 : vector<32x1xf32>
    %div3A_48 = vector.broadcast %max3A_47 : vector<32x1xf32> to vector<32x10000xf32>
    %div3A_49 = arith.divf %select_n3A_41, %div3A_48 : vector<32x10000xf32>
    %lt3A_50 = arith.constant 9.99999982E-15 : f32
    %lt3A_51 = vector.broadcast %lt3A_50 : f32 to vector<32x10000xf32>
    %lt3A_52 = arith.cmpf olt, %div3A_49, %lt3A_51 : vector<32x10000xf32>
    %jit3A_53 = arith.constant 0.000000e+00 : f32
    %broadcast_in_dim3A_54 = vector.broadcast %jit3A_53 : f32 to vector<32x10000xf32>
    %select_n3A_55 = arith.select %lt3A_52, %broadcast_in_dim3A_54, %div3A_49 : vector<32x10000xi1>, vector<32x10000xf32>
    %reduce_sum3A_56 = arith.constant dense<0.000000e+00> : vector<32xf32>
    %reduce_sum3A_57 = vector.multi_reduction <add>, %select_n3A_55, %reduce_sum3A_56 [1] : vector<32x10000xf32> to vector<32xf32>
    %broadcast_in_dim3A_58 = vector.shape_cast %reduce_sum3A_57 : vector<32xf32> to vector<32x1xf32>
    %max3A_59 = arith.constant 9.99999982E-15 : f32
    %max3A_60 = vector.broadcast %max3A_59 : f32 to vector<32x1xf32>
    %max3A_61 = arith.maximumf %max3A_60, %broadcast_in_dim3A_58 : vector<32x1xf32>
    %div3A_62 = vector.broadcast %max3A_61 : vector<32x1xf32> to vector<32x10000xf32>
    %div3A_63 = arith.divf %select_n3A_55, %div3A_62 : vector<32x10000xf32>
    %swap3A = arith.constant 0 : index
    %swap3A_64 = arith.constant 0 : index
    %swap3A_65 = vector.load %arg5[%swap3A, %swap3A_64] : memref<32x10000xf32, #tpu.memory_space<vmem>>, vector<32x10000xf32>
    tpu.vector_store %arg5[%swap3A, %swap3A_64], %div3A_63 {strides = array<i32>} : memref<32x10000xf32, #tpu.memory_space<vmem>>, vector<32x10000xf32>,
    %dot_general3A_66 = arith.constant dense<0.000000e+00> : vector<32x128xf32>
    %dot_general3A_67 = tpu.matmul %div3A_63, %get3A_7, %dot_general3A_66 {dimension_numbers = #tpu.dot_dimension_numbers<[1], [0], [0], [1], [0, 0, 1, 1], [], []>, transpose_lhs_hint = false} : vector<32x10000xf32>, vector<10000x128xf32>, vector<32x128xf32> -> vector<32x128xf32>
    %swap3A_68 = arith.constant 0 : index
    %swap3A_69 = arith.constant 0 : index
    %swap3A_70 = vector.load %arg4[%swap3A_68, %swap3A_69] : memref<32x128xf32, #tpu.memory_space<vmem>>, vector<32x128xf32>
    tpu.vector_store %arg4[%swap3A_68, %swap3A_69], %dot_general3A_67 {strides = array<i32>} : memref<32x128xf32, #tpu.memory_space<vmem>>, vector<32x128xf32>,
    return
  }
}

</mosaic_0001>

<sc_bundles>
// kernel: kernel.4.cloned.1.call-start
scs
__scs_entry_jumppad:
0x0: {  	(pc) =	sbr.rel $0x88, $3  }
0x1: {  	(tag) =	ssettag $0x0;
	lr =	simm.s32 $0x1  }
0x2: {  	[smem:$0x3F9C] =	sst lr;
	_ =	strace $0xD0000000  }
0x3: {  	_ = 	snop  }
0x4: {  	_ = 	snop  }
0x5: {  	_ = 	snop  }
0x6: {  	_ = 	snop  }
0x7: {  	_ = 	snop  }
__scs_overlays_trampoline_lowered:
0x8: {  	[smem:$0x3FAB] =	sst s0  }
0x9: {  	[smem:$0x3FAC] =	sst s1  }
0xa: {  	[smem:$0x3FAD] =	sst s2  }
0xb: {  	[smem:$0x3FAE] =	sst s3  }
0xc: {  	[smem:$0x3FAF] =	sst s4  }
0xd: {  	[smem:$0x3FB0] =	sst s5  }
0xe: {  	[smem:$0x3FB1] =	sst s6  }
0xf: {  	[smem:$0x3FB2] =	sst s7  }
0x10: {  	[smem:$0x3FB3] =	sst s8  }
0x11: {  	[smem:$0x3FB4] =	sst s9;
	s0 =	simm.s32 @!p0 $0x0  }
0x12: {  	s1 =	sld [smem:$0x3F9A];
	s0 =	simm.s32 @p0 $0x1  }
0x13: {  	[smem:$0x3FB5] =	sst s0;
	s0 =	simm.s32 @!p1 $0x0  }
0x14: {  	s2 =	sld [smem:$0x3F99];
	s0 =	simm.s32 @p1 $0x1  }
0x15: {  	[smem:$0x3FB6] =	sst s0;
	s0 =	simm.s32 @!p2 $0x0  }
0x16: {  	s3 =	sld [smem:$0x3FDB];
	s0 =	simm.s32 @p2 $0x1  }
0x17: {  	s4 =	simm.s32 $0x1BF5;
	[smem:$0x3FB8] =	sst s0  }
0x18: {  	s0 =	sld [smem:$0x3F9B];
	_ =	swait.ge [sflag:s4], $0x0  }
0x19: {  	s7 =	sld [smem:$0x3F9C]  }
0x1a: {  	s8 =	sadd.s32 $0xFFFFE003, lr  }
0x1b: {  	s9 =	sadd.s32 $0xFFFFFEF7, lr;
	s5 =	simm.s32 $0xFFFFFFFF;
	p2 =	slt.u32 s8, $0xFFFFF086  }
0x1c: {  	p1 =	slt.u32 s9, $0xF7A;
	s5 =	simm.s32 @!p2 $0x0  }
0x1d: {  	s5 =	simm.s32 @p1 $0x1;
	p0 =	seq.s32 s7, s2  }
0x1e: {  	s7 =	smul.u32 @!p0 $0xF7A, s2;
	p2 =	seq.s32 @!p0 s5, $0x0  }
0x1f: {  	s9 =	smul.u32 $0xF7A, s1;
	s8 =	simm.s32 @!p0 $0x1BF5;
	p2 =	por !p2, p0  }
0x20: {  	[sflag:s8] =	ssyncset.s32 @!p0 $0xFFFFF086;
	s6 =	sadd.s32 @!p0 s3, s7;
	s7 =	simm.s32 @!p0 $0x108  }
0x21: {  	s3 =	sadd.s32 s3, s9;
	s6 =	sadd.s32 @!p0 $0x88, s6;
	s7 =	simm.s32 @p2 $0x1082  }
0x22: {  	[simem:s7], [sflag:s8] =	dma.local @!p0 [hbm:s6], $0xF7A  }
0x23: {  	s9 =	sor.u32 $0xD0000000, s2;
	s6 =	simm.s32 $0x108;
	_ =	swait.ge @!p0 [sflag:s8], $0x0  }
0x24: {  	s3 =	sadd.s32 $0x88, s3;
	s6 =	simm.s32 @!p1 $0x1082;
	[sflag:s4] =	ssyncset.s32 $0xFFFFF086  }
0x25: {  	[simem:s6], [sflag:s4] =	dma.local [hbm:s3], $0xF7A  }
0x26: {  	[smem:$0x3F9C] =	sst s1;
	(tag) =	ssettag s2;
	_ =	strace s9  }
0x27: {  	s1 =	sld [smem:$0x3FAC]  }
0x28: {  	s2 =	sld [smem:$0x3FAD]  }
0x29: {  	s4 =	sld [smem:$0x3FAF]  }
0x2a: {  	p0 =	seq.s32 s5, $0x0;
	s5 =	sld [smem:$0x3FB0]  }
0x2b: {  	s6 =	sld [smem:$0x3FB1]  }
0x2c: {  	s7 =	sld [smem:$0x3FB2]  }
0x2d: {  	s3 =	simm.s32 $0x108;
	s8 =	sld [smem:$0x3FB3]  }
0x2e: {  	s3 =	simm.s32 @!p0 $0x1082;
	s9 =	sld [smem:$0x3FB4]  }
0x2f: {  	lr =	sadd.s32 s0, s3;
	s0 =	sld [smem:$0x3FAB]  }
0x30: {  	s3 =	sld [smem:$0x3FAE]  }
0x31: {  	[smem:$0x3FB7] =	sst s10  }
0x32: {  	s10 =	sld [smem:$0x3FB5];
	_ =	sdelay $0x3  }
0x33: {  	p0 =	seq.s32 s10, $0x1;
	s10 =	sld [smem:$0x3FB7];
	_ =	sdelay $0x3  }
0x34: {  	[smem:$0x3FB7] =	sst s10  }
0x35: {  	s10 =	sld [smem:$0x3FB6];
	_ =	sdelay $0x3  }
0x36: {  	p1 =	seq.s32 s10, $0x1;
	s10 =	sld [smem:$0x3FB7];
	_ =	sdelay $0x3  }
0x37: {  	[smem:$0x3FB7] =	sst s10  }
0x38: {  	s10 =	sld [smem:$0x3FB8]  }
0x39: {  	_ = 	snop;
	(pc) =	sbr.ind lr, $3  }
0x3a: {  	_ = 	snop  }
0x3b: {  	_ = 	snop  }
0x3c: {  	p2 =	seq.s32 s10, $0x1;
	s10 =	sld [smem:$0x3FB7]  }
0x3d: {  	_ =	shalt  }
0x3e: {  	_ =	shalt  }
0x3f: {  	_ =	shalt  }
0x40: {  	_ =	shalt  }
0x41: {  	_ =	shalt  }
0x42: {  	_ =	shalt  }
0x43: {  	_ =	shalt  }
0x44: {  	_ =	shalt  }
0x45: {  	_ =	shalt  }
0x46: {  	_ =	shalt  }
0x47: {  	_ =	shalt  }
0x48: {  	_ =	shalt  }
0x49: {  	_ =	shalt  }
0x4a: {  	_ =	shalt  }
0x4b: {  	_ =	shalt  }
0x4c: {  	_ =	shalt  }
0x4d: {  	_ =	shalt  }
0x4e: {  	_ =	shalt  }
0x4f: {  	_ =	shalt  }
0x50: {  	_ =	shalt  }
0x51: {  	_ =	shalt  }
0x52: {  	_ =	shalt  }
0x53: {  	_ =	shalt  }
0x54: {  	_ =	shalt  }
0x55: {  	_ =	shalt  }
0x56: {  	_ =	shalt  }
0x57: {  	_ =	shalt  }
0x58: {  	_ =	shalt  }
0x59: {  	_ =	shalt  }
0x5a: {  	_ =	shalt  }
0x5b: {  	_ =	shalt  }
0x5c: {  	_ =	shalt  }
0x5d: {  	_ =	shalt  }
0x5e: {  	_ =	shalt  }
0x5f: {  	_ =	shalt  }
0x60: {  	_ =	shalt  }
0x61: {  	_ =	shalt  }
0x62: {  	_ =	shalt  }
0x63: {  	_ =	shalt  }
0x64: {  	_ =	shalt  }
0x65: {  	_ =	shalt  }
0x66: {  	_ =	shalt  }
0x67: {  	_ =	shalt  }
0x68: {  	_ =	shalt  }
0x69: {  	_ =	shalt  }
0x6a: {  	_ =	shalt  }
0x6b: {  	_ =	shalt  }
0x6c: {  	_ =	shalt  }
0x6d: {  	_ =	shalt  }
0x6e: {  	_ =	shalt  }
0x6f: {  	_ =	shalt  }
0x70: {  	_ =	shalt  }
0x71: {  	_ =	shalt  }
0x72: {  	_ =	shalt  }
0x73: {  	_ =	shalt  }
0x74: {  	_ =	shalt  }
0x75: {  	_ =	shalt  }
0x76: {  	_ =	shalt  }
0x77: {  	_ =	shalt  }
0x78: {  	_ =	shalt  }
0x79: {  	_ =	shalt  }
0x7a: {  	_ =	shalt  }
0x7b: {  	_ =	shalt  }
0x7c: {  	_ =	shalt  }
0x7d: {  	_ =	shalt  }
0x7e: {  	_ =	shalt  }
0x7f: {  	_ =	shalt  }
0x80: {  	_ =	shalt  }
0x81: {  	_ =	shalt  }
0x82: {  	_ =	shalt  }
0x83: {  	_ =	shalt  }
0x84: {  	_ =	shalt  }
0x85: {  	_ =	shalt  }
0x86: {  	_ =	shalt  }
0x87: {  	_ =	shalt  }
.Lfunc_end0:
.L_simem_size_0:
called_computation_lowered:
.L_overlay_start_0:
0x88: {  	s2 =	sld [smem:$0x3FD9]  }
0x89: {  	s3 =	sld [smem:$0x3FFE];
	_ =	sdelay $0x1  }
0x8a: {  	s1 =	srdreg.scid  }
0x8b: {  	s0 =	sand.u32 $0x1, s1  }
0x8c: {  	s14 =	sshll.u32 s0, $0xA;
	s2 =	sadd.s32 s3, s2  }
0x8d: {  	s2 =	sadd.s32 s2, s14  }
0x8e: {  	[smem:$0x3FC3] =	sst s2  }
0x8f: {  	_ = 	snop  }
0x90: {  	s2 =	sld [smem:$0x3FD0];
	_ =	sdelay $0x2  }
0x91: {  	s4 =	simm.s32 $0xA;
	s5 =	simm.s32 $0x10;
	s15 =	sld [smem:$0x3FC5]  }
0x92: {  	[smem:s5], [sflag:s4] =	dma.local [hbm:s2], $0x1  }
0x93: {  	_ =	swait.eq [sflag:s4], $0x1  }
0x94: {  	[sflag:s4] =	ssyncset.done $0x0  }
0x95: {  	[sflag:s4] =	ssyncadd.s32 $0xFFFFFFFF  }
0x96: {  	s16 =	sld [smem:$0x11];
	(tm) =	ssettm $0x1  }
0x97: {  	s17 =	sld [smem:$0x3FFB];
	_ =	sdelay $0x3  }
0x98: {  	_ =	strace s17  }
0x99: {  	s4 =	sld [smem:$0x3FFC];
	_ =	sdelay $0x3  }
0x9a: {  	_ =	strace s4  }
0x9b: {  	s4 =	sld [smem:$0x3FFD];
	_ =	sdelay $0x3  }
0x9c: {  	_ =	strace s4  }
0x9d: {  	_ =	strace $0x8FFFFFFF  }
0x9e: {  	s18 =	sld [smem:$0x3FDB];
	_ =	sdelay $0x1  }
0x9f: {  	s19 =	simm.s32 $_scs_section_size  }
0xa0: {  	s6 =	simm.s32 $_size__tile_overlayer_lowered;
	s7 =	simm.s32 $_tile_overlayer_lowered  }
0xa1: {  	s22 =	simm.s32 $0x1BFF;
	s21 =	sshll.u32 s7, $0x1;
	s4 =	sadd.s32 s19, s18  }
0xa2: {  	s8 =	simm.s32 $0x0;
	s20 =	sshll.u32 s6, $0x1;
	s6 =	sadd.s32 s21, s4  }
0xa3: {  	[timem:s8], [sflag:s22] =	dma.local [hbm:s6], s20  }
0xa4: {  	_ =	swait.ge [sflag:s22], s20  }
0xa5: {  	s5 =	ssub.s32 $0x0, s20;
	[sflag:s22] =	ssyncset.done $0x0  }
0xa6: {  	[sflag:s22] =	ssyncadd.s32 s5;
	_ =	sdelay $0x1  }
0xa7: {  	s23 =	simm.s32 $0x1B8B  }
0xa8: {  	_ =	swait.ge [sflag:s23], $0x1  }
0xa9: {  	[sflag:s23] =	ssyncset.done $0x0  }
0xaa: {  	s25 =	simm.s32 $0x1B8E;
	s24 =	sld [smem:$0x3FFE];
	[sflag:s23] =	ssyncadd.s32 $0xFFFFFFFF  }
0xab: {  	s26 =	simm.s32 $execute0_lowered;
	[smem:$0x3FD2] =	sst s25  }
0xac: {  	s6 =	sshll.u32 s26, $0x1;
	_ =	strace $0x80000046;
	[dreg:$0x1] =	wrdreg $0xFFFFFFFF  }
0xad: {  	s28 =	simm.s32 $_size_execute0_lowered;
	s4 =	sadd.s32 s4, s6;
	[dreg:$0x0] =	wrdreg $0x0  }
0xae: {  	s6 =	sshll.u32 s28, $0x1;
	[dreg:$0x2] =	wrdreg s4  }
0xaf: {  	[dreg:$0x3] =	wrdreg s6  }
0xb0: {  	[dreg:$0x4] =	wrdreg $0xC0  }
0xb1: {  	_ =	task [dreg:s8], $0x5FFFF  }
0xb2: {  	[dreg:$0x1] =	wrdreg $0xFFFFFFFF  }
0xb3: {  	[dreg:$0x0] =	wrdreg $0x60  }
0xb4: {  	[dreg:$0x2] =	wrdreg s16  }
0xb5: {  	[dreg:$0x3] =	wrdreg s15  }
0xb6: {  	[dreg:$0x4] =	wrdreg s24  }
0xb7: {  	[dreg:$0x5] =	wrdreg $0xAF000  }
0xb8: {  	[dreg:$0x6] =	wrdreg $0xFE000  }
0xb9: {  	[dreg:$0x7] =	wrdreg $0x9  }
0xba: {  	_ =	task.clear_ibuf [dreg:s8], $0x8FFFF;
	_ =	strace $0x90000046  }
0xbb: {  	s29 =	simm.s32 $0x9;
	_ =	strace $0x80000048  }
0xbc: {  	_ =	swait.ge [sflag:s29], $0x1  }
0xbd: {  	[sflag:s29] =	ssyncadd.s32 $0xFFFFFFFF  }
0xbe: {  	_ =	strace $0x90000048  }
0xbf: {  	_ =	sfence  }
0xc0: {  	s30 =	sld [smem:$0x0];
	_ =	sdelay $0x2  }
0xc1: {  	s31 =	sshll.u32 s1, $0xD;
	s1 =	sshrl.u32 s1, $0x2  }
0xc2: {  	s3 =	sand.u32 $0x4000, s31;
	s1 =	sadd.s32 s1, s30  }
0xc3: {  	s0 =	sor.u32 s3, s0;
	s1 =	sshll.u32 s1, $0x11  }
0xc4: {  	s0 =	sor.u32 s1, s0  }
0xc5: {  	s0 =	sadd.s32 $0x8F2B, s0  }
0xc6: {  	[sflag:s0] =	ssyncadd.remote.s32 $0x1  }
0xc7: {  	_ =	sfence.sel $0xFFFF  }
0xc8: {  	[dreg:$0x0] =	wrdreg $0xFFFFFFFF;
	(pc) =	sbr.abs _section_cstart, $3  }
0xc9: {  	[dreg:$0x1] =	wrdreg $0xFFFFFFFF  }
0xca: {  	_ =	task.clear_ibuf [dreg:s8], $0x2FFFF;
	_ =	strace $0x9FFFFFFF  }
0xcb: {  	(tm) =	ssettm $0x7FFFFFFF  }
tec
execute0_lowered:
.L_overlay_start_1:
0x0: {  	(tag) =	ssettag $0x1  }
0x1: {  	s0 =	rddreg [dreg:$0x0]  }
0x2: {  	s3 =	rddreg [dreg:$0x1]  }
0x3: {  	s4 =	rddreg [dreg:$0x2]  }
0x4: {  	s1 =	rddreg [dreg:$0x3]  }
0x5: {  	s2 =	rddreg [dreg:$0x4];
	s5 =	srdreg.scid  }
0x6: {  	s6 =	simm.s32 $0x0;
	s14 =	stileid.u32;
	s22 =	simm.s32 $0x7F00  }
0x7: {  	s28 =	simm.s32 $0x2;
	s31 =	simm.s32 $0x9F00;
	s8 =	smul.u32 $0x4F00, s14  }
0x8: {  	s29 =	simm.s32 $0x9;
	s30 =	simm.s32 $0xC;
	s10 =	smul.u32 $0x4E20, s14  }
0x9: {  	s5 =	sand.u32 $0x1, s5;
	[smem:$0x7FF] =	sst s6;
	s16 =	smul.u32 $0x9C00, s14  }
0xa: {  	s7 =	sadd.s32 $0x1000, s4;
	s9 =	sshll.u32 s14, $0x6;
	s17 =	smul.u32 $0x1380, s14  }
0xb: {  	s13 =	sshll.u32 s14, $0x5;
	p1 =	sgt.u32 s14, $0x3;
	s23 =	smul.u32 $0x9E00, s5  }
0xc: {  	_ =	strace $0x80000047;
	[dreg:$0x6] =	wrdreg s7;
	s24 =	ssub.s32 $0x2, s5  }
0xd: {  	s6 =	sor.u32 $0x1C0D, s9;
	p0 =	seq.s32 s5, $0x1;
	s18 =	sadd.s32 s13, s3  }
0xe: {  	s13 =	simm.s32 $0xD;
	s9 =	simm.s32 $0x8;
	s25 =	sshrl.u32 s24, $0x1  }
0xf: {  	s12 =	sadd.s32 s8, s1;
	s26 =	sadd.s32 s10, s2;
	s15 =	sshrl.u32 s10, $0x3  }
0x10: {  	s10 =	sshrl.u32 s16, $0x3;
	s19 =	sadd.s32 $0x13800, s18;
	s16 =	simm.s32 $0x4F00  }
0x11: {  	s18 =	simm.s32 $0x5F00;
	s4 =	sadd.s32 s23, s4;
	s11 =	ssub.s32 s24, s25  }
0x12: {  	s0 =	sadd.s32 s0, s15;
	[dreg:$0x9] =	wrdreg s19;
	s20 =	sadd.s32 s3, s10  }
0x13: {  	s24 =	sshrl.u32 s8, $0x3;
	s12 =	sshrl.u32 s12, $0x3;
	s26 =	sshrl.u32 s26, $0x3  }
0x14: {  	s15 =	simm.s32 $0x80;
	s23 =	simm.s32 $0x1;
	s8 =	simm.s32 $0x4  }
0x15: {  	s10 =	simm.s32 $0x5;
	s19 =	simm.s32 $0xA;
	[dreg:$0x7] =	wrdreg s0  }
0x16: {  	s0 =	sadd.s32 s3, s17;
	s21 =	sadd.s32 $0x1A00, s4;
	s25 =	smax.u32 s11, $0x1  }
.Ltmp0:
0x17: {  	[dreg:$0xc] =	wrdreg s26;
	s26 =	simm.s32 $0x8F00;
	(pc) =	sbr.rel .LBB2_1-.Ltmp0, $4  }
0x18: {  	s3 =	simm.s32 $0x7;
	s4 =	simm.s32 $0x6;
	[dreg:$0x8] =	wrdreg s0  }
0x19: {  	s17 =	simm.s32 $0x0;
	s0 =	sadd.s32 $0x9C0, s20;
	[dreg:$0xb] =	wrdreg s25  }
0x1a: {  	s20 =	simm.s32 $0x6F00;
	[dreg:$0xa] =	wrdreg s0;
	s0 =	sadd.s32 s24, s21  }
0x1b: {  	s25 =	simm.s32 $0xB;
	[dreg:$0xd] =	wrdreg s0;
	s0 =	simm.s32 $0x3  }
.LBB2_10:
0x1c: {  	_ =	swait.ge [sflag:s3], $0x1000  }
0x1d: {  	[sflag:s3] =	ssyncset.done $0x0  }
0x1e: {  	[sflag:s3] =	ssyncadd.s32 $0xFFFFF000  }
0x1f: {  	_ =	swait.ge [sflag:s9], $0x1000  }
0x20: {  	[sflag:s9] =	ssyncset.done $0x0  }
0x21: {  	[sflag:s9] =	ssyncadd.s32 $0xFFFFF000  }
0x22: {  	_ =	swait.ge [sflag:s29], $0x1000  }
0x23: {  	[sflag:s29] =	ssyncset.done $0x0  }
0x24: {  	[sflag:s29] =	ssyncadd.s32 $0xFFFFF000  }
0x25: {  	_ =	swait.ge [sflag:s19], $0x1000  }
0x26: {  	[sflag:s19] =	ssyncset.done $0x0  }
0x27: {  	[sflag:s19] =	ssyncadd.s32 $0xFFFFF000  }
0x28: {  	_ =	swait.ge [sflag:s25], $0x1000  }
0x29: {  	[sflag:s25] =	ssyncset.done $0x0  }
0x2a: {  	s5 =	simm.s32 $0xC;
	[sflag:s25] =	ssyncadd.s32 $0xFFFFF000  }
.LBB2_11:
0x2b: {  	_ =	swait.ge [sflag:s5], $0x1000  }
0x2c: {  	[sflag:s5] =	ssyncset.done $0x0  }
0x2d: {  	[sflag:s5] =	ssyncadd.s32 $0xFFFFF000  }
.LBB2_12:
0x2e: {  	[bflag:$0x0] =	sbarrier.arrive $0xFFFF  }
0x2f: {  	s5 =	rddreg [dreg:$0xd]  }
0x30: {  	[hbm:s5], [sflag:s6] =	dma.local [spmem:s12], $0x9E0  }
0x31: {  	_ =	swait.ge [sflag:s13], $0x9E0  }
0x32: {  	s17 =	sadd.s32 $0x1, s17;
	s24 =	rddreg [dreg:$0xb]  }
0x33: {  	p2 =	sne.s32 s17, s24  }
.Ltmp1:
0x34: {  	_ = 	snop;
	(pc) =	sbr.rel @!p2 .LBB2_13-.Ltmp1, $3  }
0x35: {  	_ =	sdelay $0x1  }
0x36: {  	[sflag:s13] =	ssyncset.done $0x0  }
0x37: {  	[sflag:s13] =	ssyncadd.s32 $0xFFFFF620  }
.LBB2_1:
0x38: {  	s5 =	rddreg [dreg:$0x6]  }
0x39: {  	[spmem:s12], [sflag:s6] =	dma.local [hbm:s5], $0x9E0  }
0x3a: {  	_ =	swait.ge [sflag:s13], $0x9E0  }
0x3b: {  	[sflag:s13] =	ssyncset.done $0x0;
	s24 =	rddreg [dreg:$0x7]  }
.Ltmp2:
0x3c: {  	s7 =	rddreg [dreg:$0xc];
	[sflag:s13] =	ssyncadd.s32 $0xFFFFF620;
	(pc) =	sbr.rel @!p0 .LBB2_2-.Ltmp2, $4  }
0x3d: {  	[spmem:s7], [sflag:s6] =	dma.local [hbm:s24], $0x9C4  }
0x3e: {  	_ =	swait.ge [sflag:s13], $0x9C4  }
0x3f: {  	[sflag:s13] =	ssyncset.done $0x0  }
0x40: {  	[sflag:s13] =	ssyncadd.s32 $0xFFFFF63C  }
0x41: {  	s21 =	simm.s32 $0x0;
	s5 =	rddreg [dreg:$0xa]  }
0x42: {  	[tilespmem:s21], [sflag:$0xD] =	stream.linear.gather [hbm4b:s5+s21], $0x4E00, $0x38;
	[tilespmem:$0x14D00] =	vst v63  }
0x43: {  	_ =	swait.ge [sflag:s13], $0x4E00  }
0x44: {  	[sflag:s13] =	ssyncset.done $0x0  }
0x45: {  	[sflag:s13] =	ssyncadd.s32 $0xFFFFB200  }
0x46: {  	[bflag:$0x0] =	sbarrier.arrive $0xFFFF  }
0x47: {  	[tilespmem:s16], [sflag:$0x1] =	stream.indirect.gather [spmem:s2], $0x20, s21, s15, $0xb8;
	[tilespmem:$0x14D00] =	vst v63  }
0x48: {  	s14 =	simm.s32 $0x100  }
0x49: {  	[tilespmem:s18], [sflag:$0x2] =	stream.indirect.gather [spmem:s2], $0x20, s14, s15, $0xb8;
	[tilespmem:$0x14D00] =	vst v63  }
0x4a: {  	s24 =	simm.s32 $0x200  }
0x4b: {  	[tilespmem:s20], [sflag:$0x3] =	stream.indirect.gather [spmem:s2], $0x20, s24, s15, $0xb8;
	[tilespmem:$0x14D00] =	vst v63  }
0x4c: {  	s7 =	simm.s32 $0x300  }
0x4d: {  	[tilespmem:s22], [sflag:$0x4] =	stream.indirect.gather [spmem:s2], $0x20, s7, s15, $0xb8;
	[tilespmem:$0x14D00] =	vst v63  }
0x4e: {  	_ =	swait.ge [sflag:s23], $0x1000  }
0x4f: {  	[sflag:s23] =	ssyncset.done $0x0  }
0x50: {  	[sflag:s23] =	ssyncadd.s32 $0xFFFFF000  }
0x51: {  	[spmem:s1] =	stream.indirect.scatter.add.f32 [tilespmem:s16], [sflag:$0x7], $0x20, s15, s15, $0xb8;
	[tilespmem:$0x14D00] =	vst v63  }
0x52: {  	s11 =	simm.s32 $0x400  }
0x53: {  	[tilespmem:s26], [sflag:$0x5] =	stream.indirect.gather [spmem:s2], $0x20, s11, s15, $0xb8;
	[tilespmem:$0x14D00] =	vst v63  }
0x54: {  	_ =	swait.ge [sflag:s28], $0x1000  }
0x55: {  	[sflag:s28] =	ssyncset.done $0x0  }
0x56: {  	s14 =	simm.s32 $0x180;
	[sflag:s28] =	ssyncadd.s32 $0xFFFFF000  }
0x57: {  	[spmem:s1] =	stream.indirect.scatter.add.f32 [tilespmem:s18], [sflag:$0x8], $0x20, s14, s15, $0xb8;
	[tilespmem:$0x14D00] =	vst v63  }
0x58: {  	s24 =	simm.s32 $0x500  }
0x59: {  	[tilespmem:s31], [sflag:$0x6] =	stream.indirect.gather [spmem:s2], $0x20, s24, s15, $0xb8;
	[tilespmem:$0x14D00] =	vst v63  }
0x5a: {  	_ =	swait.ge [sflag:s0], $0x1000  }
0x5b: {  	[sflag:s0] =	ssyncset.done $0x0  }
0x5c: {  	s7 =	simm.s32 $0x280;
	[sflag:s0] =	ssyncadd.s32 $0xFFFFF000  }
0x5d: {  	[spmem:s1] =	stream.indirect.scatter.add.f32 [tilespmem:s20], [sflag:$0x9], $0x20, s7, s15, $0xb8;
	[tilespmem:$0x14D00] =	vst v63  }
0x5e: {  	_ =	swait.ge [sflag:s3], $0x1000  }
0x5f: {  	[sflag:s3] =	ssyncset.done $0x0  }
0x60: {  	s11 =	simm.s32 $0x600;
	[sflag:s3] =	ssyncadd.s32 $0xFFFFF000  }
0x61: {  	[tilespmem:s16], [sflag:$0x1] =	stream.indirect.gather [spmem:s2], $0x20, s11, s15, $0xb8;
	[tilespmem:$0x14D00] =	vst v63  }
0x62: {  	_ =	swait.ge [sflag:s8], $0x1000  }
0x63: {  	[sflag:s8] =	ssyncset.done $0x0  }
0x64: {  	s14 =	simm.s32 $0x380;
	[sflag:s8] =	ssyncadd.s32 $0xFFFFF000  }
0x65: {  	[spmem:s1] =	stream.indirect.scatter.add.f32 [tilespmem:s22], [sflag:$0xA], $0x20, s14, s15, $0xb8;
	[tilespmem:$0x14D00] =	vst v63  }
0x66: {  	_ =	swait.ge [sflag:s9], $0x1000  }
0x67: {  	[sflag:s9] =	ssyncset.done $0x0  }
0x68: {  	s24 =	simm.s32 $0x700;
	[sflag:s9] =	ssyncadd.s32 $0xFFFFF000  }
0x69: {  	[tilespmem:s18], [sflag:$0x2] =	stream.indirect.gather [spmem:s2], $0x20, s24, s15, $0xb8;
	[tilespmem:$0x14D00] =	vst v63  }
0x6a: {  	_ =	swait.ge [sflag:s10], $0x1000  }
0x6b: {  	[sflag:s10] =	ssyncset.done $0x0  }
0x6c: {  	s7 =	simm.s32 $0x480;
	[sflag:s10] =	ssyncadd.s32 $0xFFFFF000  }
0x6d: {  	[spmem:s1] =	stream.indirect.scatter.add.f32 [tilespmem:s26], [sflag:$0xB], $0x20, s7, s15, $0xb8;
	[tilespmem:$0x14D00] =	vst v63  }
0x6e: {  	_ =	swait.ge [sflag:s29], $0x1000  }
0x6f: {  	[sflag:s29] =	ssyncset.done $0x0  }
0x70: {  	s11 =	simm.s32 $0x800;
	[sflag:s29] =	ssyncadd.s32 $0xFFFFF000  }
0x71: {  	[tilespmem:s20], [sflag:$0x3] =	stream.indirect.gather [spmem:s2], $0x20, s11, s15, $0xb8;
	[tilespmem:$0x14D00] =	vst v63  }
0x72: {  	_ =	swait.ge [sflag:s4], $0x1000  }
0x73: {  	[sflag:s4] =	ssyncset.done $0x0  }
0x74: {  	s14 =	simm.s32 $0x580;
	[sflag:s4] =	ssyncadd.s32 $0xFFFFF000  }
0x75: {  	[spmem:s1] =	stream.indirect.scatter.add.f32 [tilespmem:s31], [sflag:$0xC], $0x20, s14, s15, $0xb8;
	[tilespmem:$0x14D00] =	vst v63  }
0x76: {  	_ =	swait.ge [sflag:s19], $0x1000  }
0x77: {  	[sflag:s19] =	ssyncset.done $0x0  }
0x78: {  	s24 =	simm.s32 $0x900;
	[sflag:s19] =	ssyncadd.s32 $0xFFFFF000  }
0x79: {  	[tilespmem:s22], [sflag:$0x4] =	stream.indirect.gather [spmem:s2], $0x20, s24, s15, $0xb8;
	[tilespmem:$0x14D00] =	vst v63  }
.LBB2_8:
0x7a: {  	_ =	swait.ge [sflag:s23], $0x1000  }
0x7b: {  	s5 =	sshra.s32 s21, $0x2;
	[sflag:s23] =	ssyncset.done $0x0  }
0x7c: {  	s7 =	sadd.s32 $0x680, s5;
	[sflag:s23] =	ssyncadd.s32 $0xFFFFF000  }
0x7d: {  	[spmem:s1] =	stream.indirect.scatter.add.f32 [tilespmem:s16], [sflag:$0x7], $0x20, s7, s15, $0xb8;
	[tilespmem:$0x14D00] =	vst v63  }
0x7e: {  	_ =	swait.ge [sflag:s25], $0x1000  }
0x7f: {  	[sflag:s25] =	ssyncset.done $0x0  }
0x80: {  	s14 =	sadd.s32 $0xA00, s5;
	[sflag:s25] =	ssyncadd.s32 $0xFFFFF000  }
0x81: {  	[tilespmem:s26], [sflag:$0x5] =	stream.indirect.gather [spmem:s2], $0x20, s14, s15, $0xb8;
	[tilespmem:$0x14D00] =	vst v63  }
0x82: {  	_ =	swait.ge [sflag:s28], $0x1000  }
0x83: {  	[sflag:s28] =	ssyncset.done $0x0  }
0x84: {  	s24 =	sadd.s32 $0x780, s5;
	[sflag:s28] =	ssyncadd.s32 $0xFFFFF000  }
0x85: {  	[spmem:s1] =	stream.indirect.scatter.add.f32 [tilespmem:s18], [sflag:$0x8], $0x20, s24, s15, $0xb8;
	[tilespmem:$0x14D00] =	vst v63  }
0x86: {  	_ =	swait.ge [sflag:s30], $0x1000  }
0x87: {  	[sflag:s30] =	ssyncset.done $0x0  }
0x88: {  	s11 =	sadd.s32 $0xB00, s5;
	[sflag:s30] =	ssyncadd.s32 $0xFFFFF000  }
0x89: {  	[tilespmem:s31], [sflag:$0x6] =	stream.indirect.gather [spmem:s2], $0x20, s11, s15, $0xb8;
	[tilespmem:$0x14D00] =	vst v63  }
0x8a: {  	_ =	swait.ge [sflag:s0], $0x1000  }
0x8b: {  	p2 =	seq.s32 s21, $0x10800;
	[sflag:s0] =	ssyncset.done $0x0  }
0x8c: {  	s7 =	simm.s32 @p2 $0x4;
	s14 =	sadd.s32 $0x880, s5;
	[sflag:s0] =	ssyncadd.s32 $0xFFFFF000  }
0x8d: {  	[spmem:s1] =	stream.indirect.scatter.add.f32 [tilespmem:s20], [sflag:$0x9], $0x20, s14, s15, $0xb8;
	[tilespmem:$0x14D00] =	vst v63  }
0x8e: {  	_ =	swait.ge @p2 [sflag:s7], $0x1000  }
0x8f: {  	[sflag:s7] =	ssyncset.done @p2 $0x0  }
0x90: {  	[sflag:s7] =	ssyncadd.s32 @p2 $0xFFFFF000;
	s7 =	sshra.s32 @p2 s21, $0x2  }
0x91: {  	s24 =	simm.s32 @p2 $0x7F00;
	s14 =	simm.s32 @p2 $0x80;
	s11 =	sadd.s32 @p2 $0x980, s7  }
0x92: {  	[spmem:s1] =	stream.indirect.scatter.add.f32 @p2 [tilespmem:s24], [sflag:$0xA], $0x20, s11, s14, $0xb8;
	[tilespmem:$0x14D00] =	vst v63  }
0x93: {  	s11 =	simm.s32 @p2 $0x5  }
0x94: {  	_ =	swait.ge @p2 [sflag:s11], $0x1000  }
0x95: {  	[sflag:s11] =	ssyncset.done @p2 $0x0  }
0x96: {  	s7 =	sadd.s32 @p2 $0xA80, s7;
	[sflag:s11] =	ssyncadd.s32 @p2 $0xFFFFF000;
	s11 =	simm.s32 @p2 $0x8F00  }
0x97: {  	[spmem:s1] =	stream.indirect.scatter.add.f32 @p2 [tilespmem:s11], [sflag:$0xB], $0x20, s7, s14, $0xb8;
	[tilespmem:$0x14D00] =	vst v63  }
0x98: {  	s7 =	simm.s32 @!p2 $0x7  }
0x99: {  	_ =	swait.ge @!p2 [sflag:s7], $0x1000  }
0x9a: {  	[sflag:s7] =	ssyncset.done @!p2 $0x0  }
0x9b: {  	[sflag:s7] =	ssyncadd.s32 @!p2 $0xFFFFF000;
	s7 =	sshra.s32 @!p2 s21, $0x2  }
0x9c: {  	s24 =	simm.s32 @!p2 $0x4F00;
	s14 =	simm.s32 @!p2 $0x80;
	s11 =	sadd.s32 @!p2 $0xC00, s7  }
0x9d: {  	[tilespmem:s24], [sflag:$0x1] =	stream.indirect.gather @!p2 [spmem:s2], $0x20, s11, s14, $0xb8;
	[tilespmem:$0x14D00] =	vst v63  }
0x9e: {  	s11 =	simm.s32 @!p2 $0x4  }
0x9f: {  	_ =	swait.ge @!p2 [sflag:s11], $0x1000  }
0xa0: {  	[sflag:s11] =	ssyncset.done @!p2 $0x0  }
0xa1: {  	s24 =	simm.s32 @!p2 $0x7F00;
	[sflag:s11] =	ssyncadd.s32 @!p2 $0xFFFFF000;
	s11 =	sadd.s32 @!p2 $0x980, s7  }
0xa2: {  	[spmem:s1] =	stream.indirect.scatter.add.f32 @!p2 [tilespmem:s24], [sflag:$0xA], $0x20, s11, s14, $0xb8;
	[tilespmem:$0x14D00] =	vst v63  }
0xa3: {  	s11 =	simm.s32 @!p2 $0x8  }
0xa4: {  	_ =	swait.ge @!p2 [sflag:s11], $0x1000  }
0xa5: {  	[sflag:s11] =	ssyncset.done @!p2 $0x0  }
0xa6: {  	s24 =	simm.s32 @!p2 $0x5F00;
	[sflag:s11] =	ssyncadd.s32 @!p2 $0xFFFFF000;
	s11 =	sadd.s32 @!p2 $0xD00, s7  }
0xa7: {  	[tilespmem:s24], [sflag:$0x2] =	stream.indirect.gather @!p2 [spmem:s2], $0x20, s11, s14, $0xb8;
	[tilespmem:$0x14D00] =	vst v63  }
0xa8: {  	s11 =	simm.s32 @!p2 $0x5  }
0xa9: {  	_ =	swait.ge @!p2 [sflag:s11], $0x1000  }
0xaa: {  	[sflag:s11] =	ssyncset.done @!p2 $0x0  }
0xab: {  	s24 =	simm.s32 @!p2 $0x8F00;
	[sflag:s11] =	ssyncadd.s32 @!p2 $0xFFFFF000;
	s11 =	sadd.s32 @!p2 $0xA80, s7  }
0xac: {  	[spmem:s1] =	stream.indirect.scatter.add.f32 @!p2 [tilespmem:s24], [sflag:$0xB], $0x20, s11, s14, $0xb8;
	[tilespmem:$0x14D00] =	vst v63  }
0xad: {  	s11 =	simm.s32 @!p2 $0x9  }
0xae: {  	_ =	swait.ge @!p2 [sflag:s11], $0x1000  }
0xaf: {  	[sflag:s11] =	ssyncset.done @!p2 $0x0  }
0xb0: {  	s7 =	sadd.s32 @!p2 $0xE00, s7;
	[sflag:s11] =	ssyncadd.s32 @!p2 $0xFFFFF000;
	s11 =	simm.s32 @!p2 $0x6F00  }
0xb1: {  	[tilespmem:s11], [sflag:$0x3] =	stream.indirect.gather @!p2 [spmem:s2], $0x20, s7, s14, $0xb8;
	[tilespmem:$0x14D00] =	vst v63  }
.Ltmp3:
0xb2: {  	_ = 	snop;
	(pc) =	sbr.rel @p2 .LBB2_10-.Ltmp3, $4  }
0xb3: {  	_ =	swait.ge [sflag:s4], $0x1000  }
0xb4: {  	[sflag:s4] =	ssyncset.done $0x0  }
0xb5: {  	s24 =	sadd.s32 $0xB80, s5;
	[sflag:s4] =	ssyncadd.s32 $0xFFFFF000  }
0xb6: {  	[spmem:s1] =	stream.indirect.scatter.add.f32 [tilespmem:s31], [sflag:$0xC], $0x20, s24, s15, $0xb8;
	[tilespmem:$0x14D00] =	vst v63  }
.Ltmp4:
0xb7: {  	(pc) =	sbr.rel .LBB2_8-.Ltmp4, $4  }
0xb8: {  	_ =	swait.ge [sflag:s19], $0x1000  }
0xb9: {  	[sflag:s19] =	ssyncset.done $0x0  }
0xba: {  	s5 =	sadd.s32 $0xF00, s5;
	s21 =	sadd.s32 $0x1800, s21;
	[sflag:s19] =	ssyncadd.s32 $0xFFFFF000  }
0xbb: {  	[tilespmem:s22], [sflag:$0x4] =	stream.indirect.gather [spmem:s2], $0x20, s5, s15, $0xb8;
	[tilespmem:$0x14D00] =	vst v63  }
.LBB2_2:
0xbc: {  	s5 =	simm.s32 $0x0;
	s7 =	rddreg [dreg:$0x8]  }
0xbd: {  	[tilespmem:s5], [sflag:$0xD] =	stream.linear.gather [hbm4b:s7+s5], $0x4E00, $0x38;
	[tilespmem:$0x14D00] =	vst v63  }
0xbe: {  	_ =	swait.ge [sflag:s13], $0x4E00  }
0xbf: {  	s21 =	simm.s32 @!p1 $0x4E00;
	[sflag:s13] =	ssyncset.done $0x0  }
0xc0: {  	s5 =	simm.s32 @!p1 $0x0;
	s7 =	rddreg [dreg:$0x9];
	[sflag:s13] =	ssyncadd.s32 $0xFFFFB200  }
0xc1: {  	[tilespmem:s21], [sflag:$0xD] =	stream.linear.gather @!p1 [hbm4b:s7+s5], $0x100, $0x38;
	[tilespmem:$0x14D00] =	vst v63  }
0xc2: {  	s5 =	simm.s32 @!p1 $0xD  }
0xc3: {  	_ =	swait.ge @!p1 [sflag:s5], $0x100  }
0xc4: {  	[sflag:s5] =	ssyncset.done @!p1 $0x0  }
0xc5: {  	[sflag:s5] =	ssyncadd.s32 @!p1 $0xFFFFFF00  }
0xc6: {  	s21 =	simm.s32 $0x0;
	[bflag:$0x0] =	sbarrier.arrive $0xFFFF  }
0xc7: {  	[tilespmem:s16], [sflag:$0x1] =	stream.indirect.gather [spmem:s2], $0x20, s21, s15, $0xb8;
	[tilespmem:$0x14D00] =	vst v63  }
0xc8: {  	s14 =	simm.s32 $0x100  }
0xc9: {  	[tilespmem:s18], [sflag:$0x2] =	stream.indirect.gather [spmem:s2], $0x20, s14, s15, $0xb8;
	[tilespmem:$0x14D00] =	vst v63  }
0xca: {  	s24 =	simm.s32 $0x200  }
0xcb: {  	[tilespmem:s20], [sflag:$0x3] =	stream.indirect.gather [spmem:s2], $0x20, s24, s15, $0xb8;
	[tilespmem:$0x14D00] =	vst v63  }
0xcc: {  	s7 =	simm.s32 $0x300  }
0xcd: {  	[tilespmem:s22], [sflag:$0x4] =	stream.indirect.gather [spmem:s2], $0x20, s7, s15, $0xb8;
	[tilespmem:$0x14D00] =	vst v63  }
0xce: {  	_ =	swait.ge [sflag:s23], $0x1000  }
0xcf: {  	[sflag:s23] =	ssyncset.done $0x0  }
0xd0: {  	[sflag:s23] =	ssyncadd.s32 $0xFFFFF000  }
0xd1: {  	[spmem:s1] =	stream.indirect.scatter.add.f32 [tilespmem:s16], [sflag:$0x7], $0x20, s15, s15, $0xb8;
	[tilespmem:$0x14D00] =	vst v63  }
0xd2: {  	s11 =	simm.s32 $0x400  }
0xd3: {  	[tilespmem:s26], [sflag:$0x5] =	stream.indirect.gather [spmem:s2], $0x20, s11, s15, $0xb8;
	[tilespmem:$0x14D00] =	vst v63  }
0xd4: {  	_ =	swait.ge [sflag:s28], $0x1000  }
0xd5: {  	[sflag:s28] =	ssyncset.done $0x0  }
0xd6: {  	s14 =	simm.s32 $0x180;
	[sflag:s28] =	ssyncadd.s32 $0xFFFFF000  }
0xd7: {  	[spmem:s1] =	stream.indirect.scatter.add.f32 [tilespmem:s18], [sflag:$0x8], $0x20, s14, s15, $0xb8;
	[tilespmem:$0x14D00] =	vst v63  }
0xd8: {  	s24 =	simm.s32 $0x500  }
0xd9: {  	[tilespmem:s31], [sflag:$0x6] =	stream.indirect.gather [spmem:s2], $0x20, s24, s15, $0xb8;
	[tilespmem:$0x14D00] =	vst v63  }
0xda: {  	_ =	swait.ge [sflag:s0], $0x1000  }
0xdb: {  	[sflag:s0] =	ssyncset.done $0x0  }
0xdc: {  	s7 =	simm.s32 $0x280;
	[sflag:s0] =	ssyncadd.s32 $0xFFFFF000  }
0xdd: {  	[spmem:s1] =	stream.indirect.scatter.add.f32 [tilespmem:s20], [sflag:$0x9], $0x20, s7, s15, $0xb8;
	[tilespmem:$0x14D00] =	vst v63  }
0xde: {  	_ =	swait.ge [sflag:s3], $0x1000  }
0xdf: {  	[sflag:s3] =	ssyncset.done $0x0  }
0xe0: {  	s11 =	simm.s32 $0x600;
	[sflag:s3] =	ssyncadd.s32 $0xFFFFF000  }
0xe1: {  	[tilespmem:s16], [sflag:$0x1] =	stream.indirect.gather [spmem:s2], $0x20, s11, s15, $0xb8;
	[tilespmem:$0x14D00] =	vst v63  }
0xe2: {  	_ =	swait.ge [sflag:s8], $0x1000  }
0xe3: {  	[sflag:s8] =	ssyncset.done $0x0  }
0xe4: {  	s14 =	simm.s32 $0x380;
	[sflag:s8] =	ssyncadd.s32 $0xFFFFF000  }
0xe5: {  	[spmem:s1] =	stream.indirect.scatter.add.f32 [tilespmem:s22], [sflag:$0xA], $0x20, s14, s15, $0xb8;
	[tilespmem:$0x14D00] =	vst v63  }
0xe6: {  	_ =	swait.ge [sflag:s9], $0x1000  }
0xe7: {  	[sflag:s9] =	ssyncset.done $0x0  }
0xe8: {  	s24 =	simm.s32 $0x700;
	[sflag:s9] =	ssyncadd.s32 $0xFFFFF000  }
0xe9: {  	[tilespmem:s18], [sflag:$0x2] =	stream.indirect.gather [spmem:s2], $0x20, s24, s15, $0xb8;
	[tilespmem:$0x14D00] =	vst v63  }
0xea: {  	_ =	swait.ge [sflag:s10], $0x1000  }
0xeb: {  	[sflag:s10] =	ssyncset.done $0x0  }
0xec: {  	s7 =	simm.s32 $0x480;
	[sflag:s10] =	ssyncadd.s32 $0xFFFFF000  }
0xed: {  	[spmem:s1] =	stream.indirect.scatter.add.f32 [tilespmem:s26], [sflag:$0xB], $0x20, s7, s15, $0xb8;
	[tilespmem:$0x14D00] =	vst v63  }
0xee: {  	_ =	swait.ge [sflag:s29], $0x1000  }
0xef: {  	[sflag:s29] =	ssyncset.done $0x0  }
0xf0: {  	s11 =	simm.s32 $0x800;
	[sflag:s29] =	ssyncadd.s32 $0xFFFFF000  }
0xf1: {  	[tilespmem:s20], [sflag:$0x3] =	stream.indirect.gather [spmem:s2], $0x20, s11, s15, $0xb8;
	[tilespmem:$0x14D00] =	vst v63  }
0xf2: {  	_ =	swait.ge [sflag:s4], $0x1000  }
0xf3: {  	[sflag:s4] =	ssyncset.done $0x0  }
0xf4: {  	s14 =	simm.s32 $0x580;
	[sflag:s4] =	ssyncadd.s32 $0xFFFFF000  }
0xf5: {  	[spmem:s1] =	stream.indirect.scatter.add.f32 [tilespmem:s31], [sflag:$0xC], $0x20, s14, s15, $0xb8;
	[tilespmem:$0x14D00] =	vst v63  }
0xf6: {  	_ =	swait.ge [sflag:s19], $0x1000  }
0xf7: {  	[sflag:s19] =	ssyncset.done $0x0  }
0xf8: {  	s24 =	simm.s32 $0x900;
	[sflag:s19] =	ssyncadd.s32 $0xFFFFF000  }
0xf9: {  	[tilespmem:s22], [sflag:$0x4] =	stream.indirect.gather [spmem:s2], $0x20, s24, s15, $0xb8;
	[tilespmem:$0x14D00] =	vst v63  }
.LBB2_3:
0xfa: {  	_ =	swait.ge [sflag:s23], $0x1000  }
0xfb: {  	s5 =	sshra.s32 s21, $0x2;
	[sflag:s23] =	ssyncset.done $0x0  }
0xfc: {  	s7 =	sadd.s32 $0x680, s5;
	[sflag:s23] =	ssyncadd.s32 $0xFFFFF000  }
0xfd: {  	[spmem:s1] =	stream.indirect.scatter.add.f32 [tilespmem:s16], [sflag:$0x7], $0x20, s7, s15, $0xb8;
	[tilespmem:$0x14D00] =	vst v63  }
0xfe: {  	_ =	swait.ge [sflag:s25], $0x1000  }
0xff: {  	[sflag:s25] =	ssyncset.done $0x0  }
0x100: {  	s14 =	sadd.s32 $0xA00, s5;
	[sflag:s25] =	ssyncadd.s32 $0xFFFFF000  }
0x101: {  	[tilespmem:s26], [sflag:$0x5] =	stream.indirect.gather [spmem:s2], $0x20, s14, s15, $0xb8;
	[tilespmem:$0x14D00] =	vst v63  }
0x102: {  	_ =	swait.ge [sflag:s28], $0x1000  }
0x103: {  	[sflag:s28] =	ssyncset.done $0x0  }
0x104: {  	s24 =	sadd.s32 $0x780, s5;
	[sflag:s28] =	ssyncadd.s32 $0xFFFFF000  }
0x105: {  	[spmem:s1] =	stream.indirect.scatter.add.f32 [tilespmem:s18], [sflag:$0x8], $0x20, s24, s15, $0xb8;
	[tilespmem:$0x14D00] =	vst v63  }
0x106: {  	_ =	swait.ge [sflag:s30], $0x1000  }
0x107: {  	[sflag:s30] =	ssyncset.done $0x0  }
0x108: {  	s11 =	sadd.s32 $0xB00, s5;
	[sflag:s30] =	ssyncadd.s32 $0xFFFFF000  }
0x109: {  	[tilespmem:s31], [sflag:$0x6] =	stream.indirect.gather [spmem:s2], $0x20, s11, s15, $0xb8;
	[tilespmem:$0x14D00] =	vst v63  }
0x10a: {  	_ =	swait.ge [sflag:s0], $0x1000  }
0x10b: {  	p2 =	seq.s32 s21, $0x10800;
	[sflag:s0] =	ssyncset.done $0x0  }
0x10c: {  	s7 =	simm.s32 @p2 $0x4;
	s14 =	sadd.s32 $0x880, s5;
	[sflag:s0] =	ssyncadd.s32 $0xFFFFF000  }
0x10d: {  	[spmem:s1] =	stream.indirect.scatter.add.f32 [tilespmem:s20], [sflag:$0x9], $0x20, s14, s15, $0xb8;
	[tilespmem:$0x14D00] =	vst v63  }
0x10e: {  	_ =	swait.ge @p2 [sflag:s7], $0x1000  }
0x10f: {  	[sflag:s7] =	ssyncset.done @p2 $0x0  }
0x110: {  	[sflag:s7] =	ssyncadd.s32 @p2 $0xFFFFF000;
	s7 =	sshra.s32 @p2 s21, $0x2  }
0x111: {  	s24 =	simm.s32 @p2 $0x7F00;
	s14 =	simm.s32 @p2 $0x80;
	s11 =	sadd.s32 @p2 $0x980, s7  }
0x112: {  	[spmem:s1] =	stream.indirect.scatter.add.f32 @p2 [tilespmem:s24], [sflag:$0xA], $0x20, s11, s14, $0xb8;
	[tilespmem:$0x14D00] =	vst v63  }
0x113: {  	s11 =	simm.s32 @p2 $0x5  }
0x114: {  	_ =	swait.ge @p2 [sflag:s11], $0x1000  }
0x115: {  	[sflag:s11] =	ssyncset.done @p2 $0x0  }
0x116: {  	s7 =	sadd.s32 @p2 $0xA80, s7;
	[sflag:s11] =	ssyncadd.s32 @p2 $0xFFFFF000;
	s11 =	simm.s32 @p2 $0x8F00  }
0x117: {  	[spmem:s1] =	stream.indirect.scatter.add.f32 @p2 [tilespmem:s11], [sflag:$0xB], $0x20, s7, s14, $0xb8;
	[tilespmem:$0x14D00] =	vst v63  }
0x118: {  	s7 =	simm.s32 @!p2 $0x7  }
0x119: {  	_ =	swait.ge @!p2 [sflag:s7], $0x1000  }
0x11a: {  	[sflag:s7] =	ssyncset.done @!p2 $0x0  }
0x11b: {  	[sflag:s7] =	ssyncadd.s32 @!p2 $0xFFFFF000;
	s7 =	sshra.s32 @!p2 s21, $0x2  }
0x11c: {  	s24 =	simm.s32 @!p2 $0x4F00;
	s14 =	simm.s32 @!p2 $0x80;
	s11 =	sadd.s32 @!p2 $0xC00, s7  }
0x11d: {  	[tilespmem:s24], [sflag:$0x1] =	stream.indirect.gather @!p2 [spmem:s2], $0x20, s11, s14, $0xb8;
	[tilespmem:$0x14D00] =	vst v63  }
0x11e: {  	s11 =	simm.s32 @!p2 $0x4  }
0x11f: {  	_ =	swait.ge @!p2 [sflag:s11], $0x1000  }
0x120: {  	[sflag:s11] =	ssyncset.done @!p2 $0x0  }
0x121: {  	s24 =	simm.s32 @!p2 $0x7F00;
	[sflag:s11] =	ssyncadd.s32 @!p2 $0xFFFFF000;
	s11 =	sadd.s32 @!p2 $0x980, s7  }
0x122: {  	[spmem:s1] =	stream.indirect.scatter.add.f32 @!p2 [tilespmem:s24], [sflag:$0xA], $0x20, s11, s14, $0xb8;
	[tilespmem:$0x14D00] =	vst v63  }
0x123: {  	s11 =	simm.s32 @!p2 $0x8  }
0x124: {  	_ =	swait.ge @!p2 [sflag:s11], $0x1000  }
0x125: {  	[sflag:s11] =	ssyncset.done @!p2 $0x0  }
0x126: {  	s24 =	simm.s32 @!p2 $0x5F00;
	[sflag:s11] =	ssyncadd.s32 @!p2 $0xFFFFF000;
	s11 =	sadd.s32 @!p2 $0xD00, s7  }
0x127: {  	[tilespmem:s24], [sflag:$0x2] =	stream.indirect.gather @!p2 [spmem:s2], $0x20, s11, s14, $0xb8;
	[tilespmem:$0x14D00] =	vst v63  }
0x128: {  	s11 =	simm.s32 @!p2 $0x5  }
0x129: {  	_ =	swait.ge @!p2 [sflag:s11], $0x1000  }
0x12a: {  	[sflag:s11] =	ssyncset.done @!p2 $0x0  }
0x12b: {  	s24 =	simm.s32 @!p2 $0x8F00;
	[sflag:s11] =	ssyncadd.s32 @!p2 $0xFFFFF000;
	s11 =	sadd.s32 @!p2 $0xA80, s7  }
0x12c: {  	[spmem:s1] =	stream.indirect.scatter.add.f32 @!p2 [tilespmem:s24], [sflag:$0xB], $0x20, s11, s14, $0xb8;
	[tilespmem:$0x14D00] =	vst v63  }
0x12d: {  	s11 =	simm.s32 @!p2 $0x9  }
0x12e: {  	_ =	swait.ge @!p2 [sflag:s11], $0x1000  }
0x12f: {  	[sflag:s11] =	ssyncset.done @!p2 $0x0  }
0x130: {  	s7 =	sadd.s32 @!p2 $0xE00, s7;
	[sflag:s11] =	ssyncadd.s32 @!p2 $0xFFFFF000;
	s11 =	simm.s32 @!p2 $0x6F00  }
0x131: {  	[tilespmem:s11], [sflag:$0x3] =	stream.indirect.gather @!p2 [spmem:s2], $0x20, s7, s14, $0xb8;
	[tilespmem:$0x14D00] =	vst v63  }
.Ltmp5:
0x132: {  	_ = 	snop;
	(pc) =	sbr.rel @p2 .LBB2_5-.Ltmp5, $4  }
0x133: {  	_ =	swait.ge [sflag:s4], $0x1000  }
0x134: {  	[sflag:s4] =	ssyncset.done $0x0  }
0x135: {  	s24 =	sadd.s32 $0xB80, s5;
	[sflag:s4] =	ssyncadd.s32 $0xFFFFF000  }
0x136: {  	[spmem:s1] =	stream.indirect.scatter.add.f32 [tilespmem:s31], [sflag:$0xC], $0x20, s24, s15, $0xb8;
	[tilespmem:$0x14D00] =	vst v63  }
.Ltmp6:
0x137: {  	(pc) =	sbr.rel .LBB2_3-.Ltmp6, $4  }
0x138: {  	_ =	swait.ge [sflag:s19], $0x1000  }
0x139: {  	[sflag:s19] =	ssyncset.done $0x0  }
0x13a: {  	s5 =	sadd.s32 $0xF00, s5;
	s21 =	sadd.s32 $0x1800, s21;
	[sflag:s19] =	ssyncadd.s32 $0xFFFFF000  }
0x13b: {  	[tilespmem:s22], [sflag:$0x4] =	stream.indirect.gather [spmem:s2], $0x20, s5, s15, $0xb8;
	[tilespmem:$0x14D00] =	vst v63  }
.LBB2_5:
0x13c: {  	_ =	swait.ge [sflag:s3], $0x1000  }
0x13d: {  	[sflag:s3] =	ssyncset.done $0x0  }
0x13e: {  	[sflag:s3] =	ssyncadd.s32 $0xFFFFF000  }
0x13f: {  	_ =	swait.ge [sflag:s9], $0x1000  }
0x140: {  	[sflag:s9] =	ssyncset.done $0x0  }
0x141: {  	[sflag:s9] =	ssyncadd.s32 $0xFFFFF000  }
0x142: {  	_ =	swait.ge [sflag:s29], $0x1000  }
0x143: {  	[sflag:s29] =	ssyncset.done $0x0  }
0x144: {  	[sflag:s29] =	ssyncadd.s32 $0xFFFFF000  }
0x145: {  	_ =	swait.ge [sflag:s19], $0x1000  }
0x146: {  	[sflag:s19] =	ssyncset.done $0x0  }
0x147: {  	[sflag:s19] =	ssyncadd.s32 $0xFFFFF000  }
0x148: {  	_ =	swait.ge [sflag:s25], $0x1000  }
.Ltmp7:
0x149: {  	[sflag:s25] =	ssyncset.done $0x0;
	(pc) =	sbr.rel @p1 .LBB2_12-.Ltmp7, $4  }
0x14a: {  	[sflag:s25] =	ssyncadd.s32 $0xFFFFF000  }
0x14b: {  	_ =	swait.ge [sflag:s30], $0x1000  }
0x14c: {  	[sflag:s30] =	ssyncset.done $0x0  }
0x14d: {  	[sflag:s30] =	ssyncadd.s32 $0xFFFFF000  }
0x14e: {  	s5 =	simm.s32 $0x4E00  }
0x14f: {  	[tilespmem:s16], [sflag:$0x1] =	stream.indirect.gather [spmem:s2], $0x20, s5, s15, $0xb8;
	[tilespmem:$0x14D00] =	vst v63  }
.Ltmp8:
0x150: {  	_ = 	snop;
	(pc) =	sbr.rel .LBB2_11-.Ltmp8, $4  }
0x151: {  	_ =	swait.ge [sflag:s23], $0x1000  }
0x152: {  	[sflag:s23] =	ssyncset.done $0x0  }
0x153: {  	s24 =	simm.s32 $0x4E80;
	s5 =	simm.s32 $0xD;
	[sflag:s23] =	ssyncadd.s32 $0xFFFFF000  }
0x154: {  	[spmem:s1] =	stream.indirect.scatter.add.f32 [tilespmem:s16], [sflag:$0xD], $0x20, s24, s15, $0xb8;
	[tilespmem:$0x14D00] =	vst v63  }
.LBB2_13:
0x155: {  	_ =	sfence.sel $0x180000  }
0x156: {  	[bflag:$0x0] =	sbarrier.arrive $0xFFFF  }
0x157: {  	_ =	strace $0x90000047  }
0x158: {  	s0 =	stileid.u32;
	[bflag:$0x2] =	sbarrier.arrive $0xFFFF  }
0x159: {  	p0 =	sne.s32 s0, $0x0;
	s0 =	rddreg [dreg:$0x5]  }
0x15a: {  	s0 =	sadd.s32 @!p0 $0x100000, s0  }
0x15b: {  	[sflag:s0] =	ssyncadd.tile.s32 @!p0 $0x1;
	_ =	shalt  }
.Lfunc_end2:
_tile_overlayer_lowered:
.L_overlay_start_2:
0x15c: {  	(tag) =	ssettag $0x2  }
0x15d: {  	s0 =	rddreg [dreg:$0x0];
	s2 =	stileid.u32  }
0x15e: {  	s1 =	rddreg [dreg:$0x1];
	p0 =	sne.s32 s2, $0x0  }
0x15f: {  	s3 =	rddreg [dreg:$0x2];
	[bflag:$0x3] =	sbarrier.arrive $0xFFFF;
	s2 =	simm.s32 @!p0 $0x1C0D  }
0x160: {  	[timem:s3], [sflag:s2] =	dma.local @!p0 [hbm:s0], s1  }
0x161: {  	s0 =	simm.s32 @!p0 $0xD  }
0x162: {  	_ =	swait.ge @!p0 [sflag:s0], s1  }
0x163: {  	s1 =	ssub.s32 @!p0 $0x0, s1;
	[sflag:s0] =	ssyncset.done @!p0 $0x0  }
0x164: {  	[sflag:s0] =	ssyncadd.s32 @!p0 s1  }
0x165: {  	[bflag:$0x3] =	sbarrier.arrive $0xFFFF  }
0x166: {  	_ =	shalt  }

</sc_bundles>
